<compile_context>
chip_gen: v7x
topology: tpu7x:2x2x1
jax: 0.10.2.dev20260603
libtpu: 0.0.44.dev20260713+nightly
codegen_flags: <defaults>
</compile_context>

<pallas_src>
import functools

import jax
import jax.numpy as jnp
from jax import lax
from jax.experimental import pallas as pl
from jax.experimental.pallas import tpu as pltpu
from jax.experimental.pallas import tpu_sc as plsc

_N = 10000
_E = 320000
_D = 128

_NC = 2
_NS = 16
_NW = _NC * _NS

_CH = 100
_EPW = _E // _NW
_NCHUNK = _EPW // _CH
_NBUF = 3
_NDST = 6
_NSTEP = 6
_NOUT = (_NCHUNK + _NSTEP - 1) // _NSTEP

_ZCH = 40
_NZC = _N // _ZCH
_ZIT = (_NZC + _NS - 1) // _NS

_OCH = 200
_NOC = _N // _OCH
_OIT = (_NOC + _NS - 1) // _NS


def _sc_agg_body(h_hbm, srcr_hbm, dstr_hbm, out_hbm,
                 rows0, rows1, rows2, zbuf,
                 src0, src1, src2, src3, src4, src5,
                 dst0, dst1, dst2, dst3, dst4, dst5,
                 acc, gsem0, gsem1, gsem2,
                 rsem0, rsem1, rsem2, rsem3, rsem4, rsem5,
                 dsem0, dsem1, dsem2, dsem3, dsem4, dsem5,
                 zsem, osem):
    c = lax.axis_index("c")
    s = lax.axis_index("s")
    wid = s * _NC + c
    rows = (rows0, rows1, rows2)
    gsems = (gsem0, gsem1, gsem2)
    srcs = (src0, src1, src2, src3, src4, src5)
    rsems = (rsem0, rsem1, rsem2, rsem3, rsem4, rsem5)
    dsts = (dst0, dst1, dst2, dst3, dst4, dst5)
    dsems = (dsem0, dsem1, dsem2, dsem3, dsem4, dsem5)

    def zf_body(i, carry):
        for j in range(_D // 16):
            zbuf[i, pl.ds(j * 16, 16)] = jnp.zeros((16,), jnp.float32)
        return carry

    lax.fori_loop(0, _ZCH, zf_body, 0)

    def zfire_body(j, carry):
        k = j * _NS + s
        @pl.when(k < _NZC)
        def _():
            pltpu.async_copy(zbuf, acc.at[pl.ds(k * _ZCH, _ZCH)], zsem)
        return carry

    lax.fori_loop(0, _ZIT, zfire_body, 0)

    for d in range(_NDST):
        pltpu.async_copy(srcr_hbm.at[wid, d], srcs[d], rsems[d])
        pltpu.async_copy(dstr_hbm.at[wid, d], dsts[d], dsems[d])
    for b in range(_NBUF):
        pltpu.make_async_copy(srcr_hbm.at[wid, b], srcs[b], rsems[b]).wait()
        pltpu.async_copy(h_hbm.at[srcs[b]], rows[b], gsems[b])

    def zdrain_body(j, carry):
        k = j * _NS + s
        @pl.when(k < _NZC)
        def _():
            pltpu.make_async_copy(zbuf, acc.at[pl.ds(k * _ZCH, _ZCH)],
                                  zsem).wait()
        return carry

    lax.fori_loop(0, _ZIT, zdrain_body, 0)
    plsc.subcore_barrier()

    def edge_body(g, carry):
        for t in range(_NSTEP):
            i = g * _NSTEP + t
            b = t % _NBUF
            d = t % _NDST
            r3 = (t + _NBUF) % _NDST
            @pl.when(i < _NCHUNK)
            def _():
                pltpu.make_async_copy(h_hbm.at[srcs[d]], rows[b],
                                      gsems[b]).wait()
                pltpu.make_async_copy(dstr_hbm.at[wid, d], dsts[d],
                                      dsems[d]).wait()
                pltpu.sync_copy(rows[b], acc.at[dsts[d]], add=True)
                @pl.when(i + _NBUF < _NCHUNK)
                def _():
                    pltpu.make_async_copy(srcr_hbm.at[wid, r3], srcs[r3],
                                          rsems[r3]).wait()
                    pltpu.async_copy(h_hbm.at[srcs[r3]], rows[b], gsems[b])
                @pl.when(i + _NDST < _NCHUNK)
                def _():
                    pltpu.async_copy(srcr_hbm.at[wid, i + _NDST], srcs[d],
                                     rsems[d])
                    pltpu.async_copy(dstr_hbm.at[wid, i + _NDST], dsts[d],
                                     dsems[d])
        return carry

    lax.fori_loop(0, _NOUT, edge_body, 0)
    plsc.subcore_barrier()

    def ofire_body(j, carry):
        k = j * _NS + s
        @pl.when(k < _NOC)
        def _():
            pltpu.async_copy(acc.at[pl.ds(k * _OCH, _OCH)],
                             out_hbm.at[c, pl.ds(k * _OCH, _OCH)], osem)
        return carry

    lax.fori_loop(0, _OIT, ofire_body, 0)

    def odrain_body(j, carry):
        k = j * _NS + s
        @pl.when(k < _NOC)
        def _():
            pltpu.make_async_copy(acc.at[pl.ds(k * _OCH, _OCH)],
                                  out_hbm.at[c, pl.ds(k * _OCH, _OCH)],
                                  osem).wait()
        return carry

    lax.fori_loop(0, _OIT, odrain_body, 0)


_sc_agg = functools.partial(
    pl.kernel,
    out_type=jax.ShapeDtypeStruct((_NC, _N, _D), jnp.float32),
    mesh=plsc.VectorSubcoreMesh(core_axis_name="c", subcore_axis_name="s"),
    scratch_types=[
        pltpu.VMEM((_CH, _D), jnp.float32),
        pltpu.VMEM((_CH, _D), jnp.float32),
        pltpu.VMEM((_CH, _D), jnp.float32),
        pltpu.VMEM((_ZCH, _D), jnp.float32),
        pltpu.VMEM((_CH,), jnp.int32),
        pltpu.VMEM((_CH,), jnp.int32),
        pltpu.VMEM((_CH,), jnp.int32),
        pltpu.VMEM((_CH,), jnp.int32),
        pltpu.VMEM((_CH,), jnp.int32),
        pltpu.VMEM((_CH,), jnp.int32),
        pltpu.VMEM((_CH,), jnp.int32),
        pltpu.VMEM((_CH,), jnp.int32),
        pltpu.VMEM((_CH,), jnp.int32),
        pltpu.VMEM((_CH,), jnp.int32),
        pltpu.VMEM((_CH,), jnp.int32),
        pltpu.VMEM((_CH,), jnp.int32),
        pltpu.VMEM_SHARED((_N, _D), jnp.float32),
        pltpu.SemaphoreType.DMA,
        pltpu.SemaphoreType.DMA,
        pltpu.SemaphoreType.DMA,
        pltpu.SemaphoreType.DMA,
        pltpu.SemaphoreType.DMA,
        pltpu.SemaphoreType.DMA,
        pltpu.SemaphoreType.DMA,
        pltpu.SemaphoreType.DMA,
        pltpu.SemaphoreType.DMA,
        pltpu.SemaphoreType.DMA,
        pltpu.SemaphoreType.DMA,
        pltpu.SemaphoreType.DMA,
        pltpu.SemaphoreType.DMA,
        pltpu.SemaphoreType.DMA,
        pltpu.SemaphoreType.DMA,
        pltpu.SemaphoreType.DMA,
        pltpu.SemaphoreType.DMA,
    ],
)(_sc_agg_body)


_BLK = 2000
_GRID = _N // _BLK


def _layer_body(relu, p_ref, b_ref, w_ref, o_ref):
    x = p_ref[0] + p_ref[1]
    w = w_ref[...]
    xh = x.astype(jnp.bfloat16)
    xl = (x - xh.astype(jnp.float32)).astype(jnp.bfloat16)
    wh = w.astype(jnp.bfloat16)
    wl = (w - wh.astype(jnp.float32)).astype(jnp.bfloat16)
    acc = jnp.dot(xh, wh, preferred_element_type=jnp.float32)
    acc = acc + jnp.dot(xh, wl, preferred_element_type=jnp.float32)
    acc = acc + jnp.dot(xl, wh, preferred_element_type=jnp.float32)
    x = acc + b_ref[...]
    if relu:
        x = jnp.maximum(x, 0.0)
    o_ref[...] = x


def _layer(p, b, w, relu):
    return pl.pallas_call(
        functools.partial(_layer_body, relu),
        grid=(_GRID,),
        in_specs=[
            pl.BlockSpec((_NC, _BLK, _D), lambda i: (0, i, 0)),
            pl.BlockSpec((1, _D), lambda i: (0, 0)),
            pl.BlockSpec((_D, _D), lambda i: (0, 0)),
        ],
        out_specs=pl.BlockSpec((_BLK, _D), lambda i: (i, 0)),
        out_shape=jax.ShapeDtypeStruct((_N, _D), jnp.float32),
    )(p, b, w)


def kernel(v0, adj_t, W1, b1, W2, b2):
    src = adj_t[0].astype(jnp.int32).reshape(_NW, _NCHUNK, _CH)
    dst = adj_t[1].astype(jnp.int32).reshape(_NW, _NCHUNK, _CH)
    b1r = b1.reshape(1, _D)
    b2r = b2.reshape(1, _D)

    p1 = _sc_agg(v0, src, dst)
    x = _layer(p1, b1r, W1, relu=True)
    p2 = _sc_agg(x, src, dst)
    return _layer(p2, b2r, W2, relu=False)

# --- scband reference (transcript-rebuilt; emitter-appended) ---
"""Pipeline reference for scband-symmetry-breaking-gnn-40862318854392 (READ-ONLY COPY).

The authoritative reference and input builder live on the scoring server;
editing this copy changes nothing except your own understanding.
"""

import jax, jax.numpy as jnp
import numpy as np

N = 10000
E = 320000
D_IN = 128
D_HID = 128

def setup_inputs(seed: int = 0) -> dict:
    key = jax.random.key(seed)
    k1, k2, k3, k4, k5, k6 = jax.random.split(key, 6)
    v0 = jax.random.normal(k1, (N, D_IN), dtype=jnp.float32)
    adj_t = jax.random.randint(k2, (2, E), 0, N, dtype=jnp.int64)
    # GCNConv linear weights (Glorot-style scale) and zero biases, per PyG defaults
    W1 = jax.random.normal(k3, (D_IN, D_HID), dtype=jnp.float32) * (1.0 / np.sqrt(D_IN))
    b1 = jnp.zeros((D_HID,), dtype=jnp.float32)
    W2 = jax.random.normal(k4, (D_HID, D_HID), dtype=jnp.float32) * (1.0 / np.sqrt(D_HID))
    b2 = jnp.zeros((D_HID,), dtype=jnp.float32)
    return {"v0": v0, "adj_t": adj_t, "W1": W1, "b1": b1, "W2": W2, "b2": b2}

def _gcn_conv_no_norm(x, src, dst, W, b, n_nodes):
    # GCNConv(normalize=False): linear transform, then sum-aggregate messages
    # from source nodes into destination nodes (no self-loops, no deg norm), then bias.
    h = x @ W
    msgs = jnp.take(h, src, axis=0)
    out = jnp.zeros((n_nodes, h.shape[1]), dtype=h.dtype).at[dst].add(msgs)
    return out + b

def reference(v0, adj_t, W1, b1, W2, b2):
    src = adj_t[0]
    dst = adj_t[1]
    x = _gcn_conv_no_norm(v0, src, dst, W1, b1, N)
    x = jax.nn.relu(x)
    out = _gcn_conv_no_norm(x, src, dst, W2, b2, N)
    return out

if __name__ == "__main__":
    import jax
    _d = setup_inputs()
    print(jax.jit(kernel)(*tuple(_d.values())))

</pallas_src>

<mosaic_0001>
#map = affine_map<(d0, d1) -> (0, 0)>
#map1 = affine_map<(d0, d1) -> (0, 0, 0)>
module attributes {stable_mosaic.version = 14 : i64} {
  func.func @_sc_agg_body(%arg0: i32, %arg1: i32, %arg2: memref<10000x128xf32, #tpu.memory_space<hbm>>, %arg3: memref<32x100x100xi32, #tpu.memory_space<hbm>>, %arg4: memref<32x100x100xi32, #tpu.memory_space<hbm>>, %arg5: memref<2x10000x128xf32, #tpu.memory_space<hbm>>, %arg6: memref<100x128xf32, #tpu.memory_space<vmem>>, %arg7: memref<100x128xf32, #tpu.memory_space<vmem>>, %arg8: memref<100x128xf32, #tpu.memory_space<vmem>>, %arg9: memref<40x128xf32, #tpu.memory_space<vmem>>, %arg10: memref<100xi32, #tpu.memory_space<vmem>>, %arg11: memref<100xi32, #tpu.memory_space<vmem>>, %arg12: memref<100xi32, #tpu.memory_space<vmem>>, %arg13: memref<100xi32, #tpu.memory_space<vmem>>, %arg14: memref<100xi32, #tpu.memory_space<vmem>>, %arg15: memref<100xi32, #tpu.memory_space<vmem>>, %arg16: memref<100xi32, #tpu.memory_space<vmem>>, %arg17: memref<100xi32, #tpu.memory_space<vmem>>, %arg18: memref<100xi32, #tpu.memory_space<vmem>>, %arg19: memref<100xi32, #tpu.memory_space<vmem>>, %arg20: memref<100xi32, #tpu.memory_space<vmem>>, %arg21: memref<100xi32, #tpu.memory_space<vmem>>, %arg22: memref<10000x128xf32, #tpu.memory_space<vmem_shared>>, %arg23: memref<!tpu.dma_semaphore, #tpu.memory_space<semaphore_mem>>, %arg24: memref<!tpu.dma_semaphore, #tpu.memory_space<semaphore_mem>>, %arg25: memref<!tpu.dma_semaphore, #tpu.memory_space<semaphore_mem>>, %arg26: memref<!tpu.dma_semaphore, #tpu.memory_space<semaphore_mem>>, %arg27: memref<!tpu.dma_semaphore, #tpu.memory_space<semaphore_mem>>, %arg28: memref<!tpu.dma_semaphore, #tpu.memory_space<semaphore_mem>>, %arg29: memref<!tpu.dma_semaphore, #tpu.memory_space<semaphore_mem>>, %arg30: memref<!tpu.dma_semaphore, #tpu.memory_space<semaphore_mem>>, %arg31: memref<!tpu.dma_semaphore, #tpu.memory_space<semaphore_mem>>, %arg32: memref<!tpu.dma_semaphore, #tpu.memory_space<semaphore_mem>>, %arg33: memref<!tpu.dma_semaphore, #tpu.memory_space<semaphore_mem>>, %arg34: memref<!tpu.dma_semaphore, #tpu.memory_space<semaphore_mem>>, %arg35: memref<!tpu.dma_semaphore, #tpu.memory_space<semaphore_mem>>, %arg36: memref<!tpu.dma_semaphore, #tpu.memory_space<semaphore_mem>>, %arg37: memref<!tpu.dma_semaphore, #tpu.memory_space<semaphore_mem>>, %arg38: memref<!tpu.dma_semaphore, #tpu.memory_space<semaphore_mem>>, %arg39: memref<!tpu.dma_semaphore, #tpu.memory_space<semaphore_mem>>) attributes {dimension_semantics = [#tpu.dimension_semantics<core_parallel>, #tpu.dimension_semantics<subcore_parallel>], iteration_bounds = array<i64: 2, 16>, scalar_prefetch = 0 : i64, scratch_operands = 34 : i64, tpu.core_type = #tpu.core_type<sc_vector_subcore>, window_params = [{transform_indices = #map}, {transform_indices = #map1}, {transform_indices = #map1}, {transform_indices = #map1}]} {
    %mul3A = arith.constant 2 : i32
    %mul3A_0 = arith.muli %arg1, %mul3A : i32
    %add3A = arith.addi %mul3A_0, %arg0 : i32
    %scan3A = arith.constant 0 : i32
    %scan3A_1 = arith.constant 0 : i32
    %scan3A_2 = arith.constant 40 : i32
    %scan3A_3 = arith.addi %scan3A_1, %scan3A_2 : i32
    %scan3A_4 = arith.constant 1 : i32
    scf.for %scan3A_149 = %scan3A_1 to %scan3A_3 step %scan3A_4  : i32 {
      %broadcast_in_dim3A = arith.constant 0.000000e+00 : f32
      %broadcast_in_dim3A_150 = vector.broadcast %broadcast_in_dim3A : f32 to vector<16xf32>
      %swap3A = arith.index_cast %scan3A_149 : i32 to index
      %swap3A_151 = arith.constant 0 : index
      %swap3A_152 = tpu.vector_load %arg9[%swap3A, %swap3A_151] {strides = array<i32>} : memref<40x128xf32, #tpu.memory_space<vmem>>, vector<1x16xf32>,
      %swap3A_153 = vector.shape_cast %swap3A_152 : vector<1x16xf32> to vector<16xf32>
      %swap3A_154 = vector.shape_cast %broadcast_in_dim3A_150 : vector<16xf32> to vector<1x16xf32>
      tpu.vector_store %arg9[%swap3A, %swap3A_151], %swap3A_154 {strides = array<i32>} : memref<40x128xf32, #tpu.memory_space<vmem>>, vector<1x16xf32>,
      %broadcast_in_dim3A_155 = arith.constant 0.000000e+00 : f32
      %broadcast_in_dim3A_156 = vector.broadcast %broadcast_in_dim3A_155 : f32 to vector<16xf32>
      %swap3A_157 = arith.index_cast %scan3A_149 : i32 to index
      %swap3A_158 = arith.constant 16 : index
      %swap3A_159 = tpu.vector_load %arg9[%swap3A_157, %swap3A_158] {strides = array<i32>} : memref<40x128xf32, #tpu.memory_space<vmem>>, vector<1x16xf32>,
      %swap3A_160 = vector.shape_cast %swap3A_159 : vector<1x16xf32> to vector<16xf32>
      %swap3A_161 = vector.shape_cast %broadcast_in_dim3A_156 : vector<16xf32> to vector<1x16xf32>
      tpu.vector_store %arg9[%swap3A_157, %swap3A_158], %swap3A_161 {strides = array<i32>} : memref<40x128xf32, #tpu.memory_space<vmem>>, vector<1x16xf32>,
      %broadcast_in_dim3A_162 = arith.constant 0.000000e+00 : f32
      %broadcast_in_dim3A_163 = vector.broadcast %broadcast_in_dim3A_162 : f32 to vector<16xf32>
      %swap3A_164 = arith.index_cast %scan3A_149 : i32 to index
      %swap3A_165 = arith.constant 32 : index
      %swap3A_166 = tpu.vector_load %arg9[%swap3A_164, %swap3A_165] {strides = array<i32>} : memref<40x128xf32, #tpu.memory_space<vmem>>, vector<1x16xf32>,
      %swap3A_167 = vector.shape_cast %swap3A_166 : vector<1x16xf32> to vector<16xf32>
      %swap3A_168 = vector.shape_cast %broadcast_in_dim3A_163 : vector<16xf32> to vector<1x16xf32>
      tpu.vector_store %arg9[%swap3A_164, %swap3A_165], %swap3A_168 {strides = array<i32>} : memref<40x128xf32, #tpu.memory_space<vmem>>, vector<1x16xf32>,
      %broadcast_in_dim3A_169 = arith.constant 0.000000e+00 : f32
      %broadcast_in_dim3A_170 = vector.broadcast %broadcast_in_dim3A_169 : f32 to vector<16xf32>
      %swap3A_171 = arith.index_cast %scan3A_149 : i32 to index
      %swap3A_172 = arith.constant 48 : index
      %swap3A_173 = tpu.vector_load %arg9[%swap3A_171, %swap3A_172] {strides = array<i32>} : memref<40x128xf32, #tpu.memory_space<vmem>>, vector<1x16xf32>,
      %swap3A_174 = vector.shape_cast %swap3A_173 : vector<1x16xf32> to vector<16xf32>
      %swap3A_175 = vector.shape_cast %broadcast_in_dim3A_170 : vector<16xf32> to vector<1x16xf32>
      tpu.vector_store %arg9[%swap3A_171, %swap3A_172], %swap3A_175 {strides = array<i32>} : memref<40x128xf32, #tpu.memory_space<vmem>>, vector<1x16xf32>,
      %broadcast_in_dim3A_176 = arith.constant 0.000000e+00 : f32
      %broadcast_in_dim3A_177 = vector.broadcast %broadcast_in_dim3A_176 : f32 to vector<16xf32>
      %swap3A_178 = arith.index_cast %scan3A_149 : i32 to index
      %swap3A_179 = arith.constant 64 : index
      %swap3A_180 = tpu.vector_load %arg9[%swap3A_178, %swap3A_179] {strides = array<i32>} : memref<40x128xf32, #tpu.memory_space<vmem>>, vector<1x16xf32>,
      %swap3A_181 = vector.shape_cast %swap3A_180 : vector<1x16xf32> to vector<16xf32>
      %swap3A_182 = vector.shape_cast %broadcast_in_dim3A_177 : vector<16xf32> to vector<1x16xf32>
      tpu.vector_store %arg9[%swap3A_178, %swap3A_179], %swap3A_182 {strides = array<i32>} : memref<40x128xf32, #tpu.memory_space<vmem>>, vector<1x16xf32>,
      %broadcast_in_dim3A_183 = arith.constant 0.000000e+00 : f32
      %broadcast_in_dim3A_184 = vector.broadcast %broadcast_in_dim3A_183 : f32 to vector<16xf32>
      %swap3A_185 = arith.index_cast %scan3A_149 : i32 to index
      %swap3A_186 = arith.constant 80 : index
      %swap3A_187 = tpu.vector_load %arg9[%swap3A_185, %swap3A_186] {strides = array<i32>} : memref<40x128xf32, #tpu.memory_space<vmem>>, vector<1x16xf32>,
      %swap3A_188 = vector.shape_cast %swap3A_187 : vector<1x16xf32> to vector<16xf32>
      %swap3A_189 = vector.shape_cast %broadcast_in_dim3A_184 : vector<16xf32> to vector<1x16xf32>
      tpu.vector_store %arg9[%swap3A_185, %swap3A_186], %swap3A_189 {strides = array<i32>} : memref<40x128xf32, #tpu.memory_space<vmem>>, vector<1x16xf32>,
      %broadcast_in_dim3A_190 = arith.constant 0.000000e+00 : f32
      %broadcast_in_dim3A_191 = vector.broadcast %broadcast_in_dim3A_190 : f32 to vector<16xf32>
      %swap3A_192 = arith.index_cast %scan3A_149 : i32 to index
      %swap3A_193 = arith.constant 96 : index
      %swap3A_194 = tpu.vector_load %arg9[%swap3A_192, %swap3A_193] {strides = array<i32>} : memref<40x128xf32, #tpu.memory_space<vmem>>, vector<1x16xf32>,
      %swap3A_195 = vector.shape_cast %swap3A_194 : vector<1x16xf32> to vector<16xf32>
      %swap3A_196 = vector.shape_cast %broadcast_in_dim3A_191 : vector<16xf32> to vector<1x16xf32>
      tpu.vector_store %arg9[%swap3A_192, %swap3A_193], %swap3A_196 {strides = array<i32>} : memref<40x128xf32, #tpu.memory_space<vmem>>, vector<1x16xf32>,
      %broadcast_in_dim3A_197 = arith.constant 0.000000e+00 : f32
      %broadcast_in_dim3A_198 = vector.broadcast %broadcast_in_dim3A_197 : f32 to vector<16xf32>
      %swap3A_199 = arith.index_cast %scan3A_149 : i32 to index
      %swap3A_200 = arith.constant 112 : index
      %swap3A_201 = tpu.vector_load %arg9[%swap3A_199, %swap3A_200] {strides = array<i32>} : memref<40x128xf32, #tpu.memory_space<vmem>>, vector<1x16xf32>,
      %swap3A_202 = vector.shape_cast %swap3A_201 : vector<1x16xf32> to vector<16xf32>
      %swap3A_203 = vector.shape_cast %broadcast_in_dim3A_198 : vector<16xf32> to vector<1x16xf32>
      tpu.vector_store %arg9[%swap3A_199, %swap3A_200], %swap3A_203 {strides = array<i32>} : memref<40x128xf32, #tpu.memory_space<vmem>>, vector<1x16xf32>,
    }
    %scan3A_5 = arith.constant 40 : i32
    %scan3A_6 = arith.constant 0 : i32
    %scan3A_7 = arith.constant 0 : i32
    %scan3A_8 = arith.constant 16 : i32
    %scan3A_9 = arith.addi %scan3A_7, %scan3A_8 : i32
    %scan3A_10 = arith.constant 1 : i32
    scf.for %scan3A_149 = %scan3A_7 to %scan3A_9 step %scan3A_10  : i32 {
      %mul3A_150 = arith.constant 16 : i32
      %mul3A_151 = arith.muli %scan3A_149, %mul3A_150 : i32
      %add3A_152 = arith.addi %mul3A_151, %arg1 : i32
      %lt3A = arith.constant 250 : i32
      %lt3A_153 = arith.cmpi slt, %add3A_152, %lt3A : i32
      %convert_element_type3A = arith.extui %lt3A_153 : i1 to i32
      %cond3A = arith.constant 0 : i32
      %cond3A_154 = arith.cmpi ne, %convert_element_type3A, %cond3A : i32
      scf.if %cond3A_154 {
        %mul3A_155 = arith.constant 40 : i32
        %mul3A_156 = arith.muli %add3A_152, %mul3A_155 : i32
        %dma_start3A_157 = arith.constant 0 : i32
        %dma_start3A_158 = tpu.memref_slice %arg22[%mul3A_156, %dma_start3A_157] : memref<10000x128xf32, #tpu.memory_space<vmem_shared>> -> memref<40x128xf32, #tpu.memory_space<vmem_shared>>
        %dma_start3A_159 = arith.constant 0 : i32
        %dma_start3A_160 = tpu.memref_slice %arg22[%mul3A_156, %dma_start3A_159] : memref<10000x128xf32, #tpu.memory_space<vmem_shared>> -> memref<40x128xf32, #tpu.memory_space<vmem_shared>>
        tpu.enqueue_dma source(%arg9 : memref<40x128xf32, #tpu.memory_space<vmem>>) target(%dma_start3A_160 : memref<40x128xf32, #tpu.memory_space<vmem_shared>>) target_semaphore(%arg38 : memref<!tpu.dma_semaphore, #tpu.memory_space<semaphore_mem>>)
      } else {
      }
    }
    %scan3A_11 = arith.constant 16 : i32
    %dma_start3A = arith.constant 0 : i32
    %dma_start3A_12 = arith.constant 0 : i32
    %dma_start3A_13 = tpu.memref_slice %arg3[%add3A, %dma_start3A, %dma_start3A_12] : memref<32x100x100xi32, #tpu.memory_space<hbm>> -> memref<1x1x100xi32, #tpu.memory_space<hbm>>
    %dma_start3A_14 = tpu.memref_squeeze %dma_start3A_13 : memref<1x1x100xi32, #tpu.memory_space<hbm>> -> memref<100xi32, #tpu.memory_space<hbm>>
    %dma_start3A_15 = arith.constant 0 : i32
    %dma_start3A_16 = tpu.memref_slice %arg3[%add3A, %dma_start3A, %dma_start3A_15] : memref<32x100x100xi32, #tpu.memory_space<hbm>> -> memref<1x1x100xi32, #tpu.memory_space<hbm>>
    %dma_start3A_17 = tpu.memref_squeeze %dma_start3A_16 : memref<1x1x100xi32, #tpu.memory_space<hbm>> -> memref<100xi32, #tpu.memory_space<hbm>>
    tpu.enqueue_dma source(%dma_start3A_17 : memref<100xi32, #tpu.memory_space<hbm>>) target(%arg10 : memref<100xi32, #tpu.memory_space<vmem>>) target_semaphore(%arg26 : memref<!tpu.dma_semaphore, #tpu.memory_space<semaphore_mem>>)
    %dma_start3A_18 = arith.constant 0 : i32
    %dma_start3A_19 = arith.constant 0 : i32
    %dma_start3A_20 = tpu.memref_slice %arg4[%add3A, %dma_start3A_18, %dma_start3A_19] : memref<32x100x100xi32, #tpu.memory_space<hbm>> -> memref<1x1x100xi32, #tpu.memory_space<hbm>>
    %dma_start3A_21 = tpu.memref_squeeze %dma_start3A_20 : memref<1x1x100xi32, #tpu.memory_space<hbm>> -> memref<100xi32, #tpu.memory_space<hbm>>
    %dma_start3A_22 = arith.constant 0 : i32
    %dma_start3A_23 = tpu.memref_slice %arg4[%add3A, %dma_start3A_18, %dma_start3A_22] : memref<32x100x100xi32, #tpu.memory_space<hbm>> -> memref<1x1x100xi32, #tpu.memory_space<hbm>>
    %dma_start3A_24 = tpu.memref_squeeze %dma_start3A_23 : memref<1x1x100xi32, #tpu.memory_space<hbm>> -> memref<100xi32, #tpu.memory_space<hbm>>
    tpu.enqueue_dma source(%dma_start3A_24 : memref<100xi32, #tpu.memory_space<hbm>>) target(%arg16 : memref<100xi32, #tpu.memory_space<vmem>>) target_semaphore(%arg32 : memref<!tpu.dma_semaphore, #tpu.memory_space<semaphore_mem>>)
    %dma_start3A_25 = arith.constant 1 : i32
    %dma_start3A_26 = arith.constant 0 : i32
    %dma_start3A_27 = tpu.memref_slice %arg3[%add3A, %dma_start3A_25, %dma_start3A_26] : memref<32x100x100xi32, #tpu.memory_space<hbm>> -> memref<1x1x100xi32, #tpu.memory_space<hbm>>
    %dma_start3A_28 = tpu.memref_squeeze %dma_start3A_27 : memref<1x1x100xi32, #tpu.memory_space<hbm>> -> memref<100xi32, #tpu.memory_space<hbm>>
    %dma_start3A_29 = arith.constant 0 : i32
    %dma_start3A_30 = tpu.memref_slice %arg3[%add3A, %dma_start3A_25, %dma_start3A_29] : memref<32x100x100xi32, #tpu.memory_space<hbm>> -> memref<1x1x100xi32, #tpu.memory_space<hbm>>
    %dma_start3A_31 = tpu.memref_squeeze %dma_start3A_30 : memref<1x1x100xi32, #tpu.memory_space<hbm>> -> memref<100xi32, #tpu.memory_space<hbm>>
    tpu.enqueue_dma source(%dma_start3A_31 : memref<100xi32, #tpu.memory_space<hbm>>) target(%arg11 : memref<100xi32, #tpu.memory_space<vmem>>) target_semaphore(%arg27 : memref<!tpu.dma_semaphore, #tpu.memory_space<semaphore_mem>>)
    %dma_start3A_32 = arith.constant 1 : i32
    %dma_start3A_33 = arith.constant 0 : i32
    %dma_start3A_34 = tpu.memref_slice %arg4[%add3A, %dma_start3A_32, %dma_start3A_33] : memref<32x100x100xi32, #tpu.memory_space<hbm>> -> memref<1x1x100xi32, #tpu.memory_space<hbm>>
    %dma_start3A_35 = tpu.memref_squeeze %dma_start3A_34 : memref<1x1x100xi32, #tpu.memory_space<hbm>> -> memref<100xi32, #tpu.memory_space<hbm>>
    %dma_start3A_36 = arith.constant 0 : i32
    %dma_start3A_37 = tpu.memref_slice %arg4[%add3A, %dma_start3A_32, %dma_start3A_36] : memref<32x100x100xi32, #tpu.memory_space<hbm>> -> memref<1x1x100xi32, #tpu.memory_space<hbm>>
    %dma_start3A_38 = tpu.memref_squeeze %dma_start3A_37 : memref<1x1x100xi32, #tpu.memory_space<hbm>> -> memref<100xi32, #tpu.memory_space<hbm>>
    tpu.enqueue_dma source(%dma_start3A_38 : memref<100xi32, #tpu.memory_space<hbm>>) target(%arg17 : memref<100xi32, #tpu.memory_space<vmem>>) target_semaphore(%arg33 : memref<!tpu.dma_semaphore, #tpu.memory_space<semaphore_mem>>)
    %dma_start3A_39 = arith.constant 2 : i32
    %dma_start3A_40 = arith.constant 0 : i32
    %dma_start3A_41 = tpu.memref_slice %arg3[%add3A, %dma_start3A_39, %dma_start3A_40] : memref<32x100x100xi32, #tpu.memory_space<hbm>> -> memref<1x1x100xi32, #tpu.memory_space<hbm>>
    %dma_start3A_42 = tpu.memref_squeeze %dma_start3A_41 : memref<1x1x100xi32, #tpu.memory_space<hbm>> -> memref<100xi32, #tpu.memory_space<hbm>>
    %dma_start3A_43 = arith.constant 0 : i32
    %dma_start3A_44 = tpu.memref_slice %arg3[%add3A, %dma_start3A_39, %dma_start3A_43] : memref<32x100x100xi32, #tpu.memory_space<hbm>> -> memref<1x1x100xi32, #tpu.memory_space<hbm>>
    %dma_start3A_45 = tpu.memref_squeeze %dma_start3A_44 : memref<1x1x100xi32, #tpu.memory_space<hbm>> -> memref<100xi32, #tpu.memory_space<hbm>>
    tpu.enqueue_dma source(%dma_start3A_45 : memref<100xi32, #tpu.memory_space<hbm>>) target(%arg12 : memref<100xi32, #tpu.memory_space<vmem>>) target_semaphore(%arg28 : memref<!tpu.dma_semaphore, #tpu.memory_space<semaphore_mem>>)
    %dma_start3A_46 = arith.constant 2 : i32
    %dma_start3A_47 = arith.constant 0 : i32
    %dma_start3A_48 = tpu.memref_slice %arg4[%add3A, %dma_start3A_46, %dma_start3A_47] : memref<32x100x100xi32, #tpu.memory_space<hbm>> -> memref<1x1x100xi32, #tpu.memory_space<hbm>>
    %dma_start3A_49 = tpu.memref_squeeze %dma_start3A_48 : memref<1x1x100xi32, #tpu.memory_space<hbm>> -> memref<100xi32, #tpu.memory_space<hbm>>
    %dma_start3A_50 = arith.constant 0 : i32
    %dma_start3A_51 = tpu.memref_slice %arg4[%add3A, %dma_start3A_46, %dma_start3A_50] : memref<32x100x100xi32, #tpu.memory_space<hbm>> -> memref<1x1x100xi32, #tpu.memory_space<hbm>>
    %dma_start3A_52 = tpu.memref_squeeze %dma_start3A_51 : memref<1x1x100xi32, #tpu.memory_space<hbm>> -> memref<100xi32, #tpu.memory_space<hbm>>
    tpu.enqueue_dma source(%dma_start3A_52 : memref<100xi32, #tpu.memory_space<hbm>>) target(%arg18 : memref<100xi32, #tpu.memory_space<vmem>>) target_semaphore(%arg34 : memref<!tpu.dma_semaphore, #tpu.memory_space<semaphore_mem>>)
    %dma_start3A_53 = arith.constant 3 : i32
    %dma_start3A_54 = arith.constant 0 : i32
    %dma_start3A_55 = tpu.memref_slice %arg3[%add3A, %dma_start3A_53, %dma_start3A_54] : memref<32x100x100xi32, #tpu.memory_space<hbm>> -> memref<1x1x100xi32, #tpu.memory_space<hbm>>
    %dma_start3A_56 = tpu.memref_squeeze %dma_start3A_55 : memref<1x1x100xi32, #tpu.memory_space<hbm>> -> memref<100xi32, #tpu.memory_space<hbm>>
    %dma_start3A_57 = arith.constant 0 : i32
    %dma_start3A_58 = tpu.memref_slice %arg3[%add3A, %dma_start3A_53, %dma_start3A_57] : memref<32x100x100xi32, #tpu.memory_space<hbm>> -> memref<1x1x100xi32, #tpu.memory_space<hbm>>
    %dma_start3A_59 = tpu.memref_squeeze %dma_start3A_58 : memref<1x1x100xi32, #tpu.memory_space<hbm>> -> memref<100xi32, #tpu.memory_space<hbm>>
    tpu.enqueue_dma source(%dma_start3A_59 : memref<100xi32, #tpu.memory_space<hbm>>) target(%arg13 : memref<100xi32, #tpu.memory_space<vmem>>) target_semaphore(%arg29 : memref<!tpu.dma_semaphore, #tpu.memory_space<semaphore_mem>>)
    %dma_start3A_60 = arith.constant 3 : i32
    %dma_start3A_61 = arith.constant 0 : i32
    %dma_start3A_62 = tpu.memref_slice %arg4[%add3A, %dma_start3A_60, %dma_start3A_61] : memref<32x100x100xi32, #tpu.memory_space<hbm>> -> memref<1x1x100xi32, #tpu.memory_space<hbm>>
    %dma_start3A_63 = tpu.memref_squeeze %dma_start3A_62 : memref<1x1x100xi32, #tpu.memory_space<hbm>> -> memref<100xi32, #tpu.memory_space<hbm>>
    %dma_start3A_64 = arith.constant 0 : i32
    %dma_start3A_65 = tpu.memref_slice %arg4[%add3A, %dma_start3A_60, %dma_start3A_64] : memref<32x100x100xi32, #tpu.memory_space<hbm>> -> memref<1x1x100xi32, #tpu.memory_space<hbm>>
    %dma_start3A_66 = tpu.memref_squeeze %dma_start3A_65 : memref<1x1x100xi32, #tpu.memory_space<hbm>> -> memref<100xi32, #tpu.memory_space<hbm>>
    tpu.enqueue_dma source(%dma_start3A_66 : memref<100xi32, #tpu.memory_space<hbm>>) target(%arg19 : memref<100xi32, #tpu.memory_space<vmem>>) target_semaphore(%arg35 : memref<!tpu.dma_semaphore, #tpu.memory_space<semaphore_mem>>)
    %dma_start3A_67 = arith.constant 4 : i32
    %dma_start3A_68 = arith.constant 0 : i32
    %dma_start3A_69 = tpu.memref_slice %arg3[%add3A, %dma_start3A_67, %dma_start3A_68] : memref<32x100x100xi32, #tpu.memory_space<hbm>> -> memref<1x1x100xi32, #tpu.memory_space<hbm>>
    %dma_start3A_70 = tpu.memref_squeeze %dma_start3A_69 : memref<1x1x100xi32, #tpu.memory_space<hbm>> -> memref<100xi32, #tpu.memory_space<hbm>>
    %dma_start3A_71 = arith.constant 0 : i32
    %dma_start3A_72 = tpu.memref_slice %arg3[%add3A, %dma_start3A_67, %dma_start3A_71] : memref<32x100x100xi32, #tpu.memory_space<hbm>> -> memref<1x1x100xi32, #tpu.memory_space<hbm>>
    %dma_start3A_73 = tpu.memref_squeeze %dma_start3A_72 : memref<1x1x100xi32, #tpu.memory_space<hbm>> -> memref<100xi32, #tpu.memory_space<hbm>>
    tpu.enqueue_dma source(%dma_start3A_73 : memref<100xi32, #tpu.memory_space<hbm>>) target(%arg14 : memref<100xi32, #tpu.memory_space<vmem>>) target_semaphore(%arg30 : memref<!tpu.dma_semaphore, #tpu.memory_space<semaphore_mem>>)
    %dma_start3A_74 = arith.constant 4 : i32
    %dma_start3A_75 = arith.constant 0 : i32
    %dma_start3A_76 = tpu.memref_slice %arg4[%add3A, %dma_start3A_74, %dma_start3A_75] : memref<32x100x100xi32, #tpu.memory_space<hbm>> -> memref<1x1x100xi32, #tpu.memory_space<hbm>>
    %dma_start3A_77 = tpu.memref_squeeze %dma_start3A_76 : memref<1x1x100xi32, #tpu.memory_space<hbm>> -> memref<100xi32, #tpu.memory_space<hbm>>
    %dma_start3A_78 = arith.constant 0 : i32
    %dma_start3A_79 = tpu.memref_slice %arg4[%add3A, %dma_start3A_74, %dma_start3A_78] : memref<32x100x100xi32, #tpu.memory_space<hbm>> -> memref<1x1x100xi32, #tpu.memory_space<hbm>>
    %dma_start3A_80 = tpu.memref_squeeze %dma_start3A_79 : memref<1x1x100xi32, #tpu.memory_space<hbm>> -> memref<100xi32, #tpu.memory_space<hbm>>
    tpu.enqueue_dma source(%dma_start3A_80 : memref<100xi32, #tpu.memory_space<hbm>>) target(%arg20 : memref<100xi32, #tpu.memory_space<vmem>>) target_semaphore(%arg36 : memref<!tpu.dma_semaphore, #tpu.memory_space<semaphore_mem>>)
    %dma_start3A_81 = arith.constant 5 : i32
    %dma_start3A_82 = arith.constant 0 : i32
    %dma_start3A_83 = tpu.memref_slice %arg3[%add3A, %dma_start3A_81, %dma_start3A_82] : memref<32x100x100xi32, #tpu.memory_space<hbm>> -> memref<1x1x100xi32, #tpu.memory_space<hbm>>
    %dma_start3A_84 = tpu.memref_squeeze %dma_start3A_83 : memref<1x1x100xi32, #tpu.memory_space<hbm>> -> memref<100xi32, #tpu.memory_space<hbm>>
    %dma_start3A_85 = arith.constant 0 : i32
    %dma_start3A_86 = tpu.memref_slice %arg3[%add3A, %dma_start3A_81, %dma_start3A_85] : memref<32x100x100xi32, #tpu.memory_space<hbm>> -> memref<1x1x100xi32, #tpu.memory_space<hbm>>
    %dma_start3A_87 = tpu.memref_squeeze %dma_start3A_86 : memref<1x1x100xi32, #tpu.memory_space<hbm>> -> memref<100xi32, #tpu.memory_space<hbm>>
    tpu.enqueue_dma source(%dma_start3A_87 : memref<100xi32, #tpu.memory_space<hbm>>) target(%arg15 : memref<100xi32, #tpu.memory_space<vmem>>) target_semaphore(%arg31 : memref<!tpu.dma_semaphore, #tpu.memory_space<semaphore_mem>>)
    %dma_start3A_88 = arith.constant 5 : i32
    %dma_start3A_89 = arith.constant 0 : i32
    %dma_start3A_90 = tpu.memref_slice %arg4[%add3A, %dma_start3A_88, %dma_start3A_89] : memref<32x100x100xi32, #tpu.memory_space<hbm>> -> memref<1x1x100xi32, #tpu.memory_space<hbm>>
    %dma_start3A_91 = tpu.memref_squeeze %dma_start3A_90 : memref<1x1x100xi32, #tpu.memory_space<hbm>> -> memref<100xi32, #tpu.memory_space<hbm>>
    %dma_start3A_92 = arith.constant 0 : i32
    %dma_start3A_93 = tpu.memref_slice %arg4[%add3A, %dma_start3A_88, %dma_start3A_92] : memref<32x100x100xi32, #tpu.memory_space<hbm>> -> memref<1x1x100xi32, #tpu.memory_space<hbm>>
    %dma_start3A_94 = tpu.memref_squeeze %dma_start3A_93 : memref<1x1x100xi32, #tpu.memory_space<hbm>> -> memref<100xi32, #tpu.memory_space<hbm>>
    tpu.enqueue_dma source(%dma_start3A_94 : memref<100xi32, #tpu.memory_space<hbm>>) target(%arg21 : memref<100xi32, #tpu.memory_space<vmem>>) target_semaphore(%arg37 : memref<!tpu.dma_semaphore, #tpu.memory_space<semaphore_mem>>)
    %dma_wait3A = arith.constant 0 : i32
    %dma_wait3A_95 = arith.constant 0 : i32
    %dma_wait3A_96 = tpu.memref_slice %arg3[%add3A, %dma_wait3A, %dma_wait3A_95] : memref<32x100x100xi32, #tpu.memory_space<hbm>> -> memref<1x1x100xi32, #tpu.memory_space<hbm>>
    %dma_wait3A_97 = tpu.memref_squeeze %dma_wait3A_96 : memref<1x1x100xi32, #tpu.memory_space<hbm>> -> memref<100xi32, #tpu.memory_space<hbm>>
    %dma_wait3A_98 = arith.constant 0 : i32
    %dma_wait3A_99 = tpu.memref_slice %arg3[%add3A, %dma_wait3A, %dma_wait3A_98] : memref<32x100x100xi32, #tpu.memory_space<hbm>> -> memref<1x1x100xi32, #tpu.memory_space<hbm>>
    %dma_wait3A_100 = tpu.memref_squeeze %dma_wait3A_99 : memref<1x1x100xi32, #tpu.memory_space<hbm>> -> memref<100xi32, #tpu.memory_space<hbm>>
    tpu.wait_dma2 semaphore(%arg26 : memref<!tpu.dma_semaphore, #tpu.memory_space<semaphore_mem>>) src(%dma_wait3A_100 : memref<100xi32, #tpu.memory_space<hbm>>) dst(%arg10 : memref<100xi32, #tpu.memory_space<vmem>>)
    %dma_start3A_101 = arith.constant 0 : i32
    %dma_start3A_102 = arith.constant 0 : i32
    %dma_start3A_103 = tpu.memref_slice %arg2[%dma_start3A_101, %dma_start3A_102] : memref<10000x128xf32, #tpu.memory_space<hbm>> -> memref<10000x128xf32, #tpu.memory_space<hbm>>
    tpu.enqueue_indirect_dma source(%dma_start3A_103 : memref<10000x128xf32, #tpu.memory_space<hbm>>) target(%arg6 : memref<100x128xf32, #tpu.memory_space<vmem>>) offsets(%arg10 : memref<100xi32, #tpu.memory_space<vmem>>) semaphore(%arg23 : memref<!tpu.dma_semaphore, #tpu.memory_space<semaphore_mem>>)
    %dma_wait3A_104 = arith.constant 1 : i32
    %dma_wait3A_105 = arith.constant 0 : i32
    %dma_wait3A_106 = tpu.memref_slice %arg3[%add3A, %dma_wait3A_104, %dma_wait3A_105] : memref<32x100x100xi32, #tpu.memory_space<hbm>> -> memref<1x1x100xi32, #tpu.memory_space<hbm>>
    %dma_wait3A_107 = tpu.memref_squeeze %dma_wait3A_106 : memref<1x1x100xi32, #tpu.memory_space<hbm>> -> memref<100xi32, #tpu.memory_space<hbm>>
    %dma_wait3A_108 = arith.constant 0 : i32
    %dma_wait3A_109 = tpu.memref_slice %arg3[%add3A, %dma_wait3A_104, %dma_wait3A_108] : memref<32x100x100xi32, #tpu.memory_space<hbm>> -> memref<1x1x100xi32, #tpu.memory_space<hbm>>
    %dma_wait3A_110 = tpu.memref_squeeze %dma_wait3A_109 : memref<1x1x100xi32, #tpu.memory_space<hbm>> -> memref<100xi32, #tpu.memory_space<hbm>>
    tpu.wait_dma2 semaphore(%arg27 : memref<!tpu.dma_semaphore, #tpu.memory_space<semaphore_mem>>) src(%dma_wait3A_110 : memref<100xi32, #tpu.memory_space<hbm>>) dst(%arg11 : memref<100xi32, #tpu.memory_space<vmem>>)
    %dma_start3A_111 = arith.constant 0 : i32
    %dma_start3A_112 = arith.constant 0 : i32
    %dma_start3A_113 = tpu.memref_slice %arg2[%dma_start3A_111, %dma_start3A_112] : memref<10000x128xf32, #tpu.memory_space<hbm>> -> memref<10000x128xf32, #tpu.memory_space<hbm>>
    tpu.enqueue_indirect_dma source(%dma_start3A_113 : memref<10000x128xf32, #tpu.memory_space<hbm>>) target(%arg7 : memref<100x128xf32, #tpu.memory_space<vmem>>) offsets(%arg11 : memref<100xi32, #tpu.memory_space<vmem>>) semaphore(%arg24 : memref<!tpu.dma_semaphore, #tpu.memory_space<semaphore_mem>>)
    %dma_wait3A_114 = arith.constant 2 : i32
    %dma_wait3A_115 = arith.constant 0 : i32
    %dma_wait3A_116 = tpu.memref_slice %arg3[%add3A, %dma_wait3A_114, %dma_wait3A_115] : memref<32x100x100xi32, #tpu.memory_space<hbm>> -> memref<1x1x100xi32, #tpu.memory_space<hbm>>
    %dma_wait3A_117 = tpu.memref_squeeze %dma_wait3A_116 : memref<1x1x100xi32, #tpu.memory_space<hbm>> -> memref<100xi32, #tpu.memory_space<hbm>>
    %dma_wait3A_118 = arith.constant 0 : i32
    %dma_wait3A_119 = tpu.memref_slice %arg3[%add3A, %dma_wait3A_114, %dma_wait3A_118] : memref<32x100x100xi32, #tpu.memory_space<hbm>> -> memref<1x1x100xi32, #tpu.memory_space<hbm>>
    %dma_wait3A_120 = tpu.memref_squeeze %dma_wait3A_119 : memref<1x1x100xi32, #tpu.memory_space<hbm>> -> memref<100xi32, #tpu.memory_space<hbm>>
    tpu.wait_dma2 semaphore(%arg28 : memref<!tpu.dma_semaphore, #tpu.memory_space<semaphore_mem>>) src(%dma_wait3A_120 : memref<100xi32, #tpu.memory_space<hbm>>) dst(%arg12 : memref<100xi32, #tpu.memory_space<vmem>>)
    %dma_start3A_121 = arith.constant 0 : i32
    %dma_start3A_122 = arith.constant 0 : i32
    %dma_start3A_123 = tpu.memref_slice %arg2[%dma_start3A_121, %dma_start3A_122] : memref<10000x128xf32, #tpu.memory_space<hbm>> -> memref<10000x128xf32, #tpu.memory_space<hbm>>
    tpu.enqueue_indirect_dma source(%dma_start3A_123 : memref<10000x128xf32, #tpu.memory_space<hbm>>) target(%arg8 : memref<100x128xf32, #tpu.memory_space<vmem>>) offsets(%arg12 : memref<100xi32, #tpu.memory_space<vmem>>) semaphore(%arg25 : memref<!tpu.dma_semaphore, #tpu.memory_space<semaphore_mem>>)
    %scan3A_124 = arith.constant 0 : i32
    %scan3A_125 = arith.constant 0 : i32
    %scan3A_126 = arith.constant 16 : i32
    %scan3A_127 = arith.addi %scan3A_125, %scan3A_126 : i32
    %scan3A_128 = arith.constant 1 : i32
    scf.for %scan3A_149 = %scan3A_125 to %scan3A_127 step %scan3A_128  : i32 {
      %mul3A_150 = arith.constant 16 : i32
      %mul3A_151 = arith.muli %scan3A_149, %mul3A_150 : i32
      %add3A_152 = arith.addi %mul3A_151, %arg1 : i32
      %lt3A = arith.constant 250 : i32
      %lt3A_153 = arith.cmpi slt, %add3A_152, %lt3A : i32
      %convert_element_type3A = arith.extui %lt3A_153 : i1 to i32
      %cond3A = arith.constant 0 : i32
      %cond3A_154 = arith.cmpi ne, %convert_element_type3A, %cond3A : i32
      scf.if %cond3A_154 {
        %mul3A_155 = arith.constant 40 : i32
        %mul3A_156 = arith.muli %add3A_152, %mul3A_155 : i32
        %dma_wait3A_157 = arith.constant 0 : i32
        %dma_wait3A_158 = tpu.memref_slice %arg22[%mul3A_156, %dma_wait3A_157] : memref<10000x128xf32, #tpu.memory_space<vmem_shared>> -> memref<40x128xf32, #tpu.memory_space<vmem_shared>>
        %dma_wait3A_159 = arith.constant 0 : i32
        %dma_wait3A_160 = tpu.memref_slice %arg22[%mul3A_156, %dma_wait3A_159] : memref<10000x128xf32, #tpu.memory_space<vmem_shared>> -> memref<40x128xf32, #tpu.memory_space<vmem_shared>>
        tpu.wait_dma2 semaphore(%arg38 : memref<!tpu.dma_semaphore, #tpu.memory_space<semaphore_mem>>) src(%arg9 : memref<40x128xf32, #tpu.memory_space<vmem>>) dst(%dma_wait3A_160 : memref<40x128xf32, #tpu.memory_space<vmem_shared>>)
      } else {
      }
    }
    %scan3A_129 = arith.constant 16 : i32
    %barrier3A = arith.constant 0 : index
    tpu.barrier barrier_id(%barrier3A)
    %scan3A_130 = arith.constant 0 : i32
    %scan3A_131 = arith.constant 0 : i32
    %scan3A_132 = arith.constant 17 : i32
    %scan3A_133 = arith.addi %scan3A_131, %scan3A_132 : i32
    %scan3A_134 = arith.constant 1 : i32
    scf.for %scan3A_149 = %scan3A_131 to %scan3A_133 step %scan3A_134  : i32 {
      %mul3A_150 = arith.constant 6 : i32
      %mul3A_151 = arith.muli %scan3A_149, %mul3A_150 : i32
      %add3A_152 = arith.constant 0 : i32
      %add3A_153 = arith.addi %mul3A_151, %add3A_152 : i32
      %lt3A = arith.constant 100 : i32
      %lt3A_154 = arith.cmpi slt, %add3A_153, %lt3A : i32
      %convert_element_type3A = arith.extui %lt3A_154 : i1 to i32
      %cond3A = arith.constant 0 : i32
      %cond3A_155 = arith.cmpi ne, %convert_element_type3A, %cond3A : i32
      scf.if %cond3A_155 {
        %dma_wait3A_201 = arith.constant 0 : i32
        %dma_wait3A_202 = arith.constant 0 : i32
        %dma_wait3A_203 = tpu.memref_slice %arg2[%dma_wait3A_201, %dma_wait3A_202] : memref<10000x128xf32, #tpu.memory_space<hbm>> -> memref<10000x128xf32, #tpu.memory_space<hbm>>
        tpu.wait_indirect_dma semaphore(%arg23 : memref<!tpu.dma_semaphore, #tpu.memory_space<semaphore_mem>>) src(%dma_wait3A_203 : memref<10000x128xf32, #tpu.memory_space<hbm>>) dst(%arg6 : memref<100x128xf32, #tpu.memory_space<vmem>>)
        %dma_wait3A_204 = arith.constant 0 : i32
        %dma_wait3A_205 = arith.constant 0 : i32
        %dma_wait3A_206 = tpu.memref_slice %arg4[%add3A, %dma_wait3A_204, %dma_wait3A_205] : memref<32x100x100xi32, #tpu.memory_space<hbm>> -> memref<1x1x100xi32, #tpu.memory_space<hbm>>
        %dma_wait3A_207 = tpu.memref_squeeze %dma_wait3A_206 : memref<1x1x100xi32, #tpu.memory_space<hbm>> -> memref<100xi32, #tpu.memory_space<hbm>>
        %dma_wait3A_208 = arith.constant 0 : i32
        %dma_wait3A_209 = tpu.memref_slice %arg4[%add3A, %dma_wait3A_204, %dma_wait3A_208] : memref<32x100x100xi32, #tpu.memory_space<hbm>> -> memref<1x1x100xi32, #tpu.memory_space<hbm>>
        %dma_wait3A_210 = tpu.memref_squeeze %dma_wait3A_209 : memref<1x1x100xi32, #tpu.memory_space<hbm>> -> memref<100xi32, #tpu.memory_space<hbm>>
        tpu.wait_dma2 semaphore(%arg32 : memref<!tpu.dma_semaphore, #tpu.memory_space<semaphore_mem>>) src(%dma_wait3A_210 : memref<100xi32, #tpu.memory_space<hbm>>) dst(%arg16 : memref<100xi32, #tpu.memory_space<vmem>>)
        "tpu.region"() ({
          %run_scoped3A = tpu.sem_alloc : memref<!tpu.dma_semaphore, #tpu.memory_space<semaphore_mem>>
          %dma_start3A_225 = arith.constant 0 : i32
          %dma_start3A_226 = arith.constant 0 : i32
          %dma_start3A_227 = tpu.memref_slice %arg22[%dma_start3A_225, %dma_start3A_226] : memref<10000x128xf32, #tpu.memory_space<vmem_shared>> -> memref<10000x128xf32, #tpu.memory_space<vmem_shared>>
          tpu.enqueue_indirect_dma source(%arg6 : memref<100x128xf32, #tpu.memory_space<vmem>>) target(%dma_start3A_227 : memref<10000x128xf32, #tpu.memory_space<vmem_shared>>) offsets(%arg16 : memref<100xi32, #tpu.memory_space<vmem>>) semaphore(%run_scoped3A : memref<!tpu.dma_semaphore, #tpu.memory_space<semaphore_mem>>) {add = true}
          %dma_wait3A_228 = arith.constant 0 : i32
          %dma_wait3A_229 = arith.constant 0 : i32
          %dma_wait3A_230 = tpu.memref_slice %arg22[%dma_wait3A_228, %dma_wait3A_229] : memref<10000x128xf32, #tpu.memory_space<vmem_shared>> -> memref<10000x128xf32, #tpu.memory_space<vmem_shared>>
          tpu.wait_indirect_dma semaphore(%run_scoped3A : memref<!tpu.dma_semaphore, #tpu.memory_space<semaphore_mem>>) src(%arg6 : memref<100x128xf32, #tpu.memory_space<vmem>>) dst(%dma_wait3A_230 : memref<10000x128xf32, #tpu.memory_space<vmem_shared>>)
          tpu.yield
        }) : () -> ()
        %add3A_211 = arith.constant 3 : i32
        %add3A_212 = arith.addi %add3A_153, %add3A_211 : i32
        %lt3A_213 = arith.constant 100 : i32
        %lt3A_214 = arith.cmpi slt, %add3A_212, %lt3A_213 : i32
        %convert_element_type3A_215 = arith.extui %lt3A_214 : i1 to i32
        %cond3A_216 = arith.constant 0 : i32
        %cond3A_217 = arith.cmpi ne, %convert_element_type3A_215, %cond3A_216 : i32
        scf.if %cond3A_217 {
          %dma_wait3A_225 = arith.constant 3 : i32
          %dma_wait3A_226 = arith.constant 0 : i32
          %dma_wait3A_227 = tpu.memref_slice %arg3[%add3A, %dma_wait3A_225, %dma_wait3A_226] : memref<32x100x100xi32, #tpu.memory_space<hbm>> -> memref<1x1x100xi32, #tpu.memory_space<hbm>>
          %dma_wait3A_228 = tpu.memref_squeeze %dma_wait3A_227 : memref<1x1x100xi32, #tpu.memory_space<hbm>> -> memref<100xi32, #tpu.memory_space<hbm>>
          %dma_wait3A_229 = arith.constant 0 : i32
          %dma_wait3A_230 = tpu.memref_slice %arg3[%add3A, %dma_wait3A_225, %dma_wait3A_229] : memref<32x100x100xi32, #tpu.memory_space<hbm>> -> memref<1x1x100xi32, #tpu.memory_space<hbm>>
          %dma_wait3A_231 = tpu.memref_squeeze %dma_wait3A_230 : memref<1x1x100xi32, #tpu.memory_space<hbm>> -> memref<100xi32, #tpu.memory_space<hbm>>
          tpu.wait_dma2 semaphore(%arg29 : memref<!tpu.dma_semaphore, #tpu.memory_space<semaphore_mem>>) src(%dma_wait3A_231 : memref<100xi32, #tpu.memory_space<hbm>>) dst(%arg13 : memref<100xi32, #tpu.memory_space<vmem>>)
          %dma_start3A_232 = arith.constant 0 : i32
          %dma_start3A_233 = arith.constant 0 : i32
          %dma_start3A_234 = tpu.memref_slice %arg2[%dma_start3A_232, %dma_start3A_233] : memref<10000x128xf32, #tpu.memory_space<hbm>> -> memref<10000x128xf32, #tpu.memory_space<hbm>>
          tpu.enqueue_indirect_dma source(%dma_start3A_234 : memref<10000x128xf32, #tpu.memory_space<hbm>>) target(%arg6 : memref<100x128xf32, #tpu.memory_space<vmem>>) offsets(%arg13 : memref<100xi32, #tpu.memory_space<vmem>>) semaphore(%arg23 : memref<!tpu.dma_semaphore, #tpu.memory_space<semaphore_mem>>)
        } else {
        }
        %add3A_218 = arith.constant 6 : i32
        %add3A_219 = arith.addi %add3A_153, %add3A_218 : i32
        %lt3A_220 = arith.constant 100 : i32
        %lt3A_221 = arith.cmpi slt, %add3A_219, %lt3A_220 : i32
        %convert_element_type3A_222 = arith.extui %lt3A_221 : i1 to i32
        %cond3A_223 = arith.constant 0 : i32
        %cond3A_224 = arith.cmpi ne, %convert_element_type3A_222, %cond3A_223 : i32
        scf.if %cond3A_224 {
          %add3A_225 = arith.constant 6 : i32
          %add3A_226 = arith.addi %add3A_153, %add3A_225 : i32
          %dma_start3A_227 = arith.constant 0 : i32
          %dma_start3A_228 = tpu.memref_slice %arg3[%add3A, %add3A_226, %dma_start3A_227] : memref<32x100x100xi32, #tpu.memory_space<hbm>> -> memref<1x1x100xi32, #tpu.memory_space<hbm>>
          %dma_start3A_229 = tpu.memref_squeeze %dma_start3A_228 : memref<1x1x100xi32, #tpu.memory_space<hbm>> -> memref<100xi32, #tpu.memory_space<hbm>>
          %dma_start3A_230 = arith.constant 0 : i32
          %dma_start3A_231 = tpu.memref_slice %arg3[%add3A, %add3A_226, %dma_start3A_230] : memref<32x100x100xi32, #tpu.memory_space<hbm>> -> memref<1x1x100xi32, #tpu.memory_space<hbm>>
          %dma_start3A_232 = tpu.memref_squeeze %dma_start3A_231 : memref<1x1x100xi32, #tpu.memory_space<hbm>> -> memref<100xi32, #tpu.memory_space<hbm>>
          tpu.enqueue_dma source(%dma_start3A_232 : memref<100xi32, #tpu.memory_space<hbm>>) target(%arg10 : memref<100xi32, #tpu.memory_space<vmem>>) target_semaphore(%arg26 : memref<!tpu.dma_semaphore, #tpu.memory_space<semaphore_mem>>)
          %add3A_233 = arith.constant 6 : i32
          %add3A_234 = arith.addi %add3A_153, %add3A_233 : i32
          %dma_start3A_235 = arith.constant 0 : i32
          %dma_start3A_236 = tpu.memref_slice %arg4[%add3A, %add3A_234, %dma_start3A_235] : memref<32x100x100xi32, #tpu.memory_space<hbm>> -> memref<1x1x100xi32, #tpu.memory_space<hbm>>
          %dma_start3A_237 = tpu.memref_squeeze %dma_start3A_236 : memref<1x1x100xi32, #tpu.memory_space<hbm>> -> memref<100xi32, #tpu.memory_space<hbm>>
          %dma_start3A_238 = arith.constant 0 : i32
          %dma_start3A_239 = tpu.memref_slice %arg4[%add3A, %add3A_234, %dma_start3A_238] : memref<32x100x100xi32, #tpu.memory_space<hbm>> -> memref<1x1x100xi32, #tpu.memory_space<hbm>>
          %dma_start3A_240 = tpu.memref_squeeze %dma_start3A_239 : memref<1x1x100xi32, #tpu.memory_space<hbm>> -> memref<100xi32, #tpu.memory_space<hbm>>
          tpu.enqueue_dma source(%dma_start3A_240 : memref<100xi32, #tpu.memory_space<hbm>>) target(%arg16 : memref<100xi32, #tpu.memory_space<vmem>>) target_semaphore(%arg32 : memref<!tpu.dma_semaphore, #tpu.memory_space<semaphore_mem>>)
        } else {
        }
      } else {
      }
      %mul3A_156 = arith.constant 6 : i32
      %mul3A_157 = arith.muli %scan3A_149, %mul3A_156 : i32
      %add3A_158 = arith.constant 1 : i32
      %add3A_159 = arith.addi %mul3A_157, %add3A_158 : i32
      %lt3A_160 = arith.constant 100 : i32
      %lt3A_161 = arith.cmpi slt, %add3A_159, %lt3A_160 : i32
      %convert_element_type3A_162 = arith.extui %lt3A_161 : i1 to i32
      %cond3A_163 = arith.constant 0 : i32
      %cond3A_164 = arith.cmpi ne, %convert_element_type3A_162, %cond3A_163 : i32
      scf.if %cond3A_164 {
        %dma_wait3A_201 = arith.constant 0 : i32
        %dma_wait3A_202 = arith.constant 0 : i32
        %dma_wait3A_203 = tpu.memref_slice %arg2[%dma_wait3A_201, %dma_wait3A_202] : memref<10000x128xf32, #tpu.memory_space<hbm>> -> memref<10000x128xf32, #tpu.memory_space<hbm>>
        tpu.wait_indirect_dma semaphore(%arg24 : memref<!tpu.dma_semaphore, #tpu.memory_space<semaphore_mem>>) src(%dma_wait3A_203 : memref<10000x128xf32, #tpu.memory_space<hbm>>) dst(%arg7 : memref<100x128xf32, #tpu.memory_space<vmem>>)
        %dma_wait3A_204 = arith.constant 1 : i32
        %dma_wait3A_205 = arith.constant 0 : i32
        %dma_wait3A_206 = tpu.memref_slice %arg4[%add3A, %dma_wait3A_204, %dma_wait3A_205] : memref<32x100x100xi32, #tpu.memory_space<hbm>> -> memref<1x1x100xi32, #tpu.memory_space<hbm>>
        %dma_wait3A_207 = tpu.memref_squeeze %dma_wait3A_206 : memref<1x1x100xi32, #tpu.memory_space<hbm>> -> memref<100xi32, #tpu.memory_space<hbm>>
        %dma_wait3A_208 = arith.constant 0 : i32
        %dma_wait3A_209 = tpu.memref_slice %arg4[%add3A, %dma_wait3A_204, %dma_wait3A_208] : memref<32x100x100xi32, #tpu.memory_space<hbm>> -> memref<1x1x100xi32, #tpu.memory_space<hbm>>
        %dma_wait3A_210 = tpu.memref_squeeze %dma_wait3A_209 : memref<1x1x100xi32, #tpu.memory_space<hbm>> -> memref<100xi32, #tpu.memory_space<hbm>>
        tpu.wait_dma2 semaphore(%arg33 : memref<!tpu.dma_semaphore, #tpu.memory_space<semaphore_mem>>) src(%dma_wait3A_210 : memref<100xi32, #tpu.memory_space<hbm>>) dst(%arg17 : memref<100xi32, #tpu.memory_space<vmem>>)
        "tpu.region"() ({
          %run_scoped3A = tpu.sem_alloc : memref<!tpu.dma_semaphore, #tpu.memory_space<semaphore_mem>>
          %dma_start3A_225 = arith.constant 0 : i32
          %dma_start3A_226 = arith.constant 0 : i32
          %dma_start3A_227 = tpu.memref_slice %arg22[%dma_start3A_225, %dma_start3A_226] : memref<10000x128xf32, #tpu.memory_space<vmem_shared>> -> memref<10000x128xf32, #tpu.memory_space<vmem_shared>>
          tpu.enqueue_indirect_dma source(%arg7 : memref<100x128xf32, #tpu.memory_space<vmem>>) target(%dma_start3A_227 : memref<10000x128xf32, #tpu.memory_space<vmem_shared>>) offsets(%arg17 : memref<100xi32, #tpu.memory_space<vmem>>) semaphore(%run_scoped3A : memref<!tpu.dma_semaphore, #tpu.memory_space<semaphore_mem>>) {add = true}
          %dma_wait3A_228 = arith.constant 0 : i32
          %dma_wait3A_229 = arith.constant 0 : i32
          %dma_wait3A_230 = tpu.memref_slice %arg22[%dma_wait3A_228, %dma_wait3A_229] : memref<10000x128xf32, #tpu.memory_space<vmem_shared>> -> memref<10000x128xf32, #tpu.memory_space<vmem_shared>>
          tpu.wait_indirect_dma semaphore(%run_scoped3A : memref<!tpu.dma_semaphore, #tpu.memory_space<semaphore_mem>>) src(%arg7 : memref<100x128xf32, #tpu.memory_space<vmem>>) dst(%dma_wait3A_230 : memref<10000x128xf32, #tpu.memory_space<vmem_shared>>)
          tpu.yield
        }) : () -> ()
        %add3A_211 = arith.constant 3 : i32
        %add3A_212 = arith.addi %add3A_159, %add3A_211 : i32
        %lt3A_213 = arith.constant 100 : i32
        %lt3A_214 = arith.cmpi slt, %add3A_212, %lt3A_213 : i32
        %convert_element_type3A_215 = arith.extui %lt3A_214 : i1 to i32
        %cond3A_216 = arith.constant 0 : i32
        %cond3A_217 = arith.cmpi ne, %convert_element_type3A_215, %cond3A_216 : i32
        scf.if %cond3A_217 {
          %dma_wait3A_225 = arith.constant 4 : i32
          %dma_wait3A_226 = arith.constant 0 : i32
          %dma_wait3A_227 = tpu.memref_slice %arg3[%add3A, %dma_wait3A_225, %dma_wait3A_226] : memref<32x100x100xi32, #tpu.memory_space<hbm>> -> memref<1x1x100xi32, #tpu.memory_space<hbm>>
          %dma_wait3A_228 = tpu.memref_squeeze %dma_wait3A_227 : memref<1x1x100xi32, #tpu.memory_space<hbm>> -> memref<100xi32, #tpu.memory_space<hbm>>
          %dma_wait3A_229 = arith.constant 0 : i32
          %dma_wait3A_230 = tpu.memref_slice %arg3[%add3A, %dma_wait3A_225, %dma_wait3A_229] : memref<32x100x100xi32, #tpu.memory_space<hbm>> -> memref<1x1x100xi32, #tpu.memory_space<hbm>>
          %dma_wait3A_231 = tpu.memref_squeeze %dma_wait3A_230 : memref<1x1x100xi32, #tpu.memory_space<hbm>> -> memref<100xi32, #tpu.memory_space<hbm>>
          tpu.wait_dma2 semaphore(%arg30 : memref<!tpu.dma_semaphore, #tpu.memory_space<semaphore_mem>>) src(%dma_wait3A_231 : memref<100xi32, #tpu.memory_space<hbm>>) dst(%arg14 : memref<100xi32, #tpu.memory_space<vmem>>)
          %dma_start3A_232 = arith.constant 0 : i32
          %dma_start3A_233 = arith.constant 0 : i32
          %dma_start3A_234 = tpu.memref_slice %arg2[%dma_start3A_232, %dma_start3A_233] : memref<10000x128xf32, #tpu.memory_space<hbm>> -> memref<10000x128xf32, #tpu.memory_space<hbm>>
          tpu.enqueue_indirect_dma source(%dma_start3A_234 : memref<10000x128xf32, #tpu.memory_space<hbm>>) target(%arg7 : memref<100x128xf32, #tpu.memory_space<vmem>>) offsets(%arg14 : memref<100xi32, #tpu.memory_space<vmem>>) semaphore(%arg24 : memref<!tpu.dma_semaphore, #tpu.memory_space<semaphore_mem>>)
        } else {
        }
        %add3A_218 = arith.constant 6 : i32
        %add3A_219 = arith.addi %add3A_159, %add3A_218 : i32
        %lt3A_220 = arith.constant 100 : i32
        %lt3A_221 = arith.cmpi slt, %add3A_219, %lt3A_220 : i32
        %convert_element_type3A_222 = arith.extui %lt3A_221 : i1 to i32
        %cond3A_223 = arith.constant 0 : i32
        %cond3A_224 = arith.cmpi ne, %convert_element_type3A_222, %cond3A_223 : i32
        scf.if %cond3A_224 {
          %add3A_225 = arith.constant 6 : i32
          %add3A_226 = arith.addi %add3A_159, %add3A_225 : i32
          %dma_start3A_227 = arith.constant 0 : i32
          %dma_start3A_228 = tpu.memref_slice %arg3[%add3A, %add3A_226, %dma_start3A_227] : memref<32x100x100xi32, #tpu.memory_space<hbm>> -> memref<1x1x100xi32, #tpu.memory_space<hbm>>
          %dma_start3A_229 = tpu.memref_squeeze %dma_start3A_228 : memref<1x1x100xi32, #tpu.memory_space<hbm>> -> memref<100xi32, #tpu.memory_space<hbm>>
          %dma_start3A_230 = arith.constant 0 : i32
          %dma_start3A_231 = tpu.memref_slice %arg3[%add3A, %add3A_226, %dma_start3A_230] : memref<32x100x100xi32, #tpu.memory_space<hbm>> -> memref<1x1x100xi32, #tpu.memory_space<hbm>>
          %dma_start3A_232 = tpu.memref_squeeze %dma_start3A_231 : memref<1x1x100xi32, #tpu.memory_space<hbm>> -> memref<100xi32, #tpu.memory_space<hbm>>
          tpu.enqueue_dma source(%dma_start3A_232 : memref<100xi32, #tpu.memory_space<hbm>>) target(%arg11 : memref<100xi32, #tpu.memory_space<vmem>>) target_semaphore(%arg27 : memref<!tpu.dma_semaphore, #tpu.memory_space<semaphore_mem>>)
          %add3A_233 = arith.constant 6 : i32
          %add3A_234 = arith.addi %add3A_159, %add3A_233 : i32
          %dma_start3A_235 = arith.constant 0 : i32
          %dma_start3A_236 = tpu.memref_slice %arg4[%add3A, %add3A_234, %dma_start3A_235] : memref<32x100x100xi32, #tpu.memory_space<hbm>> -> memref<1x1x100xi32, #tpu.memory_space<hbm>>
          %dma_start3A_237 = tpu.memref_squeeze %dma_start3A_236 : memref<1x1x100xi32, #tpu.memory_space<hbm>> -> memref<100xi32, #tpu.memory_space<hbm>>
          %dma_start3A_238 = arith.constant 0 : i32
          %dma_start3A_239 = tpu.memref_slice %arg4[%add3A, %add3A_234, %dma_start3A_238] : memref<32x100x100xi32, #tpu.memory_space<hbm>> -> memref<1x1x100xi32, #tpu.memory_space<hbm>>
          %dma_start3A_240 = tpu.memref_squeeze %dma_start3A_239 : memref<1x1x100xi32, #tpu.memory_space<hbm>> -> memref<100xi32, #tpu.memory_space<hbm>>
          tpu.enqueue_dma source(%dma_start3A_240 : memref<100xi32, #tpu.memory_space<hbm>>) target(%arg17 : memref<100xi32, #tpu.memory_space<vmem>>) target_semaphore(%arg33 : memref<!tpu.dma_semaphore, #tpu.memory_space<semaphore_mem>>)
        } else {
        }
      } else {
      }
      %mul3A_165 = arith.constant 6 : i32
      %mul3A_166 = arith.muli %scan3A_149, %mul3A_165 : i32
      %add3A_167 = arith.constant 2 : i32
      %add3A_168 = arith.addi %mul3A_166, %add3A_167 : i32
      %lt3A_169 = arith.constant 100 : i32
      %lt3A_170 = arith.cmpi slt, %add3A_168, %lt3A_169 : i32
      %convert_element_type3A_171 = arith.extui %lt3A_170 : i1 to i32
      %cond3A_172 = arith.constant 0 : i32
      %cond3A_173 = arith.cmpi ne, %convert_element_type3A_171, %cond3A_172 : i32
      scf.if %cond3A_173 {
        %dma_wait3A_201 = arith.constant 0 : i32
        %dma_wait3A_202 = arith.constant 0 : i32
        %dma_wait3A_203 = tpu.memref_slice %arg2[%dma_wait3A_201, %dma_wait3A_202] : memref<10000x128xf32, #tpu.memory_space<hbm>> -> memref<10000x128xf32, #tpu.memory_space<hbm>>
        tpu.wait_indirect_dma semaphore(%arg25 : memref<!tpu.dma_semaphore, #tpu.memory_space<semaphore_mem>>) src(%dma_wait3A_203 : memref<10000x128xf32, #tpu.memory_space<hbm>>) dst(%arg8 : memref<100x128xf32, #tpu.memory_space<vmem>>)
        %dma_wait3A_204 = arith.constant 2 : i32
        %dma_wait3A_205 = arith.constant 0 : i32
        %dma_wait3A_206 = tpu.memref_slice %arg4[%add3A, %dma_wait3A_204, %dma_wait3A_205] : memref<32x100x100xi32, #tpu.memory_space<hbm>> -> memref<1x1x100xi32, #tpu.memory_space<hbm>>
        %dma_wait3A_207 = tpu.memref_squeeze %dma_wait3A_206 : memref<1x1x100xi32, #tpu.memory_space<hbm>> -> memref<100xi32, #tpu.memory_space<hbm>>
        %dma_wait3A_208 = arith.constant 0 : i32
        %dma_wait3A_209 = tpu.memref_slice %arg4[%add3A, %dma_wait3A_204, %dma_wait3A_208] : memref<32x100x100xi32, #tpu.memory_space<hbm>> -> memref<1x1x100xi32, #tpu.memory_space<hbm>>
        %dma_wait3A_210 = tpu.memref_squeeze %dma_wait3A_209 : memref<1x1x100xi32, #tpu.memory_space<hbm>> -> memref<100xi32, #tpu.memory_space<hbm>>
        tpu.wait_dma2 semaphore(%arg34 : memref<!tpu.dma_semaphore, #tpu.memory_space<semaphore_mem>>) src(%dma_wait3A_210 : memref<100xi32, #tpu.memory_space<hbm>>) dst(%arg18 : memref<100xi32, #tpu.memory_space<vmem>>)
        "tpu.region"() ({
          %run_scoped3A = tpu.sem_alloc : memref<!tpu.dma_semaphore, #tpu.memory_space<semaphore_mem>>
          %dma_start3A_225 = arith.constant 0 : i32
          %dma_start3A_226 = arith.constant 0 : i32
          %dma_start3A_227 = tpu.memref_slice %arg22[%dma_start3A_225, %dma_start3A_226] : memref<10000x128xf32, #tpu.memory_space<vmem_shared>> -> memref<10000x128xf32, #tpu.memory_space<vmem_shared>>
          tpu.enqueue_indirect_dma source(%arg8 : memref<100x128xf32, #tpu.memory_space<vmem>>) target(%dma_start3A_227 : memref<10000x128xf32, #tpu.memory_space<vmem_shared>>) offsets(%arg18 : memref<100xi32, #tpu.memory_space<vmem>>) semaphore(%run_scoped3A : memref<!tpu.dma_semaphore, #tpu.memory_space<semaphore_mem>>) {add = true}
          %dma_wait3A_228 = arith.constant 0 : i32
          %dma_wait3A_229 = arith.constant 0 : i32
          %dma_wait3A_230 = tpu.memref_slice %arg22[%dma_wait3A_228, %dma_wait3A_229] : memref<10000x128xf32, #tpu.memory_space<vmem_shared>> -> memref<10000x128xf32, #tpu.memory_space<vmem_shared>>
          tpu.wait_indirect_dma semaphore(%run_scoped3A : memref<!tpu.dma_semaphore, #tpu.memory_space<semaphore_mem>>) src(%arg8 : memref<100x128xf32, #tpu.memory_space<vmem>>) dst(%dma_wait3A_230 : memref<10000x128xf32, #tpu.memory_space<vmem_shared>>)
          tpu.yield
        }) : () -> ()
        %add3A_211 = arith.constant 3 : i32
        %add3A_212 = arith.addi %add3A_168, %add3A_211 : i32
        %lt3A_213 = arith.constant 100 : i32
        %lt3A_214 = arith.cmpi slt, %add3A_212, %lt3A_213 : i32
        %convert_element_type3A_215 = arith.extui %lt3A_214 : i1 to i32
        %cond3A_216 = arith.constant 0 : i32
        %cond3A_217 = arith.cmpi ne, %convert_element_type3A_215, %cond3A_216 : i32
        scf.if %cond3A_217 {
          %dma_wait3A_225 = arith.constant 5 : i32
          %dma_wait3A_226 = arith.constant 0 : i32
          %dma_wait3A_227 = tpu.memref_slice %arg3[%add3A, %dma_wait3A_225, %dma_wait3A_226] : memref<32x100x100xi32, #tpu.memory_space<hbm>> -> memref<1x1x100xi32, #tpu.memory_space<hbm>>
          %dma_wait3A_228 = tpu.memref_squeeze %dma_wait3A_227 : memref<1x1x100xi32, #tpu.memory_space<hbm>> -> memref<100xi32, #tpu.memory_space<hbm>>
          %dma_wait3A_229 = arith.constant 0 : i32
          %dma_wait3A_230 = tpu.memref_slice %arg3[%add3A, %dma_wait3A_225, %dma_wait3A_229] : memref<32x100x100xi32, #tpu.memory_space<hbm>> -> memref<1x1x100xi32, #tpu.memory_space<hbm>>
          %dma_wait3A_231 = tpu.memref_squeeze %dma_wait3A_230 : memref<1x1x100xi32, #tpu.memory_space<hbm>> -> memref<100xi32, #tpu.memory_space<hbm>>
          tpu.wait_dma2 semaphore(%arg31 : memref<!tpu.dma_semaphore, #tpu.memory_space<semaphore_mem>>) src(%dma_wait3A_231 : memref<100xi32, #tpu.memory_space<hbm>>) dst(%arg15 : memref<100xi32, #tpu.memory_space<vmem>>)
          %dma_start3A_232 = arith.constant 0 : i32
          %dma_start3A_233 = arith.constant 0 : i32
          %dma_start3A_234 = tpu.memref_slice %arg2[%dma_start3A_232, %dma_start3A_233] : memref<10000x128xf32, #tpu.memory_space<hbm>> -> memref<10000x128xf32, #tpu.memory_space<hbm>>
          tpu.enqueue_indirect_dma source(%dma_start3A_234 : memref<10000x128xf32, #tpu.memory_space<hbm>>) target(%arg8 : memref<100x128xf32, #tpu.memory_space<vmem>>) offsets(%arg15 : memref<100xi32, #tpu.memory_space<vmem>>) semaphore(%arg25 : memref<!tpu.dma_semaphore, #tpu.memory_space<semaphore_mem>>)
        } else {
        }
        %add3A_218 = arith.constant 6 : i32
        %add3A_219 = arith.addi %add3A_168, %add3A_218 : i32
        %lt3A_220 = arith.constant 100 : i32
        %lt3A_221 = arith.cmpi slt, %add3A_219, %lt3A_220 : i32
        %convert_element_type3A_222 = arith.extui %lt3A_221 : i1 to i32
        %cond3A_223 = arith.constant 0 : i32
        %cond3A_224 = arith.cmpi ne, %convert_element_type3A_222, %cond3A_223 : i32
        scf.if %cond3A_224 {
          %add3A_225 = arith.constant 6 : i32
          %add3A_226 = arith.addi %add3A_168, %add3A_225 : i32
          %dma_start3A_227 = arith.constant 0 : i32
          %dma_start3A_228 = tpu.memref_slice %arg3[%add3A, %add3A_226, %dma_start3A_227] : memref<32x100x100xi32, #tpu.memory_space<hbm>> -> memref<1x1x100xi32, #tpu.memory_space<hbm>>
          %dma_start3A_229 = tpu.memref_squeeze %dma_start3A_228 : memref<1x1x100xi32, #tpu.memory_space<hbm>> -> memref<100xi32, #tpu.memory_space<hbm>>
          %dma_start3A_230 = arith.constant 0 : i32
          %dma_start3A_231 = tpu.memref_slice %arg3[%add3A, %add3A_226, %dma_start3A_230] : memref<32x100x100xi32, #tpu.memory_space<hbm>> -> memref<1x1x100xi32, #tpu.memory_space<hbm>>
          %dma_start3A_232 = tpu.memref_squeeze %dma_start3A_231 : memref<1x1x100xi32, #tpu.memory_space<hbm>> -> memref<100xi32, #tpu.memory_space<hbm>>
          tpu.enqueue_dma source(%dma_start3A_232 : memref<100xi32, #tpu.memory_space<hbm>>) target(%arg12 : memref<100xi32, #tpu.memory_space<vmem>>) target_semaphore(%arg28 : memref<!tpu.dma_semaphore, #tpu.memory_space<semaphore_mem>>)
          %add3A_233 = arith.constant 6 : i32
          %add3A_234 = arith.addi %add3A_168, %add3A_233 : i32
          %dma_start3A_235 = arith.constant 0 : i32
          %dma_start3A_236 = tpu.memref_slice %arg4[%add3A, %add3A_234, %dma_start3A_235] : memref<32x100x100xi32, #tpu.memory_space<hbm>> -> memref<1x1x100xi32, #tpu.memory_space<hbm>>
          %dma_start3A_237 = tpu.memref_squeeze %dma_start3A_236 : memref<1x1x100xi32, #tpu.memory_space<hbm>> -> memref<100xi32, #tpu.memory_space<hbm>>
          %dma_start3A_238 = arith.constant 0 : i32
          %dma_start3A_239 = tpu.memref_slice %arg4[%add3A, %add3A_234, %dma_start3A_238] : memref<32x100x100xi32, #tpu.memory_space<hbm>> -> memref<1x1x100xi32, #tpu.memory_space<hbm>>
          %dma_start3A_240 = tpu.memref_squeeze %dma_start3A_239 : memref<1x1x100xi32, #tpu.memory_space<hbm>> -> memref<100xi32, #tpu.memory_space<hbm>>
          tpu.enqueue_dma source(%dma_start3A_240 : memref<100xi32, #tpu.memory_space<hbm>>) target(%arg18 : memref<100xi32, #tpu.memory_space<vmem>>) target_semaphore(%arg34 : memref<!tpu.dma_semaphore, #tpu.memory_space<semaphore_mem>>)
        } else {
        }
      } else {
      }
      %mul3A_174 = arith.constant 6 : i32
      %mul3A_175 = arith.muli %scan3A_149, %mul3A_174 : i32
      %add3A_176 = arith.constant 3 : i32
      %add3A_177 = arith.addi %mul3A_175, %add3A_176 : i32
      %lt3A_178 = arith.constant 100 : i32
      %lt3A_179 = arith.cmpi slt, %add3A_177, %lt3A_178 : i32
      %convert_element_type3A_180 = arith.extui %lt3A_179 : i1 to i32
      %cond3A_181 = arith.constant 0 : i32
      %cond3A_182 = arith.cmpi ne, %convert_element_type3A_180, %cond3A_181 : i32
      scf.if %cond3A_182 {
        %dma_wait3A_201 = arith.constant 0 : i32
        %dma_wait3A_202 = arith.constant 0 : i32
        %dma_wait3A_203 = tpu.memref_slice %arg2[%dma_wait3A_201, %dma_wait3A_202] : memref<10000x128xf32, #tpu.memory_space<hbm>> -> memref<10000x128xf32, #tpu.memory_space<hbm>>
        tpu.wait_indirect_dma semaphore(%arg23 : memref<!tpu.dma_semaphore, #tpu.memory_space<semaphore_mem>>) src(%dma_wait3A_203 : memref<10000x128xf32, #tpu.memory_space<hbm>>) dst(%arg6 : memref<100x128xf32, #tpu.memory_space<vmem>>)
        %dma_wait3A_204 = arith.constant 3 : i32
        %dma_wait3A_205 = arith.constant 0 : i32
        %dma_wait3A_206 = tpu.memref_slice %arg4[%add3A, %dma_wait3A_204, %dma_wait3A_205] : memref<32x100x100xi32, #tpu.memory_space<hbm>> -> memref<1x1x100xi32, #tpu.memory_space<hbm>>
        %dma_wait3A_207 = tpu.memref_squeeze %dma_wait3A_206 : memref<1x1x100xi32, #tpu.memory_space<hbm>> -> memref<100xi32, #tpu.memory_space<hbm>>
        %dma_wait3A_208 = arith.constant 0 : i32
        %dma_wait3A_209 = tpu.memref_slice %arg4[%add3A, %dma_wait3A_204, %dma_wait3A_208] : memref<32x100x100xi32, #tpu.memory_space<hbm>> -> memref<1x1x100xi32, #tpu.memory_space<hbm>>
        %dma_wait3A_210 = tpu.memref_squeeze %dma_wait3A_209 : memref<1x1x100xi32, #tpu.memory_space<hbm>> -> memref<100xi32, #tpu.memory_space<hbm>>
        tpu.wait_dma2 semaphore(%arg35 : memref<!tpu.dma_semaphore, #tpu.memory_space<semaphore_mem>>) src(%dma_wait3A_210 : memref<100xi32, #tpu.memory_space<hbm>>) dst(%arg19 : memref<100xi32, #tpu.memory_space<vmem>>)
        "tpu.region"() ({
          %run_scoped3A = tpu.sem_alloc : memref<!tpu.dma_semaphore, #tpu.memory_space<semaphore_mem>>
          %dma_start3A_225 = arith.constant 0 : i32
          %dma_start3A_226 = arith.constant 0 : i32
          %dma_start3A_227 = tpu.memref_slice %arg22[%dma_start3A_225, %dma_start3A_226] : memref<10000x128xf32, #tpu.memory_space<vmem_shared>> -> memref<10000x128xf32, #tpu.memory_space<vmem_shared>>
          tpu.enqueue_indirect_dma source(%arg6 : memref<100x128xf32, #tpu.memory_space<vmem>>) target(%dma_start3A_227 : memref<10000x128xf32, #tpu.memory_space<vmem_shared>>) offsets(%arg19 : memref<100xi32, #tpu.memory_space<vmem>>) semaphore(%run_scoped3A : memref<!tpu.dma_semaphore, #tpu.memory_space<semaphore_mem>>) {add = true}
          %dma_wait3A_228 = arith.constant 0 : i32
          %dma_wait3A_229 = arith.constant 0 : i32
          %dma_wait3A_230 = tpu.memref_slice %arg22[%dma_wait3A_228, %dma_wait3A_229] : memref<10000x128xf32, #tpu.memory_space<vmem_shared>> -> memref<10000x128xf32, #tpu.memory_space<vmem_shared>>
          tpu.wait_indirect_dma semaphore(%run_scoped3A : memref<!tpu.dma_semaphore, #tpu.memory_space<semaphore_mem>>) src(%arg6 : memref<100x128xf32, #tpu.memory_space<vmem>>) dst(%dma_wait3A_230 : memref<10000x128xf32, #tpu.memory_space<vmem_shared>>)
          tpu.yield
        }) : () -> ()
        %add3A_211 = arith.constant 3 : i32
        %add3A_212 = arith.addi %add3A_177, %add3A_211 : i32
        %lt3A_213 = arith.constant 100 : i32
        %lt3A_214 = arith.cmpi slt, %add3A_212, %lt3A_213 : i32
        %convert_element_type3A_215 = arith.extui %lt3A_214 : i1 to i32
        %cond3A_216 = arith.constant 0 : i32
        %cond3A_217 = arith.cmpi ne, %convert_element_type3A_215, %cond3A_216 : i32
        scf.if %cond3A_217 {
          %dma_wait3A_225 = arith.constant 0 : i32
          %dma_wait3A_226 = arith.constant 0 : i32
          %dma_wait3A_227 = tpu.memref_slice %arg3[%add3A, %dma_wait3A_225, %dma_wait3A_226] : memref<32x100x100xi32, #tpu.memory_space<hbm>> -> memref<1x1x100xi32, #tpu.memory_space<hbm>>
          %dma_wait3A_228 = tpu.memref_squeeze %dma_wait3A_227 : memref<1x1x100xi32, #tpu.memory_space<hbm>> -> memref<100xi32, #tpu.memory_space<hbm>>
          %dma_wait3A_229 = arith.constant 0 : i32
          %dma_wait3A_230 = tpu.memref_slice %arg3[%add3A, %dma_wait3A_225, %dma_wait3A_229] : memref<32x100x100xi32, #tpu.memory_space<hbm>> -> memref<1x1x100xi32, #tpu.memory_space<hbm>>
          %dma_wait3A_231 = tpu.memref_squeeze %dma_wait3A_230 : memref<1x1x100xi32, #tpu.memory_space<hbm>> -> memref<100xi32, #tpu.memory_space<hbm>>
          tpu.wait_dma2 semaphore(%arg26 : memref<!tpu.dma_semaphore, #tpu.memory_space<semaphore_mem>>) src(%dma_wait3A_231 : memref<100xi32, #tpu.memory_space<hbm>>) dst(%arg10 : memref<100xi32, #tpu.memory_space<vmem>>)
          %dma_start3A_232 = arith.constant 0 : i32
          %dma_start3A_233 = arith.constant 0 : i32
          %dma_start3A_234 = tpu.memref_slice %arg2[%dma_start3A_232, %dma_start3A_233] : memref<10000x128xf32, #tpu.memory_space<hbm>> -> memref<10000x128xf32, #tpu.memory_space<hbm>>
          tpu.enqueue_indirect_dma source(%dma_start3A_234 : memref<10000x128xf32, #tpu.memory_space<hbm>>) target(%arg6 : memref<100x128xf32, #tpu.memory_space<vmem>>) offsets(%arg10 : memref<100xi32, #tpu.memory_space<vmem>>) semaphore(%arg23 : memref<!tpu.dma_semaphore, #tpu.memory_space<semaphore_mem>>)
        } else {
        }
        %add3A_218 = arith.constant 6 : i32
        %add3A_219 = arith.addi %add3A_177, %add3A_218 : i32
        %lt3A_220 = arith.constant 100 : i32
        %lt3A_221 = arith.cmpi slt, %add3A_219, %lt3A_220 : i32
        %convert_element_type3A_222 = arith.extui %lt3A_221 : i1 to i32
        %cond3A_223 = arith.constant 0 : i32
        %cond3A_224 = arith.cmpi ne, %convert_element_type3A_222, %cond3A_223 : i32
        scf.if %cond3A_224 {
          %add3A_225 = arith.constant 6 : i32
          %add3A_226 = arith.addi %add3A_177, %add3A_225 : i32
          %dma_start3A_227 = arith.constant 0 : i32
          %dma_start3A_228 = tpu.memref_slice %arg3[%add3A, %add3A_226, %dma_start3A_227] : memref<32x100x100xi32, #tpu.memory_space<hbm>> -> memref<1x1x100xi32, #tpu.memory_space<hbm>>
          %dma_start3A_229 = tpu.memref_squeeze %dma_start3A_228 : memref<1x1x100xi32, #tpu.memory_space<hbm>> -> memref<100xi32, #tpu.memory_space<hbm>>
          %dma_start3A_230 = arith.constant 0 : i32
          %dma_start3A_231 = tpu.memref_slice %arg3[%add3A, %add3A_226, %dma_start3A_230] : memref<32x100x100xi32, #tpu.memory_space<hbm>> -> memref<1x1x100xi32, #tpu.memory_space<hbm>>
          %dma_start3A_232 = tpu.memref_squeeze %dma_start3A_231 : memref<1x1x100xi32, #tpu.memory_space<hbm>> -> memref<100xi32, #tpu.memory_space<hbm>>
          tpu.enqueue_dma source(%dma_start3A_232 : memref<100xi32, #tpu.memory_space<hbm>>) target(%arg13 : memref<100xi32, #tpu.memory_space<vmem>>) target_semaphore(%arg29 : memref<!tpu.dma_semaphore, #tpu.memory_space<semaphore_mem>>)
          %add3A_233 = arith.constant 6 : i32
          %add3A_234 = arith.addi %add3A_177, %add3A_233 : i32
          %dma_start3A_235 = arith.constant 0 : i32
          %dma_start3A_236 = tpu.memref_slice %arg4[%add3A, %add3A_234, %dma_start3A_235] : memref<32x100x100xi32, #tpu.memory_space<hbm>> -> memref<1x1x100xi32, #tpu.memory_space<hbm>>
          %dma_start3A_237 = tpu.memref_squeeze %dma_start3A_236 : memref<1x1x100xi32, #tpu.memory_space<hbm>> -> memref<100xi32, #tpu.memory_space<hbm>>
          %dma_start3A_238 = arith.constant 0 : i32
          %dma_start3A_239 = tpu.memref_slice %arg4[%add3A, %add3A_234, %dma_start3A_238] : memref<32x100x100xi32, #tpu.memory_space<hbm>> -> memref<1x1x100xi32, #tpu.memory_space<hbm>>
          %dma_start3A_240 = tpu.memref_squeeze %dma_start3A_239 : memref<1x1x100xi32, #tpu.memory_space<hbm>> -> memref<100xi32, #tpu.memory_space<hbm>>
          tpu.enqueue_dma source(%dma_start3A_240 : memref<100xi32, #tpu.memory_space<hbm>>) target(%arg19 : memref<100xi32, #tpu.memory_space<vmem>>) target_semaphore(%arg35 : memref<!tpu.dma_semaphore, #tpu.memory_space<semaphore_mem>>)
        } else {
        }
      } else {
      }
      %mul3A_183 = arith.constant 6 : i32
      %mul3A_184 = arith.muli %scan3A_149, %mul3A_183 : i32
      %add3A_185 = arith.constant 4 : i32
      %add3A_186 = arith.addi %mul3A_184, %add3A_185 : i32
      %lt3A_187 = arith.constant 100 : i32
      %lt3A_188 = arith.cmpi slt, %add3A_186, %lt3A_187 : i32
      %convert_element_type3A_189 = arith.extui %lt3A_188 : i1 to i32
      %cond3A_190 = arith.constant 0 : i32
      %cond3A_191 = arith.cmpi ne, %convert_element_type3A_189, %cond3A_190 : i32
      scf.if %cond3A_191 {
        %dma_wait3A_201 = arith.constant 0 : i32
        %dma_wait3A_202 = arith.constant 0 : i32
        %dma_wait3A_203 = tpu.memref_slice %arg2[%dma_wait3A_201, %dma_wait3A_202] : memref<10000x128xf32, #tpu.memory_space<hbm>> -> memref<10000x128xf32, #tpu.memory_space<hbm>>
        tpu.wait_indirect_dma semaphore(%arg24 : memref<!tpu.dma_semaphore, #tpu.memory_space<semaphore_mem>>) src(%dma_wait3A_203 : memref<10000x128xf32, #tpu.memory_space<hbm>>) dst(%arg7 : memref<100x128xf32, #tpu.memory_space<vmem>>)
        %dma_wait3A_204 = arith.constant 4 : i32
        %dma_wait3A_205 = arith.constant 0 : i32
        %dma_wait3A_206 = tpu.memref_slice %arg4[%add3A, %dma_wait3A_204, %dma_wait3A_205] : memref<32x100x100xi32, #tpu.memory_space<hbm>> -> memref<1x1x100xi32, #tpu.memory_space<hbm>>
        %dma_wait3A_207 = tpu.memref_squeeze %dma_wait3A_206 : memref<1x1x100xi32, #tpu.memory_space<hbm>> -> memref<100xi32, #tpu.memory_space<hbm>>
        %dma_wait3A_208 = arith.constant 0 : i32
        %dma_wait3A_209 = tpu.memref_slice %arg4[%add3A, %dma_wait3A_204, %dma_wait3A_208] : memref<32x100x100xi32, #tpu.memory_space<hbm>> -> memref<1x1x100xi32, #tpu.memory_space<hbm>>
        %dma_wait3A_210 = tpu.memref_squeeze %dma_wait3A_209 : memref<1x1x100xi32, #tpu.memory_space<hbm>> -> memref<100xi32, #tpu.memory_space<hbm>>
        tpu.wait_dma2 semaphore(%arg36 : memref<!tpu.dma_semaphore, #tpu.memory_space<semaphore_mem>>) src(%dma_wait3A_210 : memref<100xi32, #tpu.memory_space<hbm>>) dst(%arg20 : memref<100xi32, #tpu.memory_space<vmem>>)
        "tpu.region"() ({
          %run_scoped3A = tpu.sem_alloc : memref<!tpu.dma_semaphore, #tpu.memory_space<semaphore_mem>>
          %dma_start3A_225 = arith.constant 0 : i32
          %dma_start3A_226 = arith.constant 0 : i32
          %dma_start3A_227 = tpu.memref_slice %arg22[%dma_start3A_225, %dma_start3A_226] : memref<10000x128xf32, #tpu.memory_space<vmem_shared>> -> memref<10000x128xf32, #tpu.memory_space<vmem_shared>>
          tpu.enqueue_indirect_dma source(%arg7 : memref<100x128xf32, #tpu.memory_space<vmem>>) target(%dma_start3A_227 : memref<10000x128xf32, #tpu.memory_space<vmem_shared>>) offsets(%arg20 : memref<100xi32, #tpu.memory_space<vmem>>) semaphore(%run_scoped3A : memref<!tpu.dma_semaphore, #tpu.memory_space<semaphore_mem>>) {add = true}
          %dma_wait3A_228 = arith.constant 0 : i32
          %dma_wait3A_229 = arith.constant 0 : i32
          %dma_wait3A_230 = tpu.memref_slice %arg22[%dma_wait3A_228, %dma_wait3A_229] : memref<10000x128xf32, #tpu.memory_space<vmem_shared>> -> memref<10000x128xf32, #tpu.memory_space<vmem_shared>>
          tpu.wait_indirect_dma semaphore(%run_scoped3A : memref<!tpu.dma_semaphore, #tpu.memory_space<semaphore_mem>>) src(%arg7 : memref<100x128xf32, #tpu.memory_space<vmem>>) dst(%dma_wait3A_230 : memref<10000x128xf32, #tpu.memory_space<vmem_shared>>)
          tpu.yield
        }) : () -> ()
        %add3A_211 = arith.constant 3 : i32
        %add3A_212 = arith.addi %add3A_186, %add3A_211 : i32
        %lt3A_213 = arith.constant 100 : i32
        %lt3A_214 = arith.cmpi slt, %add3A_212, %lt3A_213 : i32
        %convert_element_type3A_215 = arith.extui %lt3A_214 : i1 to i32
        %cond3A_216 = arith.constant 0 : i32
        %cond3A_217 = arith.cmpi ne, %convert_element_type3A_215, %cond3A_216 : i32
        scf.if %cond3A_217 {
          %dma_wait3A_225 = arith.constant 1 : i32
          %dma_wait3A_226 = arith.constant 0 : i32
          %dma_wait3A_227 = tpu.memref_slice %arg3[%add3A, %dma_wait3A_225, %dma_wait3A_226] : memref<32x100x100xi32, #tpu.memory_space<hbm>> -> memref<1x1x100xi32, #tpu.memory_space<hbm>>
          %dma_wait3A_228 = tpu.memref_squeeze %dma_wait3A_227 : memref<1x1x100xi32, #tpu.memory_space<hbm>> -> memref<100xi32, #tpu.memory_space<hbm>>
          %dma_wait3A_229 = arith.constant 0 : i32
          %dma_wait3A_230 = tpu.memref_slice %arg3[%add3A, %dma_wait3A_225, %dma_wait3A_229] : memref<32x100x100xi32, #tpu.memory_space<hbm>> -> memref<1x1x100xi32, #tpu.memory_space<hbm>>
          %dma_wait3A_231 = tpu.memref_squeeze %dma_wait3A_230 : memref<1x1x100xi32, #tpu.memory_space<hbm>> -> memref<100xi32, #tpu.memory_space<hbm>>
          tpu.wait_dma2 semaphore(%arg27 : memref<!tpu.dma_semaphore, #tpu.memory_space<semaphore_mem>>) src(%dma_wait3A_231 : memref<100xi32, #tpu.memory_space<hbm>>) dst(%arg11 : memref<100xi32, #tpu.memory_space<vmem>>)
          %dma_start3A_232 = arith.constant 0 : i32
          %dma_start3A_233 = arith.constant 0 : i32
          %dma_start3A_234 = tpu.memref_slice %arg2[%dma_start3A_232, %dma_start3A_233] : memref<10000x128xf32, #tpu.memory_space<hbm>> -> memref<10000x128xf32, #tpu.memory_space<hbm>>
          tpu.enqueue_indirect_dma source(%dma_start3A_234 : memref<10000x128xf32, #tpu.memory_space<hbm>>) target(%arg7 : memref<100x128xf32, #tpu.memory_space<vmem>>) offsets(%arg11 : memref<100xi32, #tpu.memory_space<vmem>>) semaphore(%arg24 : memref<!tpu.dma_semaphore, #tpu.memory_space<semaphore_mem>>)
        } else {
        }
        %add3A_218 = arith.constant 6 : i32
        %add3A_219 = arith.addi %add3A_186, %add3A_218 : i32
        %lt3A_220 = arith.constant 100 : i32
        %lt3A_221 = arith.cmpi slt, %add3A_219, %lt3A_220 : i32
        %convert_element_type3A_222 = arith.extui %lt3A_221 : i1 to i32
        %cond3A_223 = arith.constant 0 : i32
        %cond3A_224 = arith.cmpi ne, %convert_element_type3A_222, %cond3A_223 : i32
        scf.if %cond3A_224 {
          %add3A_225 = arith.constant 6 : i32
          %add3A_226 = arith.addi %add3A_186, %add3A_225 : i32
          %dma_start3A_227 = arith.constant 0 : i32
          %dma_start3A_228 = tpu.memref_slice %arg3[%add3A, %add3A_226, %dma_start3A_227] : memref<32x100x100xi32, #tpu.memory_space<hbm>> -> memref<1x1x100xi32, #tpu.memory_space<hbm>>
          %dma_start3A_229 = tpu.memref_squeeze %dma_start3A_228 : memref<1x1x100xi32, #tpu.memory_space<hbm>> -> memref<100xi32, #tpu.memory_space<hbm>>
          %dma_start3A_230 = arith.constant 0 : i32
          %dma_start3A_231 = tpu.memref_slice %arg3[%add3A, %add3A_226, %dma_start3A_230] : memref<32x100x100xi32, #tpu.memory_space<hbm>> -> memref<1x1x100xi32, #tpu.memory_space<hbm>>
          %dma_start3A_232 = tpu.memref_squeeze %dma_start3A_231 : memref<1x1x100xi32, #tpu.memory_space<hbm>> -> memref<100xi32, #tpu.memory_space<hbm>>
          tpu.enqueue_dma source(%dma_start3A_232 : memref<100xi32, #tpu.memory_space<hbm>>) target(%arg14 : memref<100xi32, #tpu.memory_space<vmem>>) target_semaphore(%arg30 : memref<!tpu.dma_semaphore, #tpu.memory_space<semaphore_mem>>)
          %add3A_233 = arith.constant 6 : i32
          %add3A_234 = arith.addi %add3A_186, %add3A_233 : i32
          %dma_start3A_235 = arith.constant 0 : i32
          %dma_start3A_236 = tpu.memref_slice %arg4[%add3A, %add3A_234, %dma_start3A_235] : memref<32x100x100xi32, #tpu.memory_space<hbm>> -> memref<1x1x100xi32, #tpu.memory_space<hbm>>
          %dma_start3A_237 = tpu.memref_squeeze %dma_start3A_236 : memref<1x1x100xi32, #tpu.memory_space<hbm>> -> memref<100xi32, #tpu.memory_space<hbm>>
          %dma_start3A_238 = arith.constant 0 : i32
          %dma_start3A_239 = tpu.memref_slice %arg4[%add3A, %add3A_234, %dma_start3A_238] : memref<32x100x100xi32, #tpu.memory_space<hbm>> -> memref<1x1x100xi32, #tpu.memory_space<hbm>>
          %dma_start3A_240 = tpu.memref_squeeze %dma_start3A_239 : memref<1x1x100xi32, #tpu.memory_space<hbm>> -> memref<100xi32, #tpu.memory_space<hbm>>
          tpu.enqueue_dma source(%dma_start3A_240 : memref<100xi32, #tpu.memory_space<hbm>>) target(%arg20 : memref<100xi32, #tpu.memory_space<vmem>>) target_semaphore(%arg36 : memref<!tpu.dma_semaphore, #tpu.memory_space<semaphore_mem>>)
        } else {
        }
      } else {
      }
      %mul3A_192 = arith.constant 6 : i32
      %mul3A_193 = arith.muli %scan3A_149, %mul3A_192 : i32
      %add3A_194 = arith.constant 5 : i32
      %add3A_195 = arith.addi %mul3A_193, %add3A_194 : i32
      %lt3A_196 = arith.constant 100 : i32
      %lt3A_197 = arith.cmpi slt, %add3A_195, %lt3A_196 : i32
      %convert_element_type3A_198 = arith.extui %lt3A_197 : i1 to i32
      %cond3A_199 = arith.constant 0 : i32
      %cond3A_200 = arith.cmpi ne, %convert_element_type3A_198, %cond3A_199 : i32
      scf.if %cond3A_200 {
        %dma_wait3A_201 = arith.constant 0 : i32
        %dma_wait3A_202 = arith.constant 0 : i32
        %dma_wait3A_203 = tpu.memref_slice %arg2[%dma_wait3A_201, %dma_wait3A_202] : memref<10000x128xf32, #tpu.memory_space<hbm>> -> memref<10000x128xf32, #tpu.memory_space<hbm>>
        tpu.wait_indirect_dma semaphore(%arg25 : memref<!tpu.dma_semaphore, #tpu.memory_space<semaphore_mem>>) src(%dma_wait3A_203 : memref<10000x128xf32, #tpu.memory_space<hbm>>) dst(%arg8 : memref<100x128xf32, #tpu.memory_space<vmem>>)
        %dma_wait3A_204 = arith.constant 5 : i32
        %dma_wait3A_205 = arith.constant 0 : i32
        %dma_wait3A_206 = tpu.memref_slice %arg4[%add3A, %dma_wait3A_204, %dma_wait3A_205] : memref<32x100x100xi32, #tpu.memory_space<hbm>> -> memref<1x1x100xi32, #tpu.memory_space<hbm>>
        %dma_wait3A_207 = tpu.memref_squeeze %dma_wait3A_206 : memref<1x1x100xi32, #tpu.memory_space<hbm>> -> memref<100xi32, #tpu.memory_space<hbm>>
        %dma_wait3A_208 = arith.constant 0 : i32
        %dma_wait3A_209 = tpu.memref_slice %arg4[%add3A, %dma_wait3A_204, %dma_wait3A_208] : memref<32x100x100xi32, #tpu.memory_space<hbm>> -> memref<1x1x100xi32, #tpu.memory_space<hbm>>
        %dma_wait3A_210 = tpu.memref_squeeze %dma_wait3A_209 : memref<1x1x100xi32, #tpu.memory_space<hbm>> -> memref<100xi32, #tpu.memory_space<hbm>>
        tpu.wait_dma2 semaphore(%arg37 : memref<!tpu.dma_semaphore, #tpu.memory_space<semaphore_mem>>) src(%dma_wait3A_210 : memref<100xi32, #tpu.memory_space<hbm>>) dst(%arg21 : memref<100xi32, #tpu.memory_space<vmem>>)
        "tpu.region"() ({
          %run_scoped3A = tpu.sem_alloc : memref<!tpu.dma_semaphore, #tpu.memory_space<semaphore_mem>>
          %dma_start3A_225 = arith.constant 0 : i32
          %dma_start3A_226 = arith.constant 0 : i32
          %dma_start3A_227 = tpu.memref_slice %arg22[%dma_start3A_225, %dma_start3A_226] : memref<10000x128xf32, #tpu.memory_space<vmem_shared>> -> memref<10000x128xf32, #tpu.memory_space<vmem_shared>>
          tpu.enqueue_indirect_dma source(%arg8 : memref<100x128xf32, #tpu.memory_space<vmem>>) target(%dma_start3A_227 : memref<10000x128xf32, #tpu.memory_space<vmem_shared>>) offsets(%arg21 : memref<100xi32, #tpu.memory_space<vmem>>) semaphore(%run_scoped3A : memref<!tpu.dma_semaphore, #tpu.memory_space<semaphore_mem>>) {add = true}
          %dma_wait3A_228 = arith.constant 0 : i32
          %dma_wait3A_229 = arith.constant 0 : i32
          %dma_wait3A_230 = tpu.memref_slice %arg22[%dma_wait3A_228, %dma_wait3A_229] : memref<10000x128xf32, #tpu.memory_space<vmem_shared>> -> memref<10000x128xf32, #tpu.memory_space<vmem_shared>>
          tpu.wait_indirect_dma semaphore(%run_scoped3A : memref<!tpu.dma_semaphore, #tpu.memory_space<semaphore_mem>>) src(%arg8 : memref<100x128xf32, #tpu.memory_space<vmem>>) dst(%dma_wait3A_230 : memref<10000x128xf32, #tpu.memory_space<vmem_shared>>)
          tpu.yield
        }) : () -> ()
        %add3A_211 = arith.constant 3 : i32
        %add3A_212 = arith.addi %add3A_195, %add3A_211 : i32
        %lt3A_213 = arith.constant 100 : i32
        %lt3A_214 = arith.cmpi slt, %add3A_212, %lt3A_213 : i32
        %convert_element_type3A_215 = arith.extui %lt3A_214 : i1 to i32
        %cond3A_216 = arith.constant 0 : i32
        %cond3A_217 = arith.cmpi ne, %convert_element_type3A_215, %cond3A_216 : i32
        scf.if %cond3A_217 {
          %dma_wait3A_225 = arith.constant 2 : i32
          %dma_wait3A_226 = arith.constant 0 : i32
          %dma_wait3A_227 = tpu.memref_slice %arg3[%add3A, %dma_wait3A_225, %dma_wait3A_226] : memref<32x100x100xi32, #tpu.memory_space<hbm>> -> memref<1x1x100xi32, #tpu.memory_space<hbm>>
          %dma_wait3A_228 = tpu.memref_squeeze %dma_wait3A_227 : memref<1x1x100xi32, #tpu.memory_space<hbm>> -> memref<100xi32, #tpu.memory_space<hbm>>
          %dma_wait3A_229 = arith.constant 0 : i32
          %dma_wait3A_230 = tpu.memref_slice %arg3[%add3A, %dma_wait3A_225, %dma_wait3A_229] : memref<32x100x100xi32, #tpu.memory_space<hbm>> -> memref<1x1x100xi32, #tpu.memory_space<hbm>>
          %dma_wait3A_231 = tpu.memref_squeeze %dma_wait3A_230 : memref<1x1x100xi32, #tpu.memory_space<hbm>> -> memref<100xi32, #tpu.memory_space<hbm>>
          tpu.wait_dma2 semaphore(%arg28 : memref<!tpu.dma_semaphore, #tpu.memory_space<semaphore_mem>>) src(%dma_wait3A_231 : memref<100xi32, #tpu.memory_space<hbm>>) dst(%arg12 : memref<100xi32, #tpu.memory_space<vmem>>)
          %dma_start3A_232 = arith.constant 0 : i32
          %dma_start3A_233 = arith.constant 0 : i32
          %dma_start3A_234 = tpu.memref_slice %arg2[%dma_start3A_232, %dma_start3A_233] : memref<10000x128xf32, #tpu.memory_space<hbm>> -> memref<10000x128xf32, #tpu.memory_space<hbm>>
          tpu.enqueue_indirect_dma source(%dma_start3A_234 : memref<10000x128xf32, #tpu.memory_space<hbm>>) target(%arg8 : memref<100x128xf32, #tpu.memory_space<vmem>>) offsets(%arg12 : memref<100xi32, #tpu.memory_space<vmem>>) semaphore(%arg25 : memref<!tpu.dma_semaphore, #tpu.memory_space<semaphore_mem>>)
        } else {
        }
        %add3A_218 = arith.constant 6 : i32
        %add3A_219 = arith.addi %add3A_195, %add3A_218 : i32
        %lt3A_220 = arith.constant 100 : i32
        %lt3A_221 = arith.cmpi slt, %add3A_219, %lt3A_220 : i32
        %convert_element_type3A_222 = arith.extui %lt3A_221 : i1 to i32
        %cond3A_223 = arith.constant 0 : i32
        %cond3A_224 = arith.cmpi ne, %convert_element_type3A_222, %cond3A_223 : i32
        scf.if %cond3A_224 {
          %add3A_225 = arith.constant 6 : i32
          %add3A_226 = arith.addi %add3A_195, %add3A_225 : i32
          %dma_start3A_227 = arith.constant 0 : i32
          %dma_start3A_228 = tpu.memref_slice %arg3[%add3A, %add3A_226, %dma_start3A_227] : memref<32x100x100xi32, #tpu.memory_space<hbm>> -> memref<1x1x100xi32, #tpu.memory_space<hbm>>
          %dma_start3A_229 = tpu.memref_squeeze %dma_start3A_228 : memref<1x1x100xi32, #tpu.memory_space<hbm>> -> memref<100xi32, #tpu.memory_space<hbm>>
          %dma_start3A_230 = arith.constant 0 : i32
          %dma_start3A_231 = tpu.memref_slice %arg3[%add3A, %add3A_226, %dma_start3A_230] : memref<32x100x100xi32, #tpu.memory_space<hbm>> -> memref<1x1x100xi32, #tpu.memory_space<hbm>>
          %dma_start3A_232 = tpu.memref_squeeze %dma_start3A_231 : memref<1x1x100xi32, #tpu.memory_space<hbm>> -> memref<100xi32, #tpu.memory_space<hbm>>
          tpu.enqueue_dma source(%dma_start3A_232 : memref<100xi32, #tpu.memory_space<hbm>>) target(%arg15 : memref<100xi32, #tpu.memory_space<vmem>>) target_semaphore(%arg31 : memref<!tpu.dma_semaphore, #tpu.memory_space<semaphore_mem>>)
          %add3A_233 = arith.constant 6 : i32
          %add3A_234 = arith.addi %add3A_195, %add3A_233 : i32
          %dma_start3A_235 = arith.constant 0 : i32
          %dma_start3A_236 = tpu.memref_slice %arg4[%add3A, %add3A_234, %dma_start3A_235] : memref<32x100x100xi32, #tpu.memory_space<hbm>> -> memref<1x1x100xi32, #tpu.memory_space<hbm>>
          %dma_start3A_237 = tpu.memref_squeeze %dma_start3A_236 : memref<1x1x100xi32, #tpu.memory_space<hbm>> -> memref<100xi32, #tpu.memory_space<hbm>>
          %dma_start3A_238 = arith.constant 0 : i32
          %dma_start3A_239 = tpu.memref_slice %arg4[%add3A, %add3A_234, %dma_start3A_238] : memref<32x100x100xi32, #tpu.memory_space<hbm>> -> memref<1x1x100xi32, #tpu.memory_space<hbm>>
          %dma_start3A_240 = tpu.memref_squeeze %dma_start3A_239 : memref<1x1x100xi32, #tpu.memory_space<hbm>> -> memref<100xi32, #tpu.memory_space<hbm>>
          tpu.enqueue_dma source(%dma_start3A_240 : memref<100xi32, #tpu.memory_space<hbm>>) target(%arg21 : memref<100xi32, #tpu.memory_space<vmem>>) target_semaphore(%arg37 : memref<!tpu.dma_semaphore, #tpu.memory_space<semaphore_mem>>)
        } else {
        }
      } else {
      }
    }
    %scan3A_135 = arith.constant 17 : i32
    %barrier3A_136 = arith.constant 0 : index
    tpu.barrier barrier_id(%barrier3A_136)
    %scan3A_137 = arith.constant 0 : i32
    %scan3A_138 = arith.constant 0 : i32
    %scan3A_139 = arith.constant 4 : i32
    %scan3A_140 = arith.addi %scan3A_138, %scan3A_139 : i32
    %scan3A_141 = arith.constant 1 : i32
    scf.for %scan3A_149 = %scan3A_138 to %scan3A_140 step %scan3A_141  : i32 {
      %mul3A_150 = arith.constant 16 : i32
      %mul3A_151 = arith.muli %scan3A_149, %mul3A_150 : i32
      %add3A_152 = arith.addi %mul3A_151, %arg1 : i32
      %lt3A = arith.constant 50 : i32
      %lt3A_153 = arith.cmpi slt, %add3A_152, %lt3A : i32
      %convert_element_type3A = arith.extui %lt3A_153 : i1 to i32
      %cond3A = arith.constant 0 : i32
      %cond3A_154 = arith.cmpi ne, %convert_element_type3A, %cond3A : i32
      scf.if %cond3A_154 {
        %mul3A_155 = arith.constant 200 : i32
        %mul3A_156 = arith.muli %add3A_152, %mul3A_155 : i32
        %mul3A_157 = arith.constant 200 : i32
        %mul3A_158 = arith.muli %add3A_152, %mul3A_157 : i32
        %dma_start3A_159 = arith.constant 0 : i32
        %dma_start3A_160 = tpu.memref_slice %arg5[%arg0, %mul3A_158, %dma_start3A_159] : memref<2x10000x128xf32, #tpu.memory_space<hbm>> -> memref<1x200x128xf32, #tpu.memory_space<hbm>>
        %dma_start3A_161 = tpu.memref_squeeze %dma_start3A_160 : memref<1x200x128xf32, #tpu.memory_space<hbm>> -> memref<200x128xf32, #tpu.memory_space<hbm>>
        %dma_start3A_162 = arith.constant 0 : i32
        %dma_start3A_163 = tpu.memref_slice %arg22[%mul3A_156, %dma_start3A_162] : memref<10000x128xf32, #tpu.memory_space<vmem_shared>> -> memref<200x128xf32, #tpu.memory_space<vmem_shared>>
        tpu.enqueue_dma source(%dma_start3A_163 : memref<200x128xf32, #tpu.memory_space<vmem_shared>>) target(%dma_start3A_161 : memref<200x128xf32, #tpu.memory_space<hbm>>) target_semaphore(%arg39 : memref<!tpu.dma_semaphore, #tpu.memory_space<semaphore_mem>>)
      } else {
      }
    }
    %scan3A_142 = arith.constant 4 : i32
    %scan3A_143 = arith.constant 0 : i32
    %scan3A_144 = arith.constant 0 : i32
    %scan3A_145 = arith.constant 4 : i32
    %scan3A_146 = arith.addi %scan3A_144, %scan3A_145 : i32
    %scan3A_147 = arith.constant 1 : i32
    scf.for %scan3A_149 = %scan3A_144 to %scan3A_146 step %scan3A_147  : i32 {
      %mul3A_150 = arith.constant 16 : i32
      %mul3A_151 = arith.muli %scan3A_149, %mul3A_150 : i32
      %add3A_152 = arith.addi %mul3A_151, %arg1 : i32
      %lt3A = arith.constant 50 : i32
      %lt3A_153 = arith.cmpi slt, %add3A_152, %lt3A : i32
      %convert_element_type3A = arith.extui %lt3A_153 : i1 to i32
      %cond3A = arith.constant 0 : i32
      %cond3A_154 = arith.cmpi ne, %convert_element_type3A, %cond3A : i32
      scf.if %cond3A_154 {
        %mul3A_155 = arith.constant 200 : i32
        %mul3A_156 = arith.muli %add3A_152, %mul3A_155 : i32
        %mul3A_157 = arith.constant 200 : i32
        %mul3A_158 = arith.muli %add3A_152, %mul3A_157 : i32
        %dma_wait3A_159 = arith.constant 0 : i32
        %dma_wait3A_160 = tpu.memref_slice %arg5[%arg0, %mul3A_158, %dma_wait3A_159] : memref<2x10000x128xf32, #tpu.memory_space<hbm>> -> memref<1x200x128xf32, #tpu.memory_space<hbm>>
        %dma_wait3A_161 = tpu.memref_squeeze %dma_wait3A_160 : memref<1x200x128xf32, #tpu.memory_space<hbm>> -> memref<200x128xf32, #tpu.memory_space<hbm>>
        %dma_wait3A_162 = arith.constant 0 : i32
        %dma_wait3A_163 = tpu.memref_slice %arg22[%mul3A_156, %dma_wait3A_162] : memref<10000x128xf32, #tpu.memory_space<vmem_shared>> -> memref<200x128xf32, #tpu.memory_space<vmem_shared>>
        tpu.wait_dma2 semaphore(%arg39 : memref<!tpu.dma_semaphore, #tpu.memory_space<semaphore_mem>>) src(%dma_wait3A_163 : memref<200x128xf32, #tpu.memory_space<vmem_shared>>) dst(%dma_wait3A_161 : memref<200x128xf32, #tpu.memory_space<hbm>>)
      } else {
      }
    }
    %scan3A_148 = arith.constant 4 : i32
    return
  }
}

#map = affine_map<(d0, d1) -> (0, 0)>
#map1 = affine_map<(d0, d1) -> (0, 0, 0)>
module attributes {stable_mosaic.version = 14 : i64} {
  func.func @_sc_agg_body(%arg0: i32, %arg1: i32, %arg2: memref<10000x128xf32, #tpu.memory_space<hbm>>, %arg3: memref<32x100x100xi32, #tpu.memory_space<hbm>>, %arg4: memref<32x100x100xi32, #tpu.memory_space<hbm>>, %arg5: memref<2x10000x128xf32, #tpu.memory_space<hbm>>, %arg6: memref<100x128xf32, #tpu.memory_space<vmem>>, %arg7: memref<100x128xf32, #tpu.memory_space<vmem>>, %arg8: memref<100x128xf32, #tpu.memory_space<vmem>>, %arg9: memref<40x128xf32, #tpu.memory_space<vmem>>, %arg10: memref<100xi32, #tpu.memory_space<vmem>>, %arg11: memref<100xi32, #tpu.memory_space<vmem>>, %arg12: memref<100xi32, #tpu.memory_space<vmem>>, %arg13: memref<100xi32, #tpu.memory_space<vmem>>, %arg14: memref<100xi32, #tpu.memory_space<vmem>>, %arg15: memref<100xi32, #tpu.memory_space<vmem>>, %arg16: memref<100xi32, #tpu.memory_space<vmem>>, %arg17: memref<100xi32, #tpu.memory_space<vmem>>, %arg18: memref<100xi32, #tpu.memory_space<vmem>>, %arg19: memref<100xi32, #tpu.memory_space<vmem>>, %arg20: memref<100xi32, #tpu.memory_space<vmem>>, %arg21: memref<100xi32, #tpu.memory_space<vmem>>, %arg22: memref<10000x128xf32, #tpu.memory_space<vmem_shared>>, %arg23: memref<!tpu.dma_semaphore, #tpu.memory_space<semaphore_mem>>, %arg24: memref<!tpu.dma_semaphore, #tpu.memory_space<semaphore_mem>>, %arg25: memref<!tpu.dma_semaphore, #tpu.memory_space<semaphore_mem>>, %arg26: memref<!tpu.dma_semaphore, #tpu.memory_space<semaphore_mem>>, %arg27: memref<!tpu.dma_semaphore, #tpu.memory_space<semaphore_mem>>, %arg28: memref<!tpu.dma_semaphore, #tpu.memory_space<semaphore_mem>>, %arg29: memref<!tpu.dma_semaphore, #tpu.memory_space<semaphore_mem>>, %arg30: memref<!tpu.dma_semaphore, #tpu.memory_space<semaphore_mem>>, %arg31: memref<!tpu.dma_semaphore, #tpu.memory_space<semaphore_mem>>, %arg32: memref<!tpu.dma_semaphore, #tpu.memory_space<semaphore_mem>>, %arg33: memref<!tpu.dma_semaphore, #tpu.memory_space<semaphore_mem>>, %arg34: memref<!tpu.dma_semaphore, #tpu.memory_space<semaphore_mem>>, %arg35: memref<!tpu.dma_semaphore, #tpu.memory_space<semaphore_mem>>, %arg36: memref<!tpu.dma_semaphore, #tpu.memory_space<semaphore_mem>>, %arg37: memref<!tpu.dma_semaphore, #tpu.memory_space<semaphore_mem>>, %arg38: memref<!tpu.dma_semaphore, #tpu.memory_space<semaphore_mem>>, %arg39: memref<!tpu.dma_semaphore, #tpu.memory_space<semaphore_mem>>) attributes {dimension_semantics = [#tpu.dimension_semantics<core_parallel>, #tpu.dimension_semantics<subcore_parallel>], iteration_bounds = array<i64: 2, 16>, scalar_prefetch = 0 : i64, scratch_operands = 34 : i64, tpu.core_type = #tpu.core_type<sc_vector_subcore>, window_params = [{transform_indices = #map}, {transform_indices = #map1}, {transform_indices = #map1}, {transform_indices = #map1}]} {
    %mul3A = arith.constant 2 : i32
    %mul3A_0 = arith.muli %arg1, %mul3A : i32
    %add3A = arith.addi %mul3A_0, %arg0 : i32
    %scan3A = arith.constant 0 : i32
    %scan3A_1 = arith.constant 0 : i32
    %scan3A_2 = arith.constant 40 : i32
    %scan3A_3 = arith.addi %scan3A_1, %scan3A_2 : i32
    %scan3A_4 = arith.constant 1 : i32
    scf.for %scan3A_149 = %scan3A_1 to %scan3A_3 step %scan3A_4  : i32 {
      %broadcast_in_dim3A = arith.constant 0.000000e+00 : f32
      %broadcast_in_dim3A_150 = vector.broadcast %broadcast_in_dim3A : f32 to vector<16xf32>
      %swap3A = arith.index_cast %scan3A_149 : i32 to index
      %swap3A_151 = arith.constant 0 : index
      %swap3A_152 = tpu.vector_load %arg9[%swap3A, %swap3A_151] {strides = array<i32>} : memref<40x128xf32, #tpu.memory_space<vmem>>, vector<1x16xf32>,
      %swap3A_153 = vector.shape_cast %swap3A_152 : vector<1x16xf32> to vector<16xf32>
      %swap3A_154 = vector.shape_cast %broadcast_in_dim3A_150 : vector<16xf32> to vector<1x16xf32>
      tpu.vector_store %arg9[%swap3A, %swap3A_151], %swap3A_154 {strides = array<i32>} : memref<40x128xf32, #tpu.memory_space<vmem>>, vector<1x16xf32>,
      %broadcast_in_dim3A_155 = arith.constant 0.000000e+00 : f32
      %broadcast_in_dim3A_156 = vector.broadcast %broadcast_in_dim3A_155 : f32 to vector<16xf32>
      %swap3A_157 = arith.index_cast %scan3A_149 : i32 to index
      %swap3A_158 = arith.constant 16 : index
      %swap3A_159 = tpu.vector_load %arg9[%swap3A_157, %swap3A_158] {strides = array<i32>} : memref<40x128xf32, #tpu.memory_space<vmem>>, vector<1x16xf32>,
      %swap3A_160 = vector.shape_cast %swap3A_159 : vector<1x16xf32> to vector<16xf32>
      %swap3A_161 = vector.shape_cast %broadcast_in_dim3A_156 : vector<16xf32> to vector<1x16xf32>
      tpu.vector_store %arg9[%swap3A_157, %swap3A_158], %swap3A_161 {strides = array<i32>} : memref<40x128xf32, #tpu.memory_space<vmem>>, vector<1x16xf32>,
      %broadcast_in_dim3A_162 = arith.constant 0.000000e+00 : f32
      %broadcast_in_dim3A_163 = vector.broadcast %broadcast_in_dim3A_162 : f32 to vector<16xf32>
      %swap3A_164 = arith.index_cast %scan3A_149 : i32 to index
      %swap3A_165 = arith.constant 32 : index
      %swap3A_166 = tpu.vector_load %arg9[%swap3A_164, %swap3A_165] {strides = array<i32>} : memref<40x128xf32, #tpu.memory_space<vmem>>, vector<1x16xf32>,
      %swap3A_167 = vector.shape_cast %swap3A_166 : vector<1x16xf32> to vector<16xf32>
      %swap3A_168 = vector.shape_cast %broadcast_in_dim3A_163 : vector<16xf32> to vector<1x16xf32>
      tpu.vector_store %arg9[%swap3A_164, %swap3A_165], %swap3A_168 {strides = array<i32>} : memref<40x128xf32, #tpu.memory_space<vmem>>, vector<1x16xf32>,
      %broadcast_in_dim3A_169 = arith.constant 0.000000e+00 : f32
      %broadcast_in_dim3A_170 = vector.broadcast %broadcast_in_dim3A_169 : f32 to vector<16xf32>
      %swap3A_171 = arith.index_cast %scan3A_149 : i32 to index
      %swap3A_172 = arith.constant 48 : index
      %swap3A_173 = tpu.vector_load %arg9[%swap3A_171, %swap3A_172] {strides = array<i32>} : memref<40x128xf32, #tpu.memory_space<vmem>>, vector<1x16xf32>,
      %swap3A_174 = vector.shape_cast %swap3A_173 : vector<1x16xf32> to vector<16xf32>
      %swap3A_175 = vector.shape_cast %broadcast_in_dim3A_170 : vector<16xf32> to vector<1x16xf32>
      tpu.vector_store %arg9[%swap3A_171, %swap3A_172], %swap3A_175 {strides = array<i32>} : memref<40x128xf32, #tpu.memory_space<vmem>>, vector<1x16xf32>,
      %broadcast_in_dim3A_176 = arith.constant 0.000000e+00 : f32
      %broadcast_in_dim3A_177 = vector.broadcast %broadcast_in_dim3A_176 : f32 to vector<16xf32>
      %swap3A_178 = arith.index_cast %scan3A_149 : i32 to index
      %swap3A_179 = arith.constant 64 : index
      %swap3A_180 = tpu.vector_load %arg9[%swap3A_178, %swap3A_179] {strides = array<i32>} : memref<40x128xf32, #tpu.memory_space<vmem>>, vector<1x16xf32>,
      %swap3A_181 = vector.shape_cast %swap3A_180 : vector<1x16xf32> to vector<16xf32>
      %swap3A_182 = vector.shape_cast %broadcast_in_dim3A_177 : vector<16xf32> to vector<1x16xf32>
      tpu.vector_store %arg9[%swap3A_178, %swap3A_179], %swap3A_182 {strides = array<i32>} : memref<40x128xf32, #tpu.memory_space<vmem>>, vector<1x16xf32>,
      %broadcast_in_dim3A_183 = arith.constant 0.000000e+00 : f32
      %broadcast_in_dim3A_184 = vector.broadcast %broadcast_in_dim3A_183 : f32 to vector<16xf32>
      %swap3A_185 = arith.index_cast %scan3A_149 : i32 to index
      %swap3A_186 = arith.constant 80 : index
      %swap3A_187 = tpu.vector_load %arg9[%swap3A_185, %swap3A_186] {strides = array<i32>} : memref<40x128xf32, #tpu.memory_space<vmem>>, vector<1x16xf32>,
      %swap3A_188 = vector.shape_cast %swap3A_187 : vector<1x16xf32> to vector<16xf32>
      %swap3A_189 = vector.shape_cast %broadcast_in_dim3A_184 : vector<16xf32> to vector<1x16xf32>
      tpu.vector_store %arg9[%swap3A_185, %swap3A_186], %swap3A_189 {strides = array<i32>} : memref<40x128xf32, #tpu.memory_space<vmem>>, vector<1x16xf32>,
      %broadcast_in_dim3A_190 = arith.constant 0.000000e+00 : f32
      %broadcast_in_dim3A_191 = vector.broadcast %broadcast_in_dim3A_190 : f32 to vector<16xf32>
      %swap3A_192 = arith.index_cast %scan3A_149 : i32 to index
      %swap3A_193 = arith.constant 96 : index
      %swap3A_194 = tpu.vector_load %arg9[%swap3A_192, %swap3A_193] {strides = array<i32>} : memref<40x128xf32, #tpu.memory_space<vmem>>, vector<1x16xf32>,
      %swap3A_195 = vector.shape_cast %swap3A_194 : vector<1x16xf32> to vector<16xf32>
      %swap3A_196 = vector.shape_cast %broadcast_in_dim3A_191 : vector<16xf32> to vector<1x16xf32>
      tpu.vector_store %arg9[%swap3A_192, %swap3A_193], %swap3A_196 {strides = array<i32>} : memref<40x128xf32, #tpu.memory_space<vmem>>, vector<1x16xf32>,
      %broadcast_in_dim3A_197 = arith.constant 0.000000e+00 : f32
      %broadcast_in_dim3A_198 = vector.broadcast %broadcast_in_dim3A_197 : f32 to vector<16xf32>
      %swap3A_199 = arith.index_cast %scan3A_149 : i32 to index
      %swap3A_200 = arith.constant 112 : index
      %swap3A_201 = tpu.vector_load %arg9[%swap3A_199, %swap3A_200] {strides = array<i32>} : memref<40x128xf32, #tpu.memory_space<vmem>>, vector<1x16xf32>,
      %swap3A_202 = vector.shape_cast %swap3A_201 : vector<1x16xf32> to vector<16xf32>
      %swap3A_203 = vector.shape_cast %broadcast_in_dim3A_198 : vector<16xf32> to vector<1x16xf32>
      tpu.vector_store %arg9[%swap3A_199, %swap3A_200], %swap3A_203 {strides = array<i32>} : memref<40x128xf32, #tpu.memory_space<vmem>>, vector<1x16xf32>,
    }
    %scan3A_5 = arith.constant 40 : i32
    %scan3A_6 = arith.constant 0 : i32
    %scan3A_7 = arith.constant 0 : i32
    %scan3A_8 = arith.constant 16 : i32
    %scan3A_9 = arith.addi %scan3A_7, %scan3A_8 : i32
    %scan3A_10 = arith.constant 1 : i32
    scf.for %scan3A_149 = %scan3A_7 to %scan3A_9 step %scan3A_10  : i32 {
      %mul3A_150 = arith.constant 16 : i32
      %mul3A_151 = arith.muli %scan3A_149, %mul3A_150 : i32
      %add3A_152 = arith.addi %mul3A_151, %arg1 : i32
      %lt3A = arith.constant 250 : i32
      %lt3A_153 = arith.cmpi slt, %add3A_152, %lt3A : i32
      %convert_element_type3A = arith.extui %lt3A_153 : i1 to i32
      %cond3A = arith.constant 0 : i32
      %cond3A_154 = arith.cmpi ne, %convert_element_type3A, %cond3A : i32
      scf.if %cond3A_154 {
        %mul3A_155 = arith.constant 40 : i32
        %mul3A_156 = arith.muli %add3A_152, %mul3A_155 : i32
        %dma_start3A_157 = arith.constant 0 : i32
        %dma_start3A_158 = tpu.memref_slice %arg22[%mul3A_156, %dma_start3A_157] : memref<10000x128xf32, #tpu.memory_space<vmem_shared>> -> memref<40x128xf32, #tpu.memory_space<vmem_shared>>
        %dma_start3A_159 = arith.constant 0 : i32
        %dma_start3A_160 = tpu.memref_slice %arg22[%mul3A_156, %dma_start3A_159] : memref<10000x128xf32, #tpu.memory_space<vmem_shared>> -> memref<40x128xf32, #tpu.memory_space<vmem_shared>>
        tpu.enqueue_dma source(%arg9 : memref<40x128xf32, #tpu.memory_space<vmem>>) target(%dma_start3A_160 : memref<40x128xf32, #tpu.memory_space<vmem_shared>>) target_semaphore(%arg38 : memref<!tpu.dma_semaphore, #tpu.memory_space<semaphore_mem>>)
      } else {
      }
    }
    %scan3A_11 = arith.constant 16 : i32
    %dma_start3A = arith.constant 0 : i32
    %dma_start3A_12 = arith.constant 0 : i32
    %dma_start3A_13 = tpu.memref_slice %arg3[%add3A, %dma_start3A, %dma_start3A_12] : memref<32x100x100xi32, #tpu.memory_space<hbm>> -> memref<1x1x100xi32, #tpu.memory_space<hbm>>
    %dma_start3A_14 = tpu.memref_squeeze %dma_start3A_13 : memref<1x1x100xi32, #tpu.memory_space<hbm>> -> memref<100xi32, #tpu.memory_space<hbm>>
    %dma_start3A_15 = arith.constant 0 : i32
    %dma_start3A_16 = tpu.memref_slice %arg3[%add3A, %dma_start3A, %dma_start3A_15] : memref<32x100x100xi32, #tpu.memory_space<hbm>> -> memref<1x1x100xi32, #tpu.memory_space<hbm>>
    %dma_start3A_17 = tpu.memref_squeeze %dma_start3A_16 : memref<1x1x100xi32, #tpu.memory_space<hbm>> -> memref<100xi32, #tpu.memory_space<hbm>>
    tpu.enqueue_dma source(%dma_start3A_17 : memref<100xi32, #tpu.memory_space<hbm>>) target(%arg10 : memref<100xi32, #tpu.memory_space<vmem>>) target_semaphore(%arg26 : memref<!tpu.dma_semaphore, #tpu.memory_space<semaphore_mem>>)
    %dma_start3A_18 = arith.constant 0 : i32
    %dma_start3A_19 = arith.constant 0 : i32
    %dma_start3A_20 = tpu.memref_slice %arg4[%add3A, %dma_start3A_18, %dma_start3A_19] : memref<32x100x100xi32, #tpu.memory_space<hbm>> -> memref<1x1x100xi32, #tpu.memory_space<hbm>>
    %dma_start3A_21 = tpu.memref_squeeze %dma_start3A_20 : memref<1x1x100xi32, #tpu.memory_space<hbm>> -> memref<100xi32, #tpu.memory_space<hbm>>
    %dma_start3A_22 = arith.constant 0 : i32
    %dma_start3A_23 = tpu.memref_slice %arg4[%add3A, %dma_start3A_18, %dma_start3A_22] : memref<32x100x100xi32, #tpu.memory_space<hbm>> -> memref<1x1x100xi32, #tpu.memory_space<hbm>>
    %dma_start3A_24 = tpu.memref_squeeze %dma_start3A_23 : memref<1x1x100xi32, #tpu.memory_space<hbm>> -> memref<100xi32, #tpu.memory_space<hbm>>
    tpu.enqueue_dma source(%dma_start3A_24 : memref<100xi32, #tpu.memory_space<hbm>>) target(%arg16 : memref<100xi32, #tpu.memory_space<vmem>>) target_semaphore(%arg32 : memref<!tpu.dma_semaphore, #tpu.memory_space<semaphore_mem>>)
    %dma_start3A_25 = arith.constant 1 : i32
    %dma_start3A_26 = arith.constant 0 : i32
    %dma_start3A_27 = tpu.memref_slice %arg3[%add3A, %dma_start3A_25, %dma_start3A_26] : memref<32x100x100xi32, #tpu.memory_space<hbm>> -> memref<1x1x100xi32, #tpu.memory_space<hbm>>
    %dma_start3A_28 = tpu.memref_squeeze %dma_start3A_27 : memref<1x1x100xi32, #tpu.memory_space<hbm>> -> memref<100xi32, #tpu.memory_space<hbm>>
    %dma_start3A_29 = arith.constant 0 : i32
    %dma_start3A_30 = tpu.memref_slice %arg3[%add3A, %dma_start3A_25, %dma_start3A_29] : memref<32x100x100xi32, #tpu.memory_space<hbm>> -> memref<1x1x100xi32, #tpu.memory_space<hbm>>
    %dma_start3A_31 = tpu.memref_squeeze %dma_start3A_30 : memref<1x1x100xi32, #tpu.memory_space<hbm>> -> memref<100xi32, #tpu.memory_space<hbm>>
    tpu.enqueue_dma source(%dma_start3A_31 : memref<100xi32, #tpu.memory_space<hbm>>) target(%arg11 : memref<100xi32, #tpu.memory_space<vmem>>) target_semaphore(%arg27 : memref<!tpu.dma_semaphore, #tpu.memory_space<semaphore_mem>>)
    %dma_start3A_32 = arith.constant 1 : i32
    %dma_start3A_33 = arith.constant 0 : i32
    %dma_start3A_34 = tpu.memref_slice %arg4[%add3A, %dma_start3A_32, %dma_start3A_33] : memref<32x100x100xi32, #tpu.memory_space<hbm>> -> memref<1x1x100xi32, #tpu.memory_space<hbm>>
    %dma_start3A_35 = tpu.memref_squeeze %dma_start3A_34 : memref<1x1x100xi32, #tpu.memory_space<hbm>> -> memref<100xi32, #tpu.memory_space<hbm>>
    %dma_start3A_36 = arith.constant 0 : i32
    %dma_start3A_37 = tpu.memref_slice %arg4[%add3A, %dma_start3A_32, %dma_start3A_36] : memref<32x100x100xi32, #tpu.memory_space<hbm>> -> memref<1x1x100xi32, #tpu.memory_space<hbm>>
    %dma_start3A_38 = tpu.memref_squeeze %dma_start3A_37 : memref<1x1x100xi32, #tpu.memory_space<hbm>> -> memref<100xi32, #tpu.memory_space<hbm>>
    tpu.enqueue_dma source(%dma_start3A_38 : memref<100xi32, #tpu.memory_space<hbm>>) target(%arg17 : memref<100xi32, #tpu.memory_space<vmem>>) target_semaphore(%arg33 : memref<!tpu.dma_semaphore, #tpu.memory_space<semaphore_mem>>)
    %dma_start3A_39 = arith.constant 2 : i32
    %dma_start3A_40 = arith.constant 0 : i32
    %dma_start3A_41 = tpu.memref_slice %arg3[%add3A, %dma_start3A_39, %dma_start3A_40] : memref<32x100x100xi32, #tpu.memory_space<hbm>> -> memref<1x1x100xi32, #tpu.memory_space<hbm>>
    %dma_start3A_42 = tpu.memref_squeeze %dma_start3A_41 : memref<1x1x100xi32, #tpu.memory_space<hbm>> -> memref<100xi32, #tpu.memory_space<hbm>>
    %dma_start3A_43 = arith.constant 0 : i32
    %dma_start3A_44 = tpu.memref_slice %arg3[%add3A, %dma_start3A_39, %dma_start3A_43] : memref<32x100x100xi32, #tpu.memory_space<hbm>> -> memref<1x1x100xi32, #tpu.memory_space<hbm>>
    %dma_start3A_45 = tpu.memref_squeeze %dma_start3A_44 : memref<1x1x100xi32, #tpu.memory_space<hbm>> -> memref<100xi32, #tpu.memory_space<hbm>>
    tpu.enqueue_dma source(%dma_start3A_45 : memref<100xi32, #tpu.memory_space<hbm>>) target(%arg12 : memref<100xi32, #tpu.memory_space<vmem>>) target_semaphore(%arg28 : memref<!tpu.dma_semaphore, #tpu.memory_space<semaphore_mem>>)
    %dma_start3A_46 = arith.constant 2 : i32
    %dma_start3A_47 = arith.constant 0 : i32
    %dma_start3A_48 = tpu.memref_slice %arg4[%add3A, %dma_start3A_46, %dma_start3A_47] : memref<32x100x100xi32, #tpu.memory_space<hbm>> -> memref<1x1x100xi32, #tpu.memory_space<hbm>>
    %dma_start3A_49 = tpu.memref_squeeze %dma_start3A_48 : memref<1x1x100xi32, #tpu.memory_space<hbm>> -> memref<100xi32, #tpu.memory_space<hbm>>
    %dma_start3A_50 = arith.constant 0 : i32
    %dma_start3A_51 = tpu.memref_slice %arg4[%add3A, %dma_start3A_46, %dma_start3A_50] : memref<32x100x100xi32, #tpu.memory_space<hbm>> -> memref<1x1x100xi32, #tpu.memory_space<hbm>>
    %dma_start3A_52 = tpu.memref_squeeze %dma_start3A_51 : memref<1x1x100xi32, #tpu.memory_space<hbm>> -> memref<100xi32, #tpu.memory_space<hbm>>
    tpu.enqueue_dma source(%dma_start3A_52 : memref<100xi32, #tpu.memory_space<hbm>>) target(%arg18 : memref<100xi32, #tpu.memory_space<vmem>>) target_semaphore(%arg34 : memref<!tpu.dma_semaphore, #tpu.memory_space<semaphore_mem>>)
    %dma_start3A_53 = arith.constant 3 : i32
    %dma_start3A_54 = arith.constant 0 : i32
    %dma_start3A_55 = tpu.memref_slice %arg3[%add3A, %dma_start3A_53, %dma_start3A_54] : memref<32x100x100xi32, #tpu.memory_space<hbm>> -> memref<1x1x100xi32, #tpu.memory_space<hbm>>
    %dma_start3A_56 = tpu.memref_squeeze %dma_start3A_55 : memref<1x1x100xi32, #tpu.memory_space<hbm>> -> memref<100xi32, #tpu.memory_space<hbm>>
    %dma_start3A_57 = arith.constant 0 : i32
    %dma_start3A_58 = tpu.memref_slice %arg3[%add3A, %dma_start3A_53, %dma_start3A_57] : memref<32x100x100xi32, #tpu.memory_space<hbm>> -> memref<1x1x100xi32, #tpu.memory_space<hbm>>
    %dma_start3A_59 = tpu.memref_squeeze %dma_start3A_58 : memref<1x1x100xi32, #tpu.memory_space<hbm>> -> memref<100xi32, #tpu.memory_space<hbm>>
    tpu.enqueue_dma source(%dma_start3A_59 : memref<100xi32, #tpu.memory_space<hbm>>) target(%arg13 : memref<100xi32, #tpu.memory_space<vmem>>) target_semaphore(%arg29 : memref<!tpu.dma_semaphore, #tpu.memory_space<semaphore_mem>>)
    %dma_start3A_60 = arith.constant 3 : i32
    %dma_start3A_61 = arith.constant 0 : i32
    %dma_start3A_62 = tpu.memref_slice %arg4[%add3A, %dma_start3A_60, %dma_start3A_61] : memref<32x100x100xi32, #tpu.memory_space<hbm>> -> memref<1x1x100xi32, #tpu.memory_space<hbm>>
    %dma_start3A_63 = tpu.memref_squeeze %dma_start3A_62 : memref<1x1x100xi32, #tpu.memory_space<hbm>> -> memref<100xi32, #tpu.memory_space<hbm>>
    %dma_start3A_64 = arith.constant 0 : i32
    %dma_start3A_65 = tpu.memref_slice %arg4[%add3A, %dma_start3A_60, %dma_start3A_64] : memref<32x100x100xi32, #tpu.memory_space<hbm>> -> memref<1x1x100xi32, #tpu.memory_space<hbm>>
    %dma_start3A_66 = tpu.memref_squeeze %dma_start3A_65 : memref<1x1x100xi32, #tpu.memory_space<hbm>> -> memref<100xi32, #tpu.memory_space<hbm>>
    tpu.enqueue_dma source(%dma_start3A_66 : memref<100xi32, #tpu.memory_space<hbm>>) target(%arg19 : memref<100xi32, #tpu.memory_space<vmem>>) target_semaphore(%arg35 : memref<!tpu.dma_semaphore, #tpu.memory_space<semaphore_mem>>)
    %dma_start3A_67 = arith.constant 4 : i32
    %dma_start3A_68 = arith.constant 0 : i32
    %dma_start3A_69 = tpu.memref_slice %arg3[%add3A, %dma_start3A_67, %dma_start3A_68] : memref<32x100x100xi32, #tpu.memory_space<hbm>> -> memref<1x1x100xi32, #tpu.memory_space<hbm>>
    %dma_start3A_70 = tpu.memref_squeeze %dma_start3A_69 : memref<1x1x100xi32, #tpu.memory_space<hbm>> -> memref<100xi32, #tpu.memory_space<hbm>>
    %dma_start3A_71 = arith.constant 0 : i32
    %dma_start3A_72 = tpu.memref_slice %arg3[%add3A, %dma_start3A_67, %dma_start3A_71] : memref<32x100x100xi32, #tpu.memory_space<hbm>> -> memref<1x1x100xi32, #tpu.memory_space<hbm>>
    %dma_start3A_73 = tpu.memref_squeeze %dma_start3A_72 : memref<1x1x100xi32, #tpu.memory_space<hbm>> -> memref<100xi32, #tpu.memory_space<hbm>>
    tpu.enqueue_dma source(%dma_start3A_73 : memref<100xi32, #tpu.memory_space<hbm>>) target(%arg14 : memref<100xi32, #tpu.memory_space<vmem>>) target_semaphore(%arg30 : memref<!tpu.dma_semaphore, #tpu.memory_space<semaphore_mem>>)
    %dma_start3A_74 = arith.constant 4 : i32
    %dma_start3A_75 = arith.constant 0 : i32
    %dma_start3A_76 = tpu.memref_slice %arg4[%add3A, %dma_start3A_74, %dma_start3A_75] : memref<32x100x100xi32, #tpu.memory_space<hbm>> -> memref<1x1x100xi32, #tpu.memory_space<hbm>>
    %dma_start3A_77 = tpu.memref_squeeze %dma_start3A_76 : memref<1x1x100xi32, #tpu.memory_space<hbm>> -> memref<100xi32, #tpu.memory_space<hbm>>
    %dma_start3A_78 = arith.constant 0 : i32
    %dma_start3A_79 = tpu.memref_slice %arg4[%add3A, %dma_start3A_74, %dma_start3A_78] : memref<32x100x100xi32, #tpu.memory_space<hbm>> -> memref<1x1x100xi32, #tpu.memory_space<hbm>>
    %dma_start3A_80 = tpu.memref_squeeze %dma_start3A_79 : memref<1x1x100xi32, #tpu.memory_space<hbm>> -> memref<100xi32, #tpu.memory_space<hbm>>
    tpu.enqueue_dma source(%dma_start3A_80 : memref<100xi32, #tpu.memory_space<hbm>>) target(%arg20 : memref<100xi32, #tpu.memory_space<vmem>>) target_semaphore(%arg36 : memref<!tpu.dma_semaphore, #tpu.memory_space<semaphore_mem>>)
    %dma_start3A_81 = arith.constant 5 : i32
    %dma_start3A_82 = arith.constant 0 : i32
    %dma_start3A_83 = tpu.memref_slice %arg3[%add3A, %dma_start3A_81, %dma_start3A_82] : memref<32x100x100xi32, #tpu.memory_space<hbm>> -> memref<1x1x100xi32, #tpu.memory_space<hbm>>
    %dma_start3A_84 = tpu.memref_squeeze %dma_start3A_83 : memref<1x1x100xi32, #tpu.memory_space<hbm>> -> memref<100xi32, #tpu.memory_space<hbm>>
    %dma_start3A_85 = arith.constant 0 : i32
    %dma_start3A_86 = tpu.memref_slice %arg3[%add3A, %dma_start3A_81, %dma_start3A_85] : memref<32x100x100xi32, #tpu.memory_space<hbm>> -> memref<1x1x100xi32, #tpu.memory_space<hbm>>
    %dma_start3A_87 = tpu.memref_squeeze %dma_start3A_86 : memref<1x1x100xi32, #tpu.memory_space<hbm>> -> memref<100xi32, #tpu.memory_space<hbm>>
    tpu.enqueue_dma source(%dma_start3A_87 : memref<100xi32, #tpu.memory_space<hbm>>) target(%arg15 : memref<100xi32, #tpu.memory_space<vmem>>) target_semaphore(%arg31 : memref<!tpu.dma_semaphore, #tpu.memory_space<semaphore_mem>>)
    %dma_start3A_88 = arith.constant 5 : i32
    %dma_start3A_89 = arith.constant 0 : i32
    %dma_start3A_90 = tpu.memref_slice %arg4[%add3A, %dma_start3A_88, %dma_start3A_89] : memref<32x100x100xi32, #tpu.memory_space<hbm>> -> memref<1x1x100xi32, #tpu.memory_space<hbm>>
    %dma_start3A_91 = tpu.memref_squeeze %dma_start3A_90 : memref<1x1x100xi32, #tpu.memory_space<hbm>> -> memref<100xi32, #tpu.memory_space<hbm>>
    %dma_start3A_92 = arith.constant 0 : i32
    %dma_start3A_93 = tpu.memref_slice %arg4[%add3A, %dma_start3A_88, %dma_start3A_92] : memref<32x100x100xi32, #tpu.memory_space<hbm>> -> memref<1x1x100xi32, #tpu.memory_space<hbm>>
    %dma_start3A_94 = tpu.memref_squeeze %dma_start3A_93 : memref<1x1x100xi32, #tpu.memory_space<hbm>> -> memref<100xi32, #tpu.memory_space<hbm>>
    tpu.enqueue_dma source(%dma_start3A_94 : memref<100xi32, #tpu.memory_space<hbm>>) target(%arg21 : memref<100xi32, #tpu.memory_space<vmem>>) target_semaphore(%arg37 : memref<!tpu.dma_semaphore, #tpu.memory_space<semaphore_mem>>)
    %dma_wait3A = arith.constant 0 : i32
    %dma_wait3A_95 = arith.constant 0 : i32
    %dma_wait3A_96 = tpu.memref_slice %arg3[%add3A, %dma_wait3A, %dma_wait3A_95] : memref<32x100x100xi32, #tpu.memory_space<hbm>> -> memref<1x1x100xi32, #tpu.memory_space<hbm>>
    %dma_wait3A_97 = tpu.memref_squeeze %dma_wait3A_96 : memref<1x1x100xi32, #tpu.memory_space<hbm>> -> memref<100xi32, #tpu.memory_space<hbm>>
    %dma_wait3A_98 = arith.constant 0 : i32
    %dma_wait3A_99 = tpu.memref_slice %arg3[%add3A, %dma_wait3A, %dma_wait3A_98] : memref<32x100x100xi32, #tpu.memory_space<hbm>> -> memref<1x1x100xi32, #tpu.memory_space<hbm>>
    %dma_wait3A_100 = tpu.memref_squeeze %dma_wait3A_99 : memref<1x1x100xi32, #tpu.memory_space<hbm>> -> memref<100xi32, #tpu.memory_space<hbm>>
    tpu.wait_dma2 semaphore(%arg26 : memref<!tpu.dma_semaphore, #tpu.memory_space<semaphore_mem>>) src(%dma_wait3A_100 : memref<100xi32, #tpu.memory_space<hbm>>) dst(%arg10 : memref<100xi32, #tpu.memory_space<vmem>>)
    %dma_start3A_101 = arith.constant 0 : i32
    %dma_start3A_102 = arith.constant 0 : i32
    %dma_start3A_103 = tpu.memref_slice %arg2[%dma_start3A_101, %dma_start3A_102] : memref<10000x128xf32, #tpu.memory_space<hbm>> -> memref<10000x128xf32, #tpu.memory_space<hbm>>
    tpu.enqueue_indirect_dma source(%dma_start3A_103 : memref<10000x128xf32, #tpu.memory_space<hbm>>) target(%arg6 : memref<100x128xf32, #tpu.memory_space<vmem>>) offsets(%arg10 : memref<100xi32, #tpu.memory_space<vmem>>) semaphore(%arg23 : memref<!tpu.dma_semaphore, #tpu.memory_space<semaphore_mem>>)
    %dma_wait3A_104 = arith.constant 1 : i32
    %dma_wait3A_105 = arith.constant 0 : i32
    %dma_wait3A_106 = tpu.memref_slice %arg3[%add3A, %dma_wait3A_104, %dma_wait3A_105] : memref<32x100x100xi32, #tpu.memory_space<hbm>> -> memref<1x1x100xi32, #tpu.memory_space<hbm>>
    %dma_wait3A_107 = tpu.memref_squeeze %dma_wait3A_106 : memref<1x1x100xi32, #tpu.memory_space<hbm>> -> memref<100xi32, #tpu.memory_space<hbm>>
    %dma_wait3A_108 = arith.constant 0 : i32
    %dma_wait3A_109 = tpu.memref_slice %arg3[%add3A, %dma_wait3A_104, %dma_wait3A_108] : memref<32x100x100xi32, #tpu.memory_space<hbm>> -> memref<1x1x100xi32, #tpu.memory_space<hbm>>
    %dma_wait3A_110 = tpu.memref_squeeze %dma_wait3A_109 : memref<1x1x100xi32, #tpu.memory_space<hbm>> -> memref<100xi32, #tpu.memory_space<hbm>>
    tpu.wait_dma2 semaphore(%arg27 : memref<!tpu.dma_semaphore, #tpu.memory_space<semaphore_mem>>) src(%dma_wait3A_110 : memref<100xi32, #tpu.memory_space<hbm>>) dst(%arg11 : memref<100xi32, #tpu.memory_space<vmem>>)
    %dma_start3A_111 = arith.constant 0 : i32
    %dma_start3A_112 = arith.constant 0 : i32
    %dma_start3A_113 = tpu.memref_slice %arg2[%dma_start3A_111, %dma_start3A_112] : memref<10000x128xf32, #tpu.memory_space<hbm>> -> memref<10000x128xf32, #tpu.memory_space<hbm>>
    tpu.enqueue_indirect_dma source(%dma_start3A_113 : memref<10000x128xf32, #tpu.memory_space<hbm>>) target(%arg7 : memref<100x128xf32, #tpu.memory_space<vmem>>) offsets(%arg11 : memref<100xi32, #tpu.memory_space<vmem>>) semaphore(%arg24 : memref<!tpu.dma_semaphore, #tpu.memory_space<semaphore_mem>>)
    %dma_wait3A_114 = arith.constant 2 : i32
    %dma_wait3A_115 = arith.constant 0 : i32
    %dma_wait3A_116 = tpu.memref_slice %arg3[%add3A, %dma_wait3A_114, %dma_wait3A_115] : memref<32x100x100xi32, #tpu.memory_space<hbm>> -> memref<1x1x100xi32, #tpu.memory_space<hbm>>
    %dma_wait3A_117 = tpu.memref_squeeze %dma_wait3A_116 : memref<1x1x100xi32, #tpu.memory_space<hbm>> -> memref<100xi32, #tpu.memory_space<hbm>>
    %dma_wait3A_118 = arith.constant 0 : i32
    %dma_wait3A_119 = tpu.memref_slice %arg3[%add3A, %dma_wait3A_114, %dma_wait3A_118] : memref<32x100x100xi32, #tpu.memory_space<hbm>> -> memref<1x1x100xi32, #tpu.memory_space<hbm>>
    %dma_wait3A_120 = tpu.memref_squeeze %dma_wait3A_119 : memref<1x1x100xi32, #tpu.memory_space<hbm>> -> memref<100xi32, #tpu.memory_space<hbm>>
    tpu.wait_dma2 semaphore(%arg28 : memref<!tpu.dma_semaphore, #tpu.memory_space<semaphore_mem>>) src(%dma_wait3A_120 : memref<100xi32, #tpu.memory_space<hbm>>) dst(%arg12 : memref<100xi32, #tpu.memory_space<vmem>>)
    %dma_start3A_121 = arith.constant 0 : i32
    %dma_start3A_122 = arith.constant 0 : i32
    %dma_start3A_123 = tpu.memref_slice %arg2[%dma_start3A_121, %dma_start3A_122] : memref<10000x128xf32, #tpu.memory_space<hbm>> -> memref<10000x128xf32, #tpu.memory_space<hbm>>
    tpu.enqueue_indirect_dma source(%dma_start3A_123 : memref<10000x128xf32, #tpu.memory_space<hbm>>) target(%arg8 : memref<100x128xf32, #tpu.memory_space<vmem>>) offsets(%arg12 : memref<100xi32, #tpu.memory_space<vmem>>) semaphore(%arg25 : memref<!tpu.dma_semaphore, #tpu.memory_space<semaphore_mem>>)
    %scan3A_124 = arith.constant 0 : i32
    %scan3A_125 = arith.constant 0 : i32
    %scan3A_126 = arith.constant 16 : i32
    %scan3A_127 = arith.addi %scan3A_125, %scan3A_126 : i32
    %scan3A_128 = arith.constant 1 : i32
    scf.for %scan3A_149 = %scan3A_125 to %scan3A_127 step %scan3A_128  : i32 {
      %mul3A_150 = arith.constant 16 : i32
      %mul3A_151 = arith.muli %scan3A_149, %mul3A_150 : i32
      %add3A_152 = arith.addi %mul3A_151, %arg1 : i32
      %lt3A = arith.constant 250 : i32
      %lt3A_153 = arith.cmpi slt, %add3A_152, %lt3A : i32
      %convert_element_type3A = arith.extui %lt3A_153 : i1 to i32
      %cond3A = arith.constant 0 : i32
      %cond3A_154 = arith.cmpi ne, %convert_element_type3A, %cond3A : i32
      scf.if %cond3A_154 {
        %mul3A_155 = arith.constant 40 : i32
        %mul3A_156 = arith.muli %add3A_152, %mul3A_155 : i32
        %dma_wait3A_157 = arith.constant 0 : i32
        %dma_wait3A_158 = tpu.memref_slice %arg22[%mul3A_156, %dma_wait3A_157] : memref<10000x128xf32, #tpu.memory_space<vmem_shared>> -> memref<40x128xf32, #tpu.memory_space<vmem_shared>>
        %dma_wait3A_159 = arith.constant 0 : i32
        %dma_wait3A_160 = tpu.memref_slice %arg22[%mul3A_156, %dma_wait3A_159] : memref<10000x128xf32, #tpu.memory_space<vmem_shared>> -> memref<40x128xf32, #tpu.memory_space<vmem_shared>>
        tpu.wait_dma2 semaphore(%arg38 : memref<!tpu.dma_semaphore, #tpu.memory_space<semaphore_mem>>) src(%arg9 : memref<40x128xf32, #tpu.memory_space<vmem>>) dst(%dma_wait3A_160 : memref<40x128xf32, #tpu.memory_space<vmem_shared>>)
      } else {
      }
    }
    %scan3A_129 = arith.constant 16 : i32
    %barrier3A = arith.constant 0 : index
    tpu.barrier barrier_id(%barrier3A)
    %scan3A_130 = arith.constant 0 : i32
    %scan3A_131 = arith.constant 0 : i32
    %scan3A_132 = arith.constant 17 : i32
    %scan3A_133 = arith.addi %scan3A_131, %scan3A_132 : i32
    %scan3A_134 = arith.constant 1 : i32
    scf.for %scan3A_149 = %scan3A_131 to %scan3A_133 step %scan3A_134  : i32 {
      %mul3A_150 = arith.constant 6 : i32
      %mul3A_151 = arith.muli %scan3A_149, %mul3A_150 : i32
      %add3A_152 = arith.constant 0 : i32
      %add3A_153 = arith.addi %mul3A_151, %add3A_152 : i32
      %lt3A = arith.constant 100 : i32
      %lt3A_154 = arith.cmpi slt, %add3A_153, %lt3A : i32
      %convert_element_type3A = arith.extui %lt3A_154 : i1 to i32
      %cond3A = arith.constant 0 : i32
      %cond3A_155 = arith.cmpi ne, %convert_element_type3A, %cond3A : i32
      scf.if %cond3A_155 {
        %dma_wait3A_201 = arith.constant 0 : i32
        %dma_wait3A_202 = arith.constant 0 : i32
        %dma_wait3A_203 = tpu.memref_slice %arg2[%dma_wait3A_201, %dma_wait3A_202] : memref<10000x128xf32, #tpu.memory_space<hbm>> -> memref<10000x128xf32, #tpu.memory_space<hbm>>
        tpu.wait_indirect_dma semaphore(%arg23 : memref<!tpu.dma_semaphore, #tpu.memory_space<semaphore_mem>>) src(%dma_wait3A_203 : memref<10000x128xf32, #tpu.memory_space<hbm>>) dst(%arg6 : memref<100x128xf32, #tpu.memory_space<vmem>>)
        %dma_wait3A_204 = arith.constant 0 : i32
        %dma_wait3A_205 = arith.constant 0 : i32
        %dma_wait3A_206 = tpu.memref_slice %arg4[%add3A, %dma_wait3A_204, %dma_wait3A_205] : memref<32x100x100xi32, #tpu.memory_space<hbm>> -> memref<1x1x100xi32, #tpu.memory_space<hbm>>
        %dma_wait3A_207 = tpu.memref_squeeze %dma_wait3A_206 : memref<1x1x100xi32, #tpu.memory_space<hbm>> -> memref<100xi32, #tpu.memory_space<hbm>>
        %dma_wait3A_208 = arith.constant 0 : i32
        %dma_wait3A_209 = tpu.memref_slice %arg4[%add3A, %dma_wait3A_204, %dma_wait3A_208] : memref<32x100x100xi32, #tpu.memory_space<hbm>> -> memref<1x1x100xi32, #tpu.memory_space<hbm>>
        %dma_wait3A_210 = tpu.memref_squeeze %dma_wait3A_209 : memref<1x1x100xi32, #tpu.memory_space<hbm>> -> memref<100xi32, #tpu.memory_space<hbm>>
        tpu.wait_dma2 semaphore(%arg32 : memref<!tpu.dma_semaphore, #tpu.memory_space<semaphore_mem>>) src(%dma_wait3A_210 : memref<100xi32, #tpu.memory_space<hbm>>) dst(%arg16 : memref<100xi32, #tpu.memory_space<vmem>>)
        "tpu.region"() ({
          %run_scoped3A = tpu.sem_alloc : memref<!tpu.dma_semaphore, #tpu.memory_space<semaphore_mem>>
          %dma_start3A_225 = arith.constant 0 : i32
          %dma_start3A_226 = arith.constant 0 : i32
          %dma_start3A_227 = tpu.memref_slice %arg22[%dma_start3A_225, %dma_start3A_226] : memref<10000x128xf32, #tpu.memory_space<vmem_shared>> -> memref<10000x128xf32, #tpu.memory_space<vmem_shared>>
          tpu.enqueue_indirect_dma source(%arg6 : memref<100x128xf32, #tpu.memory_space<vmem>>) target(%dma_start3A_227 : memref<10000x128xf32, #tpu.memory_space<vmem_shared>>) offsets(%arg16 : memref<100xi32, #tpu.memory_space<vmem>>) semaphore(%run_scoped3A : memref<!tpu.dma_semaphore, #tpu.memory_space<semaphore_mem>>) {add = true}
          %dma_wait3A_228 = arith.constant 0 : i32
          %dma_wait3A_229 = arith.constant 0 : i32
          %dma_wait3A_230 = tpu.memref_slice %arg22[%dma_wait3A_228, %dma_wait3A_229] : memref<10000x128xf32, #tpu.memory_space<vmem_shared>> -> memref<10000x128xf32, #tpu.memory_space<vmem_shared>>
          tpu.wait_indirect_dma semaphore(%run_scoped3A : memref<!tpu.dma_semaphore, #tpu.memory_space<semaphore_mem>>) src(%arg6 : memref<100x128xf32, #tpu.memory_space<vmem>>) dst(%dma_wait3A_230 : memref<10000x128xf32, #tpu.memory_space<vmem_shared>>)
          tpu.yield
        }) : () -> ()
        %add3A_211 = arith.constant 3 : i32
        %add3A_212 = arith.addi %add3A_153, %add3A_211 : i32
        %lt3A_213 = arith.constant 100 : i32
        %lt3A_214 = arith.cmpi slt, %add3A_212, %lt3A_213 : i32
        %convert_element_type3A_215 = arith.extui %lt3A_214 : i1 to i32
        %cond3A_216 = arith.constant 0 : i32
        %cond3A_217 = arith.cmpi ne, %convert_element_type3A_215, %cond3A_216 : i32
        scf.if %cond3A_217 {
          %dma_wait3A_225 = arith.constant 3 : i32
          %dma_wait3A_226 = arith.constant 0 : i32
          %dma_wait3A_227 = tpu.memref_slice %arg3[%add3A, %dma_wait3A_225, %dma_wait3A_226] : memref<32x100x100xi32, #tpu.memory_space<hbm>> -> memref<1x1x100xi32, #tpu.memory_space<hbm>>
          %dma_wait3A_228 = tpu.memref_squeeze %dma_wait3A_227 : memref<1x1x100xi32, #tpu.memory_space<hbm>> -> memref<100xi32, #tpu.memory_space<hbm>>
          %dma_wait3A_229 = arith.constant 0 : i32
          %dma_wait3A_230 = tpu.memref_slice %arg3[%add3A, %dma_wait3A_225, %dma_wait3A_229] : memref<32x100x100xi32, #tpu.memory_space<hbm>> -> memref<1x1x100xi32, #tpu.memory_space<hbm>>
          %dma_wait3A_231 = tpu.memref_squeeze %dma_wait3A_230 : memref<1x1x100xi32, #tpu.memory_space<hbm>> -> memref<100xi32, #tpu.memory_space<hbm>>
          tpu.wait_dma2 semaphore(%arg29 : memref<!tpu.dma_semaphore, #tpu.memory_space<semaphore_mem>>) src(%dma_wait3A_231 : memref<100xi32, #tpu.memory_space<hbm>>) dst(%arg13 : memref<100xi32, #tpu.memory_space<vmem>>)
          %dma_start3A_232 = arith.constant 0 : i32
          %dma_start3A_233 = arith.constant 0 : i32
          %dma_start3A_234 = tpu.memref_slice %arg2[%dma_start3A_232, %dma_start3A_233] : memref<10000x128xf32, #tpu.memory_space<hbm>> -> memref<10000x128xf32, #tpu.memory_space<hbm>>
          tpu.enqueue_indirect_dma source(%dma_start3A_234 : memref<10000x128xf32, #tpu.memory_space<hbm>>) target(%arg6 : memref<100x128xf32, #tpu.memory_space<vmem>>) offsets(%arg13 : memref<100xi32, #tpu.memory_space<vmem>>) semaphore(%arg23 : memref<!tpu.dma_semaphore, #tpu.memory_space<semaphore_mem>>)
        } else {
        }
        %add3A_218 = arith.constant 6 : i32
        %add3A_219 = arith.addi %add3A_153, %add3A_218 : i32
        %lt3A_220 = arith.constant 100 : i32
        %lt3A_221 = arith.cmpi slt, %add3A_219, %lt3A_220 : i32
        %convert_element_type3A_222 = arith.extui %lt3A_221 : i1 to i32
        %cond3A_223 = arith.constant 0 : i32
        %cond3A_224 = arith.cmpi ne, %convert_element_type3A_222, %cond3A_223 : i32
        scf.if %cond3A_224 {
          %add3A_225 = arith.constant 6 : i32
          %add3A_226 = arith.addi %add3A_153, %add3A_225 : i32
          %dma_start3A_227 = arith.constant 0 : i32
          %dma_start3A_228 = tpu.memref_slice %arg3[%add3A, %add3A_226, %dma_start3A_227] : memref<32x100x100xi32, #tpu.memory_space<hbm>> -> memref<1x1x100xi32, #tpu.memory_space<hbm>>
          %dma_start3A_229 = tpu.memref_squeeze %dma_start3A_228 : memref<1x1x100xi32, #tpu.memory_space<hbm>> -> memref<100xi32, #tpu.memory_space<hbm>>
          %dma_start3A_230 = arith.constant 0 : i32
          %dma_start3A_231 = tpu.memref_slice %arg3[%add3A, %add3A_226, %dma_start3A_230] : memref<32x100x100xi32, #tpu.memory_space<hbm>> -> memref<1x1x100xi32, #tpu.memory_space<hbm>>
          %dma_start3A_232 = tpu.memref_squeeze %dma_start3A_231 : memref<1x1x100xi32, #tpu.memory_space<hbm>> -> memref<100xi32, #tpu.memory_space<hbm>>
          tpu.enqueue_dma source(%dma_start3A_232 : memref<100xi32, #tpu.memory_space<hbm>>) target(%arg10 : memref<100xi32, #tpu.memory_space<vmem>>) target_semaphore(%arg26 : memref<!tpu.dma_semaphore, #tpu.memory_space<semaphore_mem>>)
          %add3A_233 = arith.constant 6 : i32
          %add3A_234 = arith.addi %add3A_153, %add3A_233 : i32
          %dma_start3A_235 = arith.constant 0 : i32
          %dma_start3A_236 = tpu.memref_slice %arg4[%add3A, %add3A_234, %dma_start3A_235] : memref<32x100x100xi32, #tpu.memory_space<hbm>> -> memref<1x1x100xi32, #tpu.memory_space<hbm>>
          %dma_start3A_237 = tpu.memref_squeeze %dma_start3A_236 : memref<1x1x100xi32, #tpu.memory_space<hbm>> -> memref<100xi32, #tpu.memory_space<hbm>>
          %dma_start3A_238 = arith.constant 0 : i32
          %dma_start3A_239 = tpu.memref_slice %arg4[%add3A, %add3A_234, %dma_start3A_238] : memref<32x100x100xi32, #tpu.memory_space<hbm>> -> memref<1x1x100xi32, #tpu.memory_space<hbm>>
          %dma_start3A_240 = tpu.memref_squeeze %dma_start3A_239 : memref<1x1x100xi32, #tpu.memory_space<hbm>> -> memref<100xi32, #tpu.memory_space<hbm>>
          tpu.enqueue_dma source(%dma_start3A_240 : memref<100xi32, #tpu.memory_space<hbm>>) target(%arg16 : memref<100xi32, #tpu.memory_space<vmem>>) target_semaphore(%arg32 : memref<!tpu.dma_semaphore, #tpu.memory_space<semaphore_mem>>)
        } else {
        }
      } else {
      }
      %mul3A_156 = arith.constant 6 : i32
      %mul3A_157 = arith.muli %scan3A_149, %mul3A_156 : i32
      %add3A_158 = arith.constant 1 : i32
      %add3A_159 = arith.addi %mul3A_157, %add3A_158 : i32
      %lt3A_160 = arith.constant 100 : i32
      %lt3A_161 = arith.cmpi slt, %add3A_159, %lt3A_160 : i32
      %convert_element_type3A_162 = arith.extui %lt3A_161 : i1 to i32
      %cond3A_163 = arith.constant 0 : i32
      %cond3A_164 = arith.cmpi ne, %convert_element_type3A_162, %cond3A_163 : i32
      scf.if %cond3A_164 {
        %dma_wait3A_201 = arith.constant 0 : i32
        %dma_wait3A_202 = arith.constant 0 : i32
        %dma_wait3A_203 = tpu.memref_slice %arg2[%dma_wait3A_201, %dma_wait3A_202] : memref<10000x128xf32, #tpu.memory_space<hbm>> -> memref<10000x128xf32, #tpu.memory_space<hbm>>
        tpu.wait_indirect_dma semaphore(%arg24 : memref<!tpu.dma_semaphore, #tpu.memory_space<semaphore_mem>>) src(%dma_wait3A_203 : memref<10000x128xf32, #tpu.memory_space<hbm>>) dst(%arg7 : memref<100x128xf32, #tpu.memory_space<vmem>>)
        %dma_wait3A_204 = arith.constant 1 : i32
        %dma_wait3A_205 = arith.constant 0 : i32
        %dma_wait3A_206 = tpu.memref_slice %arg4[%add3A, %dma_wait3A_204, %dma_wait3A_205] : memref<32x100x100xi32, #tpu.memory_space<hbm>> -> memref<1x1x100xi32, #tpu.memory_space<hbm>>
        %dma_wait3A_207 = tpu.memref_squeeze %dma_wait3A_206 : memref<1x1x100xi32, #tpu.memory_space<hbm>> -> memref<100xi32, #tpu.memory_space<hbm>>
        %dma_wait3A_208 = arith.constant 0 : i32
        %dma_wait3A_209 = tpu.memref_slice %arg4[%add3A, %dma_wait3A_204, %dma_wait3A_208] : memref<32x100x100xi32, #tpu.memory_space<hbm>> -> memref<1x1x100xi32, #tpu.memory_space<hbm>>
        %dma_wait3A_210 = tpu.memref_squeeze %dma_wait3A_209 : memref<1x1x100xi32, #tpu.memory_space<hbm>> -> memref<100xi32, #tpu.memory_space<hbm>>
        tpu.wait_dma2 semaphore(%arg33 : memref<!tpu.dma_semaphore, #tpu.memory_space<semaphore_mem>>) src(%dma_wait3A_210 : memref<100xi32, #tpu.memory_space<hbm>>) dst(%arg17 : memref<100xi32, #tpu.memory_space<vmem>>)
        "tpu.region"() ({
          %run_scoped3A = tpu.sem_alloc : memref<!tpu.dma_semaphore, #tpu.memory_space<semaphore_mem>>
          %dma_start3A_225 = arith.constant 0 : i32
          %dma_start3A_226 = arith.constant 0 : i32
          %dma_start3A_227 = tpu.memref_slice %arg22[%dma_start3A_225, %dma_start3A_226] : memref<10000x128xf32, #tpu.memory_space<vmem_shared>> -> memref<10000x128xf32, #tpu.memory_space<vmem_shared>>
          tpu.enqueue_indirect_dma source(%arg7 : memref<100x128xf32, #tpu.memory_space<vmem>>) target(%dma_start3A_227 : memref<10000x128xf32, #tpu.memory_space<vmem_shared>>) offsets(%arg17 : memref<100xi32, #tpu.memory_space<vmem>>) semaphore(%run_scoped3A : memref<!tpu.dma_semaphore, #tpu.memory_space<semaphore_mem>>) {add = true}
          %dma_wait3A_228 = arith.constant 0 : i32
          %dma_wait3A_229 = arith.constant 0 : i32
          %dma_wait3A_230 = tpu.memref_slice %arg22[%dma_wait3A_228, %dma_wait3A_229] : memref<10000x128xf32, #tpu.memory_space<vmem_shared>> -> memref<10000x128xf32, #tpu.memory_space<vmem_shared>>
          tpu.wait_indirect_dma semaphore(%run_scoped3A : memref<!tpu.dma_semaphore, #tpu.memory_space<semaphore_mem>>) src(%arg7 : memref<100x128xf32, #tpu.memory_space<vmem>>) dst(%dma_wait3A_230 : memref<10000x128xf32, #tpu.memory_space<vmem_shared>>)
          tpu.yield
        }) : () -> ()
        %add3A_211 = arith.constant 3 : i32
        %add3A_212 = arith.addi %add3A_159, %add3A_211 : i32
        %lt3A_213 = arith.constant 100 : i32
        %lt3A_214 = arith.cmpi slt, %add3A_212, %lt3A_213 : i32
        %convert_element_type3A_215 = arith.extui %lt3A_214 : i1 to i32
        %cond3A_216 = arith.constant 0 : i32
        %cond3A_217 = arith.cmpi ne, %convert_element_type3A_215, %cond3A_216 : i32
        scf.if %cond3A_217 {
          %dma_wait3A_225 = arith.constant 4 : i32
          %dma_wait3A_226 = arith.constant 0 : i32
          %dma_wait3A_227 = tpu.memref_slice %arg3[%add3A, %dma_wait3A_225, %dma_wait3A_226] : memref<32x100x100xi32, #tpu.memory_space<hbm>> -> memref<1x1x100xi32, #tpu.memory_space<hbm>>
          %dma_wait3A_228 = tpu.memref_squeeze %dma_wait3A_227 : memref<1x1x100xi32, #tpu.memory_space<hbm>> -> memref<100xi32, #tpu.memory_space<hbm>>
          %dma_wait3A_229 = arith.constant 0 : i32
          %dma_wait3A_230 = tpu.memref_slice %arg3[%add3A, %dma_wait3A_225, %dma_wait3A_229] : memref<32x100x100xi32, #tpu.memory_space<hbm>> -> memref<1x1x100xi32, #tpu.memory_space<hbm>>
          %dma_wait3A_231 = tpu.memref_squeeze %dma_wait3A_230 : memref<1x1x100xi32, #tpu.memory_space<hbm>> -> memref<100xi32, #tpu.memory_space<hbm>>
          tpu.wait_dma2 semaphore(%arg30 : memref<!tpu.dma_semaphore, #tpu.memory_space<semaphore_mem>>) src(%dma_wait3A_231 : memref<100xi32, #tpu.memory_space<hbm>>) dst(%arg14 : memref<100xi32, #tpu.memory_space<vmem>>)
          %dma_start3A_232 = arith.constant 0 : i32
          %dma_start3A_233 = arith.constant 0 : i32
          %dma_start3A_234 = tpu.memref_slice %arg2[%dma_start3A_232, %dma_start3A_233] : memref<10000x128xf32, #tpu.memory_space<hbm>> -> memref<10000x128xf32, #tpu.memory_space<hbm>>
          tpu.enqueue_indirect_dma source(%dma_start3A_234 : memref<10000x128xf32, #tpu.memory_space<hbm>>) target(%arg7 : memref<100x128xf32, #tpu.memory_space<vmem>>) offsets(%arg14 : memref<100xi32, #tpu.memory_space<vmem>>) semaphore(%arg24 : memref<!tpu.dma_semaphore, #tpu.memory_space<semaphore_mem>>)
        } else {
        }
        %add3A_218 = arith.constant 6 : i32
        %add3A_219 = arith.addi %add3A_159, %add3A_218 : i32
        %lt3A_220 = arith.constant 100 : i32
        %lt3A_221 = arith.cmpi slt, %add3A_219, %lt3A_220 : i32
        %convert_element_type3A_222 = arith.extui %lt3A_221 : i1 to i32
        %cond3A_223 = arith.constant 0 : i32
        %cond3A_224 = arith.cmpi ne, %convert_element_type3A_222, %cond3A_223 : i32
        scf.if %cond3A_224 {
          %add3A_225 = arith.constant 6 : i32
          %add3A_226 = arith.addi %add3A_159, %add3A_225 : i32
          %dma_start3A_227 = arith.constant 0 : i32
          %dma_start3A_228 = tpu.memref_slice %arg3[%add3A, %add3A_226, %dma_start3A_227] : memref<32x100x100xi32, #tpu.memory_space<hbm>> -> memref<1x1x100xi32, #tpu.memory_space<hbm>>
          %dma_start3A_229 = tpu.memref_squeeze %dma_start3A_228 : memref<1x1x100xi32, #tpu.memory_space<hbm>> -> memref<100xi32, #tpu.memory_space<hbm>>
          %dma_start3A_230 = arith.constant 0 : i32
          %dma_start3A_231 = tpu.memref_slice %arg3[%add3A, %add3A_226, %dma_start3A_230] : memref<32x100x100xi32, #tpu.memory_space<hbm>> -> memref<1x1x100xi32, #tpu.memory_space<hbm>>
          %dma_start3A_232 = tpu.memref_squeeze %dma_start3A_231 : memref<1x1x100xi32, #tpu.memory_space<hbm>> -> memref<100xi32, #tpu.memory_space<hbm>>
          tpu.enqueue_dma source(%dma_start3A_232 : memref<100xi32, #tpu.memory_space<hbm>>) target(%arg11 : memref<100xi32, #tpu.memory_space<vmem>>) target_semaphore(%arg27 : memref<!tpu.dma_semaphore, #tpu.memory_space<semaphore_mem>>)
          %add3A_233 = arith.constant 6 : i32
          %add3A_234 = arith.addi %add3A_159, %add3A_233 : i32
          %dma_start3A_235 = arith.constant 0 : i32
          %dma_start3A_236 = tpu.memref_slice %arg4[%add3A, %add3A_234, %dma_start3A_235] : memref<32x100x100xi32, #tpu.memory_space<hbm>> -> memref<1x1x100xi32, #tpu.memory_space<hbm>>
          %dma_start3A_237 = tpu.memref_squeeze %dma_start3A_236 : memref<1x1x100xi32, #tpu.memory_space<hbm>> -> memref<100xi32, #tpu.memory_space<hbm>>
          %dma_start3A_238 = arith.constant 0 : i32
          %dma_start3A_239 = tpu.memref_slice %arg4[%add3A, %add3A_234, %dma_start3A_238] : memref<32x100x100xi32, #tpu.memory_space<hbm>> -> memref<1x1x100xi32, #tpu.memory_space<hbm>>
          %dma_start3A_240 = tpu.memref_squeeze %dma_start3A_239 : memref<1x1x100xi32, #tpu.memory_space<hbm>> -> memref<100xi32, #tpu.memory_space<hbm>>
          tpu.enqueue_dma source(%dma_start3A_240 : memref<100xi32, #tpu.memory_space<hbm>>) target(%arg17 : memref<100xi32, #tpu.memory_space<vmem>>) target_semaphore(%arg33 : memref<!tpu.dma_semaphore, #tpu.memory_space<semaphore_mem>>)
        } else {
        }
      } else {
      }
      %mul3A_165 = arith.constant 6 : i32
      %mul3A_166 = arith.muli %scan3A_149, %mul3A_165 : i32
      %add3A_167 = arith.constant 2 : i32
      %add3A_168 = arith.addi %mul3A_166, %add3A_167 : i32
      %lt3A_169 = arith.constant 100 : i32
      %lt3A_170 = arith.cmpi slt, %add3A_168, %lt3A_169 : i32
      %convert_element_type3A_171 = arith.extui %lt3A_170 : i1 to i32
      %cond3A_172 = arith.constant 0 : i32
      %cond3A_173 = arith.cmpi ne, %convert_element_type3A_171, %cond3A_172 : i32
      scf.if %cond3A_173 {
        %dma_wait3A_201 = arith.constant 0 : i32
        %dma_wait3A_202 = arith.constant 0 : i32
        %dma_wait3A_203 = tpu.memref_slice %arg2[%dma_wait3A_201, %dma_wait3A_202] : memref<10000x128xf32, #tpu.memory_space<hbm>> -> memref<10000x128xf32, #tpu.memory_space<hbm>>
        tpu.wait_indirect_dma semaphore(%arg25 : memref<!tpu.dma_semaphore, #tpu.memory_space<semaphore_mem>>) src(%dma_wait3A_203 : memref<10000x128xf32, #tpu.memory_space<hbm>>) dst(%arg8 : memref<100x128xf32, #tpu.memory_space<vmem>>)
        %dma_wait3A_204 = arith.constant 2 : i32
        %dma_wait3A_205 = arith.constant 0 : i32
        %dma_wait3A_206 = tpu.memref_slice %arg4[%add3A, %dma_wait3A_204, %dma_wait3A_205] : memref<32x100x100xi32, #tpu.memory_space<hbm>> -> memref<1x1x100xi32, #tpu.memory_space<hbm>>
        %dma_wait3A_207 = tpu.memref_squeeze %dma_wait3A_206 : memref<1x1x100xi32, #tpu.memory_space<hbm>> -> memref<100xi32, #tpu.memory_space<hbm>>
        %dma_wait3A_208 = arith.constant 0 : i32
        %dma_wait3A_209 = tpu.memref_slice %arg4[%add3A, %dma_wait3A_204, %dma_wait3A_208] : memref<32x100x100xi32, #tpu.memory_space<hbm>> -> memref<1x1x100xi32, #tpu.memory_space<hbm>>
        %dma_wait3A_210 = tpu.memref_squeeze %dma_wait3A_209 : memref<1x1x100xi32, #tpu.memory_space<hbm>> -> memref<100xi32, #tpu.memory_space<hbm>>
        tpu.wait_dma2 semaphore(%arg34 : memref<!tpu.dma_semaphore, #tpu.memory_space<semaphore_mem>>) src(%dma_wait3A_210 : memref<100xi32, #tpu.memory_space<hbm>>) dst(%arg18 : memref<100xi32, #tpu.memory_space<vmem>>)
        "tpu.region"() ({
          %run_scoped3A = tpu.sem_alloc : memref<!tpu.dma_semaphore, #tpu.memory_space<semaphore_mem>>
          %dma_start3A_225 = arith.constant 0 : i32
          %dma_start3A_226 = arith.constant 0 : i32
          %dma_start3A_227 = tpu.memref_slice %arg22[%dma_start3A_225, %dma_start3A_226] : memref<10000x128xf32, #tpu.memory_space<vmem_shared>> -> memref<10000x128xf32, #tpu.memory_space<vmem_shared>>
          tpu.enqueue_indirect_dma source(%arg8 : memref<100x128xf32, #tpu.memory_space<vmem>>) target(%dma_start3A_227 : memref<10000x128xf32, #tpu.memory_space<vmem_shared>>) offsets(%arg18 : memref<100xi32, #tpu.memory_space<vmem>>) semaphore(%run_scoped3A : memref<!tpu.dma_semaphore, #tpu.memory_space<semaphore_mem>>) {add = true}
          %dma_wait3A_228 = arith.constant 0 : i32
          %dma_wait3A_229 = arith.constant 0 : i32
          %dma_wait3A_230 = tpu.memref_slice %arg22[%dma_wait3A_228, %dma_wait3A_229] : memref<10000x128xf32, #tpu.memory_space<vmem_shared>> -> memref<10000x128xf32, #tpu.memory_space<vmem_shared>>
          tpu.wait_indirect_dma semaphore(%run_scoped3A : memref<!tpu.dma_semaphore, #tpu.memory_space<semaphore_mem>>) src(%arg8 : memref<100x128xf32, #tpu.memory_space<vmem>>) dst(%dma_wait3A_230 : memref<10000x128xf32, #tpu.memory_space<vmem_shared>>)
          tpu.yield
        }) : () -> ()
        %add3A_211 = arith.constant 3 : i32
        %add3A_212 = arith.addi %add3A_168, %add3A_211 : i32
        %lt3A_213 = arith.constant 100 : i32
        %lt3A_214 = arith.cmpi slt, %add3A_212, %lt3A_213 : i32
        %convert_element_type3A_215 = arith.extui %lt3A_214 : i1 to i32
        %cond3A_216 = arith.constant 0 : i32
        %cond3A_217 = arith.cmpi ne, %convert_element_type3A_215, %cond3A_216 : i32
        scf.if %cond3A_217 {
          %dma_wait3A_225 = arith.constant 5 : i32
          %dma_wait3A_226 = arith.constant 0 : i32
          %dma_wait3A_227 = tpu.memref_slice %arg3[%add3A, %dma_wait3A_225, %dma_wait3A_226] : memref<32x100x100xi32, #tpu.memory_space<hbm>> -> memref<1x1x100xi32, #tpu.memory_space<hbm>>
          %dma_wait3A_228 = tpu.memref_squeeze %dma_wait3A_227 : memref<1x1x100xi32, #tpu.memory_space<hbm>> -> memref<100xi32, #tpu.memory_space<hbm>>
          %dma_wait3A_229 = arith.constant 0 : i32
          %dma_wait3A_230 = tpu.memref_slice %arg3[%add3A, %dma_wait3A_225, %dma_wait3A_229] : memref<32x100x100xi32, #tpu.memory_space<hbm>> -> memref<1x1x100xi32, #tpu.memory_space<hbm>>
          %dma_wait3A_231 = tpu.memref_squeeze %dma_wait3A_230 : memref<1x1x100xi32, #tpu.memory_space<hbm>> -> memref<100xi32, #tpu.memory_space<hbm>>
          tpu.wait_dma2 semaphore(%arg31 : memref<!tpu.dma_semaphore, #tpu.memory_space<semaphore_mem>>) src(%dma_wait3A_231 : memref<100xi32, #tpu.memory_space<hbm>>) dst(%arg15 : memref<100xi32, #tpu.memory_space<vmem>>)
          %dma_start3A_232 = arith.constant 0 : i32
          %dma_start3A_233 = arith.constant 0 : i32
          %dma_start3A_234 = tpu.memref_slice %arg2[%dma_start3A_232, %dma_start3A_233] : memref<10000x128xf32, #tpu.memory_space<hbm>> -> memref<10000x128xf32, #tpu.memory_space<hbm>>
          tpu.enqueue_indirect_dma source(%dma_start3A_234 : memref<10000x128xf32, #tpu.memory_space<hbm>>) target(%arg8 : memref<100x128xf32, #tpu.memory_space<vmem>>) offsets(%arg15 : memref<100xi32, #tpu.memory_space<vmem>>) semaphore(%arg25 : memref<!tpu.dma_semaphore, #tpu.memory_space<semaphore_mem>>)
        } else {
        }
        %add3A_218 = arith.constant 6 : i32
        %add3A_219 = arith.addi %add3A_168, %add3A_218 : i32
        %lt3A_220 = arith.constant 100 : i32
        %lt3A_221 = arith.cmpi slt, %add3A_219, %lt3A_220 : i32
        %convert_element_type3A_222 = arith.extui %lt3A_221 : i1 to i32
        %cond3A_223 = arith.constant 0 : i32
        %cond3A_224 = arith.cmpi ne, %convert_element_type3A_222, %cond3A_223 : i32
        scf.if %cond3A_224 {
          %add3A_225 = arith.constant 6 : i32
          %add3A_226 = arith.addi %add3A_168, %add3A_225 : i32
          %dma_start3A_227 = arith.constant 0 : i32
          %dma_start3A_228 = tpu.memref_slice %arg3[%add3A, %add3A_226, %dma_start3A_227] : memref<32x100x100xi32, #tpu.memory_space<hbm>> -> memref<1x1x100xi32, #tpu.memory_space<hbm>>
          %dma_start3A_229 = tpu.memref_squeeze %dma_start3A_228 : memref<1x1x100xi32, #tpu.memory_space<hbm>> -> memref<100xi32, #tpu.memory_space<hbm>>
          %dma_start3A_230 = arith.constant 0 : i32
          %dma_start3A_231 = tpu.memref_slice %arg3[%add3A, %add3A_226, %dma_start3A_230] : memref<32x100x100xi32, #tpu.memory_space<hbm>> -> memref<1x1x100xi32, #tpu.memory_space<hbm>>
          %dma_start3A_232 = tpu.memref_squeeze %dma_start3A_231 : memref<1x1x100xi32, #tpu.memory_space<hbm>> -> memref<100xi32, #tpu.memory_space<hbm>>
          tpu.enqueue_dma source(%dma_start3A_232 : memref<100xi32, #tpu.memory_space<hbm>>) target(%arg12 : memref<100xi32, #tpu.memory_space<vmem>>) target_semaphore(%arg28 : memref<!tpu.dma_semaphore, #tpu.memory_space<semaphore_mem>>)
          %add3A_233 = arith.constant 6 : i32
          %add3A_234 = arith.addi %add3A_168, %add3A_233 : i32
          %dma_start3A_235 = arith.constant 0 : i32
          %dma_start3A_236 = tpu.memref_slice %arg4[%add3A, %add3A_234, %dma_start3A_235] : memref<32x100x100xi32, #tpu.memory_space<hbm>> -> memref<1x1x100xi32, #tpu.memory_space<hbm>>
          %dma_start3A_237 = tpu.memref_squeeze %dma_start3A_236 : memref<1x1x100xi32, #tpu.memory_space<hbm>> -> memref<100xi32, #tpu.memory_space<hbm>>
          %dma_start3A_238 = arith.constant 0 : i32
          %dma_start3A_239 = tpu.memref_slice %arg4[%add3A, %add3A_234, %dma_start3A_238] : memref<32x100x100xi32, #tpu.memory_space<hbm>> -> memref<1x1x100xi32, #tpu.memory_space<hbm>>
          %dma_start3A_240 = tpu.memref_squeeze %dma_start3A_239 : memref<1x1x100xi32, #tpu.memory_space<hbm>> -> memref<100xi32, #tpu.memory_space<hbm>>
          tpu.enqueue_dma source(%dma_start3A_240 : memref<100xi32, #tpu.memory_space<hbm>>) target(%arg18 : memref<100xi32, #tpu.memory_space<vmem>>) target_semaphore(%arg34 : memref<!tpu.dma_semaphore, #tpu.memory_space<semaphore_mem>>)
        } else {
        }
      } else {
      }
      %mul3A_174 = arith.constant 6 : i32
      %mul3A_175 = arith.muli %scan3A_149, %mul3A_174 : i32
      %add3A_176 = arith.constant 3 : i32
      %add3A_177 = arith.addi %mul3A_175, %add3A_176 : i32
      %lt3A_178 = arith.constant 100 : i32
      %lt3A_179 = arith.cmpi slt, %add3A_177, %lt3A_178 : i32
      %convert_element_type3A_180 = arith.extui %lt3A_179 : i1 to i32
      %cond3A_181 = arith.constant 0 : i32
      %cond3A_182 = arith.cmpi ne, %convert_element_type3A_180, %cond3A_181 : i32
      scf.if %cond3A_182 {
        %dma_wait3A_201 = arith.constant 0 : i32
        %dma_wait3A_202 = arith.constant 0 : i32
        %dma_wait3A_203 = tpu.memref_slice %arg2[%dma_wait3A_201, %dma_wait3A_202] : memref<10000x128xf32, #tpu.memory_space<hbm>> -> memref<10000x128xf32, #tpu.memory_space<hbm>>
        tpu.wait_indirect_dma semaphore(%arg23 : memref<!tpu.dma_semaphore, #tpu.memory_space<semaphore_mem>>) src(%dma_wait3A_203 : memref<10000x128xf32, #tpu.memory_space<hbm>>) dst(%arg6 : memref<100x128xf32, #tpu.memory_space<vmem>>)
        %dma_wait3A_204 = arith.constant 3 : i32
        %dma_wait3A_205 = arith.constant 0 : i32
        %dma_wait3A_206 = tpu.memref_slice %arg4[%add3A, %dma_wait3A_204, %dma_wait3A_205] : memref<32x100x100xi32, #tpu.memory_space<hbm>> -> memref<1x1x100xi32, #tpu.memory_space<hbm>>
        %dma_wait3A_207 = tpu.memref_squeeze %dma_wait3A_206 : memref<1x1x100xi32, #tpu.memory_space<hbm>> -> memref<100xi32, #tpu.memory_space<hbm>>
        %dma_wait3A_208 = arith.constant 0 : i32
        %dma_wait3A_209 = tpu.memref_slice %arg4[%add3A, %dma_wait3A_204, %dma_wait3A_208] : memref<32x100x100xi32, #tpu.memory_space<hbm>> -> memref<1x1x100xi32, #tpu.memory_space<hbm>>
        %dma_wait3A_210 = tpu.memref_squeeze %dma_wait3A_209 : memref<1x1x100xi32, #tpu.memory_space<hbm>> -> memref<100xi32, #tpu.memory_space<hbm>>
        tpu.wait_dma2 semaphore(%arg35 : memref<!tpu.dma_semaphore, #tpu.memory_space<semaphore_mem>>) src(%dma_wait3A_210 : memref<100xi32, #tpu.memory_space<hbm>>) dst(%arg19 : memref<100xi32, #tpu.memory_space<vmem>>)
        "tpu.region"() ({
          %run_scoped3A = tpu.sem_alloc : memref<!tpu.dma_semaphore, #tpu.memory_space<semaphore_mem>>
          %dma_start3A_225 = arith.constant 0 : i32
          %dma_start3A_226 = arith.constant 0 : i32
          %dma_start3A_227 = tpu.memref_slice %arg22[%dma_start3A_225, %dma_start3A_226] : memref<10000x128xf32, #tpu.memory_space<vmem_shared>> -> memref<10000x128xf32, #tpu.memory_space<vmem_shared>>
          tpu.enqueue_indirect_dma source(%arg6 : memref<100x128xf32, #tpu.memory_space<vmem>>) target(%dma_start3A_227 : memref<10000x128xf32, #tpu.memory_space<vmem_shared>>) offsets(%arg19 : memref<100xi32, #tpu.memory_space<vmem>>) semaphore(%run_scoped3A : memref<!tpu.dma_semaphore, #tpu.memory_space<semaphore_mem>>) {add = true}
          %dma_wait3A_228 = arith.constant 0 : i32
          %dma_wait3A_229 = arith.constant 0 : i32
          %dma_wait3A_230 = tpu.memref_slice %arg22[%dma_wait3A_228, %dma_wait3A_229] : memref<10000x128xf32, #tpu.memory_space<vmem_shared>> -> memref<10000x128xf32, #tpu.memory_space<vmem_shared>>
          tpu.wait_indirect_dma semaphore(%run_scoped3A : memref<!tpu.dma_semaphore, #tpu.memory_space<semaphore_mem>>) src(%arg6 : memref<100x128xf32, #tpu.memory_space<vmem>>) dst(%dma_wait3A_230 : memref<10000x128xf32, #tpu.memory_space<vmem_shared>>)
          tpu.yield
        }) : () -> ()
        %add3A_211 = arith.constant 3 : i32
        %add3A_212 = arith.addi %add3A_177, %add3A_211 : i32
        %lt3A_213 = arith.constant 100 : i32
        %lt3A_214 = arith.cmpi slt, %add3A_212, %lt3A_213 : i32
        %convert_element_type3A_215 = arith.extui %lt3A_214 : i1 to i32
        %cond3A_216 = arith.constant 0 : i32
        %cond3A_217 = arith.cmpi ne, %convert_element_type3A_215, %cond3A_216 : i32
        scf.if %cond3A_217 {
          %dma_wait3A_225 = arith.constant 0 : i32
          %dma_wait3A_226 = arith.constant 0 : i32
          %dma_wait3A_227 = tpu.memref_slice %arg3[%add3A, %dma_wait3A_225, %dma_wait3A_226] : memref<32x100x100xi32, #tpu.memory_space<hbm>> -> memref<1x1x100xi32, #tpu.memory_space<hbm>>
          %dma_wait3A_228 = tpu.memref_squeeze %dma_wait3A_227 : memref<1x1x100xi32, #tpu.memory_space<hbm>> -> memref<100xi32, #tpu.memory_space<hbm>>
          %dma_wait3A_229 = arith.constant 0 : i32
          %dma_wait3A_230 = tpu.memref_slice %arg3[%add3A, %dma_wait3A_225, %dma_wait3A_229] : memref<32x100x100xi32, #tpu.memory_space<hbm>> -> memref<1x1x100xi32, #tpu.memory_space<hbm>>
          %dma_wait3A_231 = tpu.memref_squeeze %dma_wait3A_230 : memref<1x1x100xi32, #tpu.memory_space<hbm>> -> memref<100xi32, #tpu.memory_space<hbm>>
          tpu.wait_dma2 semaphore(%arg26 : memref<!tpu.dma_semaphore, #tpu.memory_space<semaphore_mem>>) src(%dma_wait3A_231 : memref<100xi32, #tpu.memory_space<hbm>>) dst(%arg10 : memref<100xi32, #tpu.memory_space<vmem>>)
          %dma_start3A_232 = arith.constant 0 : i32
          %dma_start3A_233 = arith.constant 0 : i32
          %dma_start3A_234 = tpu.memref_slice %arg2[%dma_start3A_232, %dma_start3A_233] : memref<10000x128xf32, #tpu.memory_space<hbm>> -> memref<10000x128xf32, #tpu.memory_space<hbm>>
          tpu.enqueue_indirect_dma source(%dma_start3A_234 : memref<10000x128xf32, #tpu.memory_space<hbm>>) target(%arg6 : memref<100x128xf32, #tpu.memory_space<vmem>>) offsets(%arg10 : memref<100xi32, #tpu.memory_space<vmem>>) semaphore(%arg23 : memref<!tpu.dma_semaphore, #tpu.memory_space<semaphore_mem>>)
        } else {
        }
        %add3A_218 = arith.constant 6 : i32
        %add3A_219 = arith.addi %add3A_177, %add3A_218 : i32
        %lt3A_220 = arith.constant 100 : i32
        %lt3A_221 = arith.cmpi slt, %add3A_219, %lt3A_220 : i32
        %convert_element_type3A_222 = arith.extui %lt3A_221 : i1 to i32
        %cond3A_223 = arith.constant 0 : i32
        %cond3A_224 = arith.cmpi ne, %convert_element_type3A_222, %cond3A_223 : i32
        scf.if %cond3A_224 {
          %add3A_225 = arith.constant 6 : i32
          %add3A_226 = arith.addi %add3A_177, %add3A_225 : i32
          %dma_start3A_227 = arith.constant 0 : i32
          %dma_start3A_228 = tpu.memref_slice %arg3[%add3A, %add3A_226, %dma_start3A_227] : memref<32x100x100xi32, #tpu.memory_space<hbm>> -> memref<1x1x100xi32, #tpu.memory_space<hbm>>
          %dma_start3A_229 = tpu.memref_squeeze %dma_start3A_228 : memref<1x1x100xi32, #tpu.memory_space<hbm>> -> memref<100xi32, #tpu.memory_space<hbm>>
          %dma_start3A_230 = arith.constant 0 : i32
          %dma_start3A_231 = tpu.memref_slice %arg3[%add3A, %add3A_226, %dma_start3A_230] : memref<32x100x100xi32, #tpu.memory_space<hbm>> -> memref<1x1x100xi32, #tpu.memory_space<hbm>>
          %dma_start3A_232 = tpu.memref_squeeze %dma_start3A_231 : memref<1x1x100xi32, #tpu.memory_space<hbm>> -> memref<100xi32, #tpu.memory_space<hbm>>
          tpu.enqueue_dma source(%dma_start3A_232 : memref<100xi32, #tpu.memory_space<hbm>>) target(%arg13 : memref<100xi32, #tpu.memory_space<vmem>>) target_semaphore(%arg29 : memref<!tpu.dma_semaphore, #tpu.memory_space<semaphore_mem>>)
          %add3A_233 = arith.constant 6 : i32
          %add3A_234 = arith.addi %add3A_177, %add3A_233 : i32
          %dma_start3A_235 = arith.constant 0 : i32
          %dma_start3A_236 = tpu.memref_slice %arg4[%add3A, %add3A_234, %dma_start3A_235] : memref<32x100x100xi32, #tpu.memory_space<hbm>> -> memref<1x1x100xi32, #tpu.memory_space<hbm>>
          %dma_start3A_237 = tpu.memref_squeeze %dma_start3A_236 : memref<1x1x100xi32, #tpu.memory_space<hbm>> -> memref<100xi32, #tpu.memory_space<hbm>>
          %dma_start3A_238 = arith.constant 0 : i32
          %dma_start3A_239 = tpu.memref_slice %arg4[%add3A, %add3A_234, %dma_start3A_238] : memref<32x100x100xi32, #tpu.memory_space<hbm>> -> memref<1x1x100xi32, #tpu.memory_space<hbm>>
          %dma_start3A_240 = tpu.memref_squeeze %dma_start3A_239 : memref<1x1x100xi32, #tpu.memory_space<hbm>> -> memref<100xi32, #tpu.memory_space<hbm>>
          tpu.enqueue_dma source(%dma_start3A_240 : memref<100xi32, #tpu.memory_space<hbm>>) target(%arg19 : memref<100xi32, #tpu.memory_space<vmem>>) target_semaphore(%arg35 : memref<!tpu.dma_semaphore, #tpu.memory_space<semaphore_mem>>)
        } else {
        }
      } else {
      }
      %mul3A_183 = arith.constant 6 : i32
      %mul3A_184 = arith.muli %scan3A_149, %mul3A_183 : i32
      %add3A_185 = arith.constant 4 : i32
      %add3A_186 = arith.addi %mul3A_184, %add3A_185 : i32
      %lt3A_187 = arith.constant 100 : i32
      %lt3A_188 = arith.cmpi slt, %add3A_186, %lt3A_187 : i32
      %convert_element_type3A_189 = arith.extui %lt3A_188 : i1 to i32
      %cond3A_190 = arith.constant 0 : i32
      %cond3A_191 = arith.cmpi ne, %convert_element_type3A_189, %cond3A_190 : i32
      scf.if %cond3A_191 {
        %dma_wait3A_201 = arith.constant 0 : i32
        %dma_wait3A_202 = arith.constant 0 : i32
        %dma_wait3A_203 = tpu.memref_slice %arg2[%dma_wait3A_201, %dma_wait3A_202] : memref<10000x128xf32, #tpu.memory_space<hbm>> -> memref<10000x128xf32, #tpu.memory_space<hbm>>
        tpu.wait_indirect_dma semaphore(%arg24 : memref<!tpu.dma_semaphore, #tpu.memory_space<semaphore_mem>>) src(%dma_wait3A_203 : memref<10000x128xf32, #tpu.memory_space<hbm>>) dst(%arg7 : memref<100x128xf32, #tpu.memory_space<vmem>>)
        %dma_wait3A_204 = arith.constant 4 : i32
        %dma_wait3A_205 = arith.constant 0 : i32
        %dma_wait3A_206 = tpu.memref_slice %arg4[%add3A, %dma_wait3A_204, %dma_wait3A_205] : memref<32x100x100xi32, #tpu.memory_space<hbm>> -> memref<1x1x100xi32, #tpu.memory_space<hbm>>
        %dma_wait3A_207 = tpu.memref_squeeze %dma_wait3A_206 : memref<1x1x100xi32, #tpu.memory_space<hbm>> -> memref<100xi32, #tpu.memory_space<hbm>>
        %dma_wait3A_208 = arith.constant 0 : i32
        %dma_wait3A_209 = tpu.memref_slice %arg4[%add3A, %dma_wait3A_204, %dma_wait3A_208] : memref<32x100x100xi32, #tpu.memory_space<hbm>> -> memref<1x1x100xi32, #tpu.memory_space<hbm>>
        %dma_wait3A_210 = tpu.memref_squeeze %dma_wait3A_209 : memref<1x1x100xi32, #tpu.memory_space<hbm>> -> memref<100xi32, #tpu.memory_space<hbm>>
        tpu.wait_dma2 semaphore(%arg36 : memref<!tpu.dma_semaphore, #tpu.memory_space<semaphore_mem>>) src(%dma_wait3A_210 : memref<100xi32, #tpu.memory_space<hbm>>) dst(%arg20 : memref<100xi32, #tpu.memory_space<vmem>>)
        "tpu.region"() ({
          %run_scoped3A = tpu.sem_alloc : memref<!tpu.dma_semaphore, #tpu.memory_space<semaphore_mem>>
          %dma_start3A_225 = arith.constant 0 : i32
          %dma_start3A_226 = arith.constant 0 : i32
          %dma_start3A_227 = tpu.memref_slice %arg22[%dma_start3A_225, %dma_start3A_226] : memref<10000x128xf32, #tpu.memory_space<vmem_shared>> -> memref<10000x128xf32, #tpu.memory_space<vmem_shared>>
          tpu.enqueue_indirect_dma source(%arg7 : memref<100x128xf32, #tpu.memory_space<vmem>>) target(%dma_start3A_227 : memref<10000x128xf32, #tpu.memory_space<vmem_shared>>) offsets(%arg20 : memref<100xi32, #tpu.memory_space<vmem>>) semaphore(%run_scoped3A : memref<!tpu.dma_semaphore, #tpu.memory_space<semaphore_mem>>) {add = true}
          %dma_wait3A_228 = arith.constant 0 : i32
          %dma_wait3A_229 = arith.constant 0 : i32
          %dma_wait3A_230 = tpu.memref_slice %arg22[%dma_wait3A_228, %dma_wait3A_229] : memref<10000x128xf32, #tpu.memory_space<vmem_shared>> -> memref<10000x128xf32, #tpu.memory_space<vmem_shared>>
          tpu.wait_indirect_dma semaphore(%run_scoped3A : memref<!tpu.dma_semaphore, #tpu.memory_space<semaphore_mem>>) src(%arg7 : memref<100x128xf32, #tpu.memory_space<vmem>>) dst(%dma_wait3A_230 : memref<10000x128xf32, #tpu.memory_space<vmem_shared>>)
          tpu.yield
        }) : () -> ()
        %add3A_211 = arith.constant 3 : i32
        %add3A_212 = arith.addi %add3A_186, %add3A_211 : i32
        %lt3A_213 = arith.constant 100 : i32
        %lt3A_214 = arith.cmpi slt, %add3A_212, %lt3A_213 : i32
        %convert_element_type3A_215 = arith.extui %lt3A_214 : i1 to i32
        %cond3A_216 = arith.constant 0 : i32
        %cond3A_217 = arith.cmpi ne, %convert_element_type3A_215, %cond3A_216 : i32
        scf.if %cond3A_217 {
          %dma_wait3A_225 = arith.constant 1 : i32
          %dma_wait3A_226 = arith.constant 0 : i32
          %dma_wait3A_227 = tpu.memref_slice %arg3[%add3A, %dma_wait3A_225, %dma_wait3A_226] : memref<32x100x100xi32, #tpu.memory_space<hbm>> -> memref<1x1x100xi32, #tpu.memory_space<hbm>>
          %dma_wait3A_228 = tpu.memref_squeeze %dma_wait3A_227 : memref<1x1x100xi32, #tpu.memory_space<hbm>> -> memref<100xi32, #tpu.memory_space<hbm>>
          %dma_wait3A_229 = arith.constant 0 : i32
          %dma_wait3A_230 = tpu.memref_slice %arg3[%add3A, %dma_wait3A_225, %dma_wait3A_229] : memref<32x100x100xi32, #tpu.memory_space<hbm>> -> memref<1x1x100xi32, #tpu.memory_space<hbm>>
          %dma_wait3A_231 = tpu.memref_squeeze %dma_wait3A_230 : memref<1x1x100xi32, #tpu.memory_space<hbm>> -> memref<100xi32, #tpu.memory_space<hbm>>
          tpu.wait_dma2 semaphore(%arg27 : memref<!tpu.dma_semaphore, #tpu.memory_space<semaphore_mem>>) src(%dma_wait3A_231 : memref<100xi32, #tpu.memory_space<hbm>>) dst(%arg11 : memref<100xi32, #tpu.memory_space<vmem>>)
          %dma_start3A_232 = arith.constant 0 : i32
          %dma_start3A_233 = arith.constant 0 : i32
          %dma_start3A_234 = tpu.memref_slice %arg2[%dma_start3A_232, %dma_start3A_233] : memref<10000x128xf32, #tpu.memory_space<hbm>> -> memref<10000x128xf32, #tpu.memory_space<hbm>>
          tpu.enqueue_indirect_dma source(%dma_start3A_234 : memref<10000x128xf32, #tpu.memory_space<hbm>>) target(%arg7 : memref<100x128xf32, #tpu.memory_space<vmem>>) offsets(%arg11 : memref<100xi32, #tpu.memory_space<vmem>>) semaphore(%arg24 : memref<!tpu.dma_semaphore, #tpu.memory_space<semaphore_mem>>)
        } else {
        }
        %add3A_218 = arith.constant 6 : i32
        %add3A_219 = arith.addi %add3A_186, %add3A_218 : i32
        %lt3A_220 = arith.constant 100 : i32
        %lt3A_221 = arith.cmpi slt, %add3A_219, %lt3A_220 : i32
        %convert_element_type3A_222 = arith.extui %lt3A_221 : i1 to i32
        %cond3A_223 = arith.constant 0 : i32
        %cond3A_224 = arith.cmpi ne, %convert_element_type3A_222, %cond3A_223 : i32
        scf.if %cond3A_224 {
          %add3A_225 = arith.constant 6 : i32
          %add3A_226 = arith.addi %add3A_186, %add3A_225 : i32
          %dma_start3A_227 = arith.constant 0 : i32
          %dma_start3A_228 = tpu.memref_slice %arg3[%add3A, %add3A_226, %dma_start3A_227] : memref<32x100x100xi32, #tpu.memory_space<hbm>> -> memref<1x1x100xi32, #tpu.memory_space<hbm>>
          %dma_start3A_229 = tpu.memref_squeeze %dma_start3A_228 : memref<1x1x100xi32, #tpu.memory_space<hbm>> -> memref<100xi32, #tpu.memory_space<hbm>>
          %dma_start3A_230 = arith.constant 0 : i32
          %dma_start3A_231 = tpu.memref_slice %arg3[%add3A, %add3A_226, %dma_start3A_230] : memref<32x100x100xi32, #tpu.memory_space<hbm>> -> memref<1x1x100xi32, #tpu.memory_space<hbm>>
          %dma_start3A_232 = tpu.memref_squeeze %dma_start3A_231 : memref<1x1x100xi32, #tpu.memory_space<hbm>> -> memref<100xi32, #tpu.memory_space<hbm>>
          tpu.enqueue_dma source(%dma_start3A_232 : memref<100xi32, #tpu.memory_space<hbm>>) target(%arg14 : memref<100xi32, #tpu.memory_space<vmem>>) target_semaphore(%arg30 : memref<!tpu.dma_semaphore, #tpu.memory_space<semaphore_mem>>)
          %add3A_233 = arith.constant 6 : i32
          %add3A_234 = arith.addi %add3A_186, %add3A_233 : i32
          %dma_start3A_235 = arith.constant 0 : i32
          %dma_start3A_236 = tpu.memref_slice %arg4[%add3A, %add3A_234, %dma_start3A_235] : memref<32x100x100xi32, #tpu.memory_space<hbm>> -> memref<1x1x100xi32, #tpu.memory_space<hbm>>
          %dma_start3A_237 = tpu.memref_squeeze %dma_start3A_236 : memref<1x1x100xi32, #tpu.memory_space<hbm>> -> memref<100xi32, #tpu.memory_space<hbm>>
          %dma_start3A_238 = arith.constant 0 : i32
          %dma_start3A_239 = tpu.memref_slice %arg4[%add3A, %add3A_234, %dma_start3A_238] : memref<32x100x100xi32, #tpu.memory_space<hbm>> -> memref<1x1x100xi32, #tpu.memory_space<hbm>>
          %dma_start3A_240 = tpu.memref_squeeze %dma_start3A_239 : memref<1x1x100xi32, #tpu.memory_space<hbm>> -> memref<100xi32, #tpu.memory_space<hbm>>
          tpu.enqueue_dma source(%dma_start3A_240 : memref<100xi32, #tpu.memory_space<hbm>>) target(%arg20 : memref<100xi32, #tpu.memory_space<vmem>>) target_semaphore(%arg36 : memref<!tpu.dma_semaphore, #tpu.memory_space<semaphore_mem>>)
        } else {
        }
      } else {
      }
      %mul3A_192 = arith.constant 6 : i32
      %mul3A_193 = arith.muli %scan3A_149, %mul3A_192 : i32
      %add3A_194 = arith.constant 5 : i32
      %add3A_195 = arith.addi %mul3A_193, %add3A_194 : i32
      %lt3A_196 = arith.constant 100 : i32
      %lt3A_197 = arith.cmpi slt, %add3A_195, %lt3A_196 : i32
      %convert_element_type3A_198 = arith.extui %lt3A_197 : i1 to i32
      %cond3A_199 = arith.constant 0 : i32
      %cond3A_200 = arith.cmpi ne, %convert_element_type3A_198, %cond3A_199 : i32
      scf.if %cond3A_200 {
        %dma_wait3A_201 = arith.constant 0 : i32
        %dma_wait3A_202 = arith.constant 0 : i32
        %dma_wait3A_203 = tpu.memref_slice %arg2[%dma_wait3A_201, %dma_wait3A_202] : memref<10000x128xf32, #tpu.memory_space<hbm>> -> memref<10000x128xf32, #tpu.memory_space<hbm>>
        tpu.wait_indirect_dma semaphore(%arg25 : memref<!tpu.dma_semaphore, #tpu.memory_space<semaphore_mem>>) src(%dma_wait3A_203 : memref<10000x128xf32, #tpu.memory_space<hbm>>) dst(%arg8 : memref<100x128xf32, #tpu.memory_space<vmem>>)
        %dma_wait3A_204 = arith.constant 5 : i32
        %dma_wait3A_205 = arith.constant 0 : i32
        %dma_wait3A_206 = tpu.memref_slice %arg4[%add3A, %dma_wait3A_204, %dma_wait3A_205] : memref<32x100x100xi32, #tpu.memory_space<hbm>> -> memref<1x1x100xi32, #tpu.memory_space<hbm>>
        %dma_wait3A_207 = tpu.memref_squeeze %dma_wait3A_206 : memref<1x1x100xi32, #tpu.memory_space<hbm>> -> memref<100xi32, #tpu.memory_space<hbm>>
        %dma_wait3A_208 = arith.constant 0 : i32
        %dma_wait3A_209 = tpu.memref_slice %arg4[%add3A, %dma_wait3A_204, %dma_wait3A_208] : memref<32x100x100xi32, #tpu.memory_space<hbm>> -> memref<1x1x100xi32, #tpu.memory_space<hbm>>
        %dma_wait3A_210 = tpu.memref_squeeze %dma_wait3A_209 : memref<1x1x100xi32, #tpu.memory_space<hbm>> -> memref<100xi32, #tpu.memory_space<hbm>>
        tpu.wait_dma2 semaphore(%arg37 : memref<!tpu.dma_semaphore, #tpu.memory_space<semaphore_mem>>) src(%dma_wait3A_210 : memref<100xi32, #tpu.memory_space<hbm>>) dst(%arg21 : memref<100xi32, #tpu.memory_space<vmem>>)
        "tpu.region"() ({
          %run_scoped3A = tpu.sem_alloc : memref<!tpu.dma_semaphore, #tpu.memory_space<semaphore_mem>>
          %dma_start3A_225 = arith.constant 0 : i32
          %dma_start3A_226 = arith.constant 0 : i32
          %dma_start3A_227 = tpu.memref_slice %arg22[%dma_start3A_225, %dma_start3A_226] : memref<10000x128xf32, #tpu.memory_space<vmem_shared>> -> memref<10000x128xf32, #tpu.memory_space<vmem_shared>>
          tpu.enqueue_indirect_dma source(%arg8 : memref<100x128xf32, #tpu.memory_space<vmem>>) target(%dma_start3A_227 : memref<10000x128xf32, #tpu.memory_space<vmem_shared>>) offsets(%arg21 : memref<100xi32, #tpu.memory_space<vmem>>) semaphore(%run_scoped3A : memref<!tpu.dma_semaphore, #tpu.memory_space<semaphore_mem>>) {add = true}
          %dma_wait3A_228 = arith.constant 0 : i32
          %dma_wait3A_229 = arith.constant 0 : i32
          %dma_wait3A_230 = tpu.memref_slice %arg22[%dma_wait3A_228, %dma_wait3A_229] : memref<10000x128xf32, #tpu.memory_space<vmem_shared>> -> memref<10000x128xf32, #tpu.memory_space<vmem_shared>>
          tpu.wait_indirect_dma semaphore(%run_scoped3A : memref<!tpu.dma_semaphore, #tpu.memory_space<semaphore_mem>>) src(%arg8 : memref<100x128xf32, #tpu.memory_space<vmem>>) dst(%dma_wait3A_230 : memref<10000x128xf32, #tpu.memory_space<vmem_shared>>)
          tpu.yield
        }) : () -> ()
        %add3A_211 = arith.constant 3 : i32
        %add3A_212 = arith.addi %add3A_195, %add3A_211 : i32
        %lt3A_213 = arith.constant 100 : i32
        %lt3A_214 = arith.cmpi slt, %add3A_212, %lt3A_213 : i32
        %convert_element_type3A_215 = arith.extui %lt3A_214 : i1 to i32
        %cond3A_216 = arith.constant 0 : i32
        %cond3A_217 = arith.cmpi ne, %convert_element_type3A_215, %cond3A_216 : i32
        scf.if %cond3A_217 {
          %dma_wait3A_225 = arith.constant 2 : i32
          %dma_wait3A_226 = arith.constant 0 : i32
          %dma_wait3A_227 = tpu.memref_slice %arg3[%add3A, %dma_wait3A_225, %dma_wait3A_226] : memref<32x100x100xi32, #tpu.memory_space<hbm>> -> memref<1x1x100xi32, #tpu.memory_space<hbm>>
          %dma_wait3A_228 = tpu.memref_squeeze %dma_wait3A_227 : memref<1x1x100xi32, #tpu.memory_space<hbm>> -> memref<100xi32, #tpu.memory_space<hbm>>
          %dma_wait3A_229 = arith.constant 0 : i32
          %dma_wait3A_230 = tpu.memref_slice %arg3[%add3A, %dma_wait3A_225, %dma_wait3A_229] : memref<32x100x100xi32, #tpu.memory_space<hbm>> -> memref<1x1x100xi32, #tpu.memory_space<hbm>>
          %dma_wait3A_231 = tpu.memref_squeeze %dma_wait3A_230 : memref<1x1x100xi32, #tpu.memory_space<hbm>> -> memref<100xi32, #tpu.memory_space<hbm>>
          tpu.wait_dma2 semaphore(%arg28 : memref<!tpu.dma_semaphore, #tpu.memory_space<semaphore_mem>>) src(%dma_wait3A_231 : memref<100xi32, #tpu.memory_space<hbm>>) dst(%arg12 : memref<100xi32, #tpu.memory_space<vmem>>)
          %dma_start3A_232 = arith.constant 0 : i32
          %dma_start3A_233 = arith.constant 0 : i32
          %dma_start3A_234 = tpu.memref_slice %arg2[%dma_start3A_232, %dma_start3A_233] : memref<10000x128xf32, #tpu.memory_space<hbm>> -> memref<10000x128xf32, #tpu.memory_space<hbm>>
          tpu.enqueue_indirect_dma source(%dma_start3A_234 : memref<10000x128xf32, #tpu.memory_space<hbm>>) target(%arg8 : memref<100x128xf32, #tpu.memory_space<vmem>>) offsets(%arg12 : memref<100xi32, #tpu.memory_space<vmem>>) semaphore(%arg25 : memref<!tpu.dma_semaphore, #tpu.memory_space<semaphore_mem>>)
        } else {
        }
        %add3A_218 = arith.constant 6 : i32
        %add3A_219 = arith.addi %add3A_195, %add3A_218 : i32
        %lt3A_220 = arith.constant 100 : i32
        %lt3A_221 = arith.cmpi slt, %add3A_219, %lt3A_220 : i32
        %convert_element_type3A_222 = arith.extui %lt3A_221 : i1 to i32
        %cond3A_223 = arith.constant 0 : i32
        %cond3A_224 = arith.cmpi ne, %convert_element_type3A_222, %cond3A_223 : i32
        scf.if %cond3A_224 {
          %add3A_225 = arith.constant 6 : i32
          %add3A_226 = arith.addi %add3A_195, %add3A_225 : i32
          %dma_start3A_227 = arith.constant 0 : i32
          %dma_start3A_228 = tpu.memref_slice %arg3[%add3A, %add3A_226, %dma_start3A_227] : memref<32x100x100xi32, #tpu.memory_space<hbm>> -> memref<1x1x100xi32, #tpu.memory_space<hbm>>
          %dma_start3A_229 = tpu.memref_squeeze %dma_start3A_228 : memref<1x1x100xi32, #tpu.memory_space<hbm>> -> memref<100xi32, #tpu.memory_space<hbm>>
          %dma_start3A_230 = arith.constant 0 : i32
          %dma_start3A_231 = tpu.memref_slice %arg3[%add3A, %add3A_226, %dma_start3A_230] : memref<32x100x100xi32, #tpu.memory_space<hbm>> -> memref<1x1x100xi32, #tpu.memory_space<hbm>>
          %dma_start3A_232 = tpu.memref_squeeze %dma_start3A_231 : memref<1x1x100xi32, #tpu.memory_space<hbm>> -> memref<100xi32, #tpu.memory_space<hbm>>
          tpu.enqueue_dma source(%dma_start3A_232 : memref<100xi32, #tpu.memory_space<hbm>>) target(%arg15 : memref<100xi32, #tpu.memory_space<vmem>>) target_semaphore(%arg31 : memref<!tpu.dma_semaphore, #tpu.memory_space<semaphore_mem>>)
          %add3A_233 = arith.constant 6 : i32
          %add3A_234 = arith.addi %add3A_195, %add3A_233 : i32
          %dma_start3A_235 = arith.constant 0 : i32
          %dma_start3A_236 = tpu.memref_slice %arg4[%add3A, %add3A_234, %dma_start3A_235] : memref<32x100x100xi32, #tpu.memory_space<hbm>> -> memref<1x1x100xi32, #tpu.memory_space<hbm>>
          %dma_start3A_237 = tpu.memref_squeeze %dma_start3A_236 : memref<1x1x100xi32, #tpu.memory_space<hbm>> -> memref<100xi32, #tpu.memory_space<hbm>>
          %dma_start3A_238 = arith.constant 0 : i32
          %dma_start3A_239 = tpu.memref_slice %arg4[%add3A, %add3A_234, %dma_start3A_238] : memref<32x100x100xi32, #tpu.memory_space<hbm>> -> memref<1x1x100xi32, #tpu.memory_space<hbm>>
          %dma_start3A_240 = tpu.memref_squeeze %dma_start3A_239 : memref<1x1x100xi32, #tpu.memory_space<hbm>> -> memref<100xi32, #tpu.memory_space<hbm>>
          tpu.enqueue_dma source(%dma_start3A_240 : memref<100xi32, #tpu.memory_space<hbm>>) target(%arg21 : memref<100xi32, #tpu.memory_space<vmem>>) target_semaphore(%arg37 : memref<!tpu.dma_semaphore, #tpu.memory_space<semaphore_mem>>)
        } else {
        }
      } else {
      }
    }
    %scan3A_135 = arith.constant 17 : i32
    %barrier3A_136 = arith.constant 0 : index
    tpu.barrier barrier_id(%barrier3A_136)
    %scan3A_137 = arith.constant 0 : i32
    %scan3A_138 = arith.constant 0 : i32
    %scan3A_139 = arith.constant 4 : i32
    %scan3A_140 = arith.addi %scan3A_138, %scan3A_139 : i32
    %scan3A_141 = arith.constant 1 : i32
    scf.for %scan3A_149 = %scan3A_138 to %scan3A_140 step %scan3A_141  : i32 {
      %mul3A_150 = arith.constant 16 : i32
      %mul3A_151 = arith.muli %scan3A_149, %mul3A_150 : i32
      %add3A_152 = arith.addi %mul3A_151, %arg1 : i32
      %lt3A = arith.constant 50 : i32
      %lt3A_153 = arith.cmpi slt, %add3A_152, %lt3A : i32
      %convert_element_type3A = arith.extui %lt3A_153 : i1 to i32
      %cond3A = arith.constant 0 : i32
      %cond3A_154 = arith.cmpi ne, %convert_element_type3A, %cond3A : i32
      scf.if %cond3A_154 {
        %mul3A_155 = arith.constant 200 : i32
        %mul3A_156 = arith.muli %add3A_152, %mul3A_155 : i32
        %mul3A_157 = arith.constant 200 : i32
        %mul3A_158 = arith.muli %add3A_152, %mul3A_157 : i32
        %dma_start3A_159 = arith.constant 0 : i32
        %dma_start3A_160 = tpu.memref_slice %arg5[%arg0, %mul3A_158, %dma_start3A_159] : memref<2x10000x128xf32, #tpu.memory_space<hbm>> -> memref<1x200x128xf32, #tpu.memory_space<hbm>>
        %dma_start3A_161 = tpu.memref_squeeze %dma_start3A_160 : memref<1x200x128xf32, #tpu.memory_space<hbm>> -> memref<200x128xf32, #tpu.memory_space<hbm>>
        %dma_start3A_162 = arith.constant 0 : i32
        %dma_start3A_163 = tpu.memref_slice %arg22[%mul3A_156, %dma_start3A_162] : memref<10000x128xf32, #tpu.memory_space<vmem_shared>> -> memref<200x128xf32, #tpu.memory_space<vmem_shared>>
        tpu.enqueue_dma source(%dma_start3A_163 : memref<200x128xf32, #tpu.memory_space<vmem_shared>>) target(%dma_start3A_161 : memref<200x128xf32, #tpu.memory_space<hbm>>) target_semaphore(%arg39 : memref<!tpu.dma_semaphore, #tpu.memory_space<semaphore_mem>>)
      } else {
      }
    }
    %scan3A_142 = arith.constant 4 : i32
    %scan3A_143 = arith.constant 0 : i32
    %scan3A_144 = arith.constant 0 : i32
    %scan3A_145 = arith.constant 4 : i32
    %scan3A_146 = arith.addi %scan3A_144, %scan3A_145 : i32
    %scan3A_147 = arith.constant 1 : i32
    scf.for %scan3A_149 = %scan3A_144 to %scan3A_146 step %scan3A_147  : i32 {
      %mul3A_150 = arith.constant 16 : i32
      %mul3A_151 = arith.muli %scan3A_149, %mul3A_150 : i32
      %add3A_152 = arith.addi %mul3A_151, %arg1 : i32
      %lt3A = arith.constant 50 : i32
      %lt3A_153 = arith.cmpi slt, %add3A_152, %lt3A : i32
      %convert_element_type3A = arith.extui %lt3A_153 : i1 to i32
      %cond3A = arith.constant 0 : i32
      %cond3A_154 = arith.cmpi ne, %convert_element_type3A, %cond3A : i32
      scf.if %cond3A_154 {
        %mul3A_155 = arith.constant 200 : i32
        %mul3A_156 = arith.muli %add3A_152, %mul3A_155 : i32
        %mul3A_157 = arith.constant 200 : i32
        %mul3A_158 = arith.muli %add3A_152, %mul3A_157 : i32
        %dma_wait3A_159 = arith.constant 0 : i32
        %dma_wait3A_160 = tpu.memref_slice %arg5[%arg0, %mul3A_158, %dma_wait3A_159] : memref<2x10000x128xf32, #tpu.memory_space<hbm>> -> memref<1x200x128xf32, #tpu.memory_space<hbm>>
        %dma_wait3A_161 = tpu.memref_squeeze %dma_wait3A_160 : memref<1x200x128xf32, #tpu.memory_space<hbm>> -> memref<200x128xf32, #tpu.memory_space<hbm>>
        %dma_wait3A_162 = arith.constant 0 : i32
        %dma_wait3A_163 = tpu.memref_slice %arg22[%mul3A_156, %dma_wait3A_162] : memref<10000x128xf32, #tpu.memory_space<vmem_shared>> -> memref<200x128xf32, #tpu.memory_space<vmem_shared>>
        tpu.wait_dma2 semaphore(%arg39 : memref<!tpu.dma_semaphore, #tpu.memory_space<semaphore_mem>>) src(%dma_wait3A_163 : memref<200x128xf32, #tpu.memory_space<vmem_shared>>) dst(%dma_wait3A_161 : memref<200x128xf32, #tpu.memory_space<hbm>>)
      } else {
      }
    }
    %scan3A_148 = arith.constant 4 : i32
    return
  }
}

module attributes {stable_mosaic.version = 14 : i64} {
  func.func @_layer_body(%arg0: i32, %arg1: memref<2x2000x128xf32, #tpu.memory_space<vmem>>, %arg2: memref<1x128xf32, #tpu.memory_space<vmem>>, %arg3: memref<128x128xf32, #tpu.memory_space<vmem>>, %arg4: memref<2000x128xf32, #tpu.memory_space<vmem>>) attributes {dimension_semantics = [#tpu.dimension_semantics<arbitrary>], iteration_bounds = array<i64: 5>, scalar_prefetch = 0 : i64, scratch_operands = 0 : i64, tpu.core_type = #tpu.core_type<tc>, window_params = [{transform_indices = @transform_0, window_bounds = array<i64: 2, 2000, 128>}, {pipeline_mode = #tpu.pipeline_mode<synchronous>, transform_indices = @transform_1, window_bounds = array<i64: 1, 128>}, {pipeline_mode = #tpu.pipeline_mode<synchronous>, transform_indices = @transform_2, window_bounds = array<i64: 128, 128>}, {transform_indices = @transform_3, window_bounds = array<i64: 2000, 128>}]} {
    %get3A = arith.constant 0 : index
    %get3A_0 = arith.constant 0 : index
    %get3A_1 = arith.constant 0 : index
    %get3A_2 = vector.load %arg1[%get3A, %get3A_0, %get3A_1] : memref<2x2000x128xf32, #tpu.memory_space<vmem>>, vector<1x2000x128xf32>
    %get3A_3 = vector.shape_cast %get3A_2 : vector<1x2000x128xf32> to vector<2000x128xf32>
    %get3A_4 = arith.constant 1 : index
    %get3A_5 = arith.constant 0 : index
    %get3A_6 = arith.constant 0 : index
    %get3A_7 = vector.load %arg1[%get3A_4, %get3A_5, %get3A_6] : memref<2x2000x128xf32, #tpu.memory_space<vmem>>, vector<1x2000x128xf32>
    %get3A_8 = vector.shape_cast %get3A_7 : vector<1x2000x128xf32> to vector<2000x128xf32>
    %add3A = arith.addf %get3A_3, %get3A_8 : vector<2000x128xf32>
    %get3A_9 = arith.constant 0 : index
    %get3A_10 = arith.constant 0 : index
    %get3A_11 = vector.load %arg3[%get3A_9, %get3A_10] : memref<128x128xf32, #tpu.memory_space<vmem>>, vector<128x128xf32>
    %convert_element_type3A = arith.truncf %add3A : vector<2000x128xf32> to vector<2000x128xbf16>
    %convert_element_type3A_12 = arith.extf %convert_element_type3A : vector<2000x128xbf16> to vector<2000x128xf32>
    %sub3A = arith.subf %add3A, %convert_element_type3A_12 : vector<2000x128xf32>
    %convert_element_type3A_13 = arith.truncf %sub3A : vector<2000x128xf32> to vector<2000x128xbf16>
    %convert_element_type3A_14 = arith.truncf %get3A_11 : vector<128x128xf32> to vector<128x128xbf16>
    %convert_element_type3A_15 = arith.extf %convert_element_type3A_14 : vector<128x128xbf16> to vector<128x128xf32>
    %sub3A_16 = arith.subf %get3A_11, %convert_element_type3A_15 : vector<128x128xf32>
    %convert_element_type3A_17 = arith.truncf %sub3A_16 : vector<128x128xf32> to vector<128x128xbf16>
    %dot_general3A = arith.constant dense<0.000000e+00> : vector<2000x128xf32>
    %dot_general3A_18 = tpu.matmul %convert_element_type3A, %convert_element_type3A_14, %dot_general3A {dimension_numbers = #tpu.dot_dimension_numbers<[1], [0], [0], [1], [0, 0, 1, 1], [], []>, transpose_lhs_hint = false} : vector<2000x128xbf16>, vector<128x128xbf16>, vector<2000x128xf32> -> vector<2000x128xf32>
    %dot_general3A_19 = arith.constant dense<0.000000e+00> : vector<2000x128xf32>
    %dot_general3A_20 = tpu.matmul %convert_element_type3A, %convert_element_type3A_17, %dot_general3A_19 {dimension_numbers = #tpu.dot_dimension_numbers<[1], [0], [0], [1], [0, 0, 1, 1], [], []>, transpose_lhs_hint = false} : vector<2000x128xbf16>, vector<128x128xbf16>, vector<2000x128xf32> -> vector<2000x128xf32>
    %add3A_21 = arith.addf %dot_general3A_18, %dot_general3A_20 : vector<2000x128xf32>
    %dot_general3A_22 = arith.constant dense<0.000000e+00> : vector<2000x128xf32>
    %dot_general3A_23 = tpu.matmul %convert_element_type3A_13, %convert_element_type3A_14, %dot_general3A_22 {dimension_numbers = #tpu.dot_dimension_numbers<[1], [0], [0], [1], [0, 0, 1, 1], [], []>, transpose_lhs_hint = false} : vector<2000x128xbf16>, vector<128x128xbf16>, vector<2000x128xf32> -> vector<2000x128xf32>
    %add3A_24 = arith.addf %add3A_21, %dot_general3A_23 : vector<2000x128xf32>
    %get3A_25 = arith.constant 0 : index
    %get3A_26 = arith.constant 0 : index
    %get3A_27 = vector.load %arg2[%get3A_25, %get3A_26] : memref<1x128xf32, #tpu.memory_space<vmem>>, vector<1x128xf32>
    %add3A_28 = vector.broadcast %get3A_27 : vector<1x128xf32> to vector<2000x128xf32>
    %add3A_29 = arith.addf %add3A_24, %add3A_28 : vector<2000x128xf32>
    %swap3A = arith.constant 0 : index
    %swap3A_30 = arith.constant 0 : index
    %swap3A_31 = vector.load %arg4[%swap3A, %swap3A_30] : memref<2000x128xf32, #tpu.memory_space<vmem>>, vector<2000x128xf32>
    tpu.vector_store %arg4[%swap3A, %swap3A_30], %add3A_29 {strides = array<i32>} : memref<2000x128xf32, #tpu.memory_space<vmem>>, vector<2000x128xf32>,
    return
  }
  func.func @transform_0(%arg0: i32) -> (i32, i32, i32) {
    %c0_i32 = arith.constant 0 : i32
    %c0_i32_0 = arith.constant 0 : i32
    %c0_i32_1 = arith.constant 0 : i32
    return %c0_i32, %arg0, %c0_i32_0 : i32, i32, i32
  }
  func.func @transform_1(%arg0: i32) -> (i32, i32) {
    %c0_i32 = arith.constant 0 : i32
    %c0_i32_0 = arith.constant 0 : i32
    %c0_i32_1 = arith.constant 0 : i32
    return %c0_i32, %c0_i32_0 : i32, i32
  }
  func.func @transform_2(%arg0: i32) -> (i32, i32) {
    %c0_i32 = arith.constant 0 : i32
    %c0_i32_0 = arith.constant 0 : i32
    %c0_i32_1 = arith.constant 0 : i32
    return %c0_i32, %c0_i32_0 : i32, i32
  }
  func.func @transform_3(%arg0: i32) -> (i32, i32) {
    %c0_i32 = arith.constant 0 : i32
    %c0_i32_0 = arith.constant 0 : i32
    return %arg0, %c0_i32 : i32, i32
  }
}

module attributes {stable_mosaic.version = 14 : i64} {
  func.func @_layer_body(%arg0: i32, %arg1: memref<2x2000x128xf32, #tpu.memory_space<vmem>>, %arg2: memref<1x128xf32, #tpu.memory_space<vmem>>, %arg3: memref<128x128xf32, #tpu.memory_space<vmem>>, %arg4: memref<2000x128xf32, #tpu.memory_space<vmem>>) attributes {dimension_semantics = [#tpu.dimension_semantics<arbitrary>], iteration_bounds = array<i64: 5>, scalar_prefetch = 0 : i64, scratch_operands = 0 : i64, tpu.core_type = #tpu.core_type<tc>, window_params = [{transform_indices = @transform_0, window_bounds = array<i64: 2, 2000, 128>}, {pipeline_mode = #tpu.pipeline_mode<synchronous>, transform_indices = @transform_1, window_bounds = array<i64: 1, 128>}, {pipeline_mode = #tpu.pipeline_mode<synchronous>, transform_indices = @transform_2, window_bounds = array<i64: 128, 128>}, {transform_indices = @transform_3, window_bounds = array<i64: 2000, 128>}]} {
    %get3A = arith.constant 0 : index
    %get3A_0 = arith.constant 0 : index
    %get3A_1 = arith.constant 0 : index
    %get3A_2 = vector.load %arg1[%get3A, %get3A_0, %get3A_1] : memref<2x2000x128xf32, #tpu.memory_space<vmem>>, vector<1x2000x128xf32>
    %get3A_3 = vector.shape_cast %get3A_2 : vector<1x2000x128xf32> to vector<2000x128xf32>
    %get3A_4 = arith.constant 1 : index
    %get3A_5 = arith.constant 0 : index
    %get3A_6 = arith.constant 0 : index
    %get3A_7 = vector.load %arg1[%get3A_4, %get3A_5, %get3A_6] : memref<2x2000x128xf32, #tpu.memory_space<vmem>>, vector<1x2000x128xf32>
    %get3A_8 = vector.shape_cast %get3A_7 : vector<1x2000x128xf32> to vector<2000x128xf32>
    %add3A = arith.addf %get3A_3, %get3A_8 : vector<2000x128xf32>
    %get3A_9 = arith.constant 0 : index
    %get3A_10 = arith.constant 0 : index
    %get3A_11 = vector.load %arg3[%get3A_9, %get3A_10] : memref<128x128xf32, #tpu.memory_space<vmem>>, vector<128x128xf32>
    %convert_element_type3A = arith.truncf %add3A : vector<2000x128xf32> to vector<2000x128xbf16>
    %convert_element_type3A_12 = arith.extf %convert_element_type3A : vector<2000x128xbf16> to vector<2000x128xf32>
    %sub3A = arith.subf %add3A, %convert_element_type3A_12 : vector<2000x128xf32>
    %convert_element_type3A_13 = arith.truncf %sub3A : vector<2000x128xf32> to vector<2000x128xbf16>
    %convert_element_type3A_14 = arith.truncf %get3A_11 : vector<128x128xf32> to vector<128x128xbf16>
    %convert_element_type3A_15 = arith.extf %convert_element_type3A_14 : vector<128x128xbf16> to vector<128x128xf32>
    %sub3A_16 = arith.subf %get3A_11, %convert_element_type3A_15 : vector<128x128xf32>
    %convert_element_type3A_17 = arith.truncf %sub3A_16 : vector<128x128xf32> to vector<128x128xbf16>
    %dot_general3A = arith.constant dense<0.000000e+00> : vector<2000x128xf32>
    %dot_general3A_18 = tpu.matmul %convert_element_type3A, %convert_element_type3A_14, %dot_general3A {dimension_numbers = #tpu.dot_dimension_numbers<[1], [0], [0], [1], [0, 0, 1, 1], [], []>, transpose_lhs_hint = false} : vector<2000x128xbf16>, vector<128x128xbf16>, vector<2000x128xf32> -> vector<2000x128xf32>
    %dot_general3A_19 = arith.constant dense<0.000000e+00> : vector<2000x128xf32>
    %dot_general3A_20 = tpu.matmul %convert_element_type3A, %convert_element_type3A_17, %dot_general3A_19 {dimension_numbers = #tpu.dot_dimension_numbers<[1], [0], [0], [1], [0, 0, 1, 1], [], []>, transpose_lhs_hint = false} : vector<2000x128xbf16>, vector<128x128xbf16>, vector<2000x128xf32> -> vector<2000x128xf32>
    %add3A_21 = arith.addf %dot_general3A_18, %dot_general3A_20 : vector<2000x128xf32>
    %dot_general3A_22 = arith.constant dense<0.000000e+00> : vector<2000x128xf32>
    %dot_general3A_23 = tpu.matmul %convert_element_type3A_13, %convert_element_type3A_14, %dot_general3A_22 {dimension_numbers = #tpu.dot_dimension_numbers<[1], [0], [0], [1], [0, 0, 1, 1], [], []>, transpose_lhs_hint = false} : vector<2000x128xbf16>, vector<128x128xbf16>, vector<2000x128xf32> -> vector<2000x128xf32>
    %add3A_24 = arith.addf %add3A_21, %dot_general3A_23 : vector<2000x128xf32>
    %get3A_25 = arith.constant 0 : index
    %get3A_26 = arith.constant 0 : index
    %get3A_27 = vector.load %arg2[%get3A_25, %get3A_26] : memref<1x128xf32, #tpu.memory_space<vmem>>, vector<1x128xf32>
    %add3A_28 = vector.broadcast %get3A_27 : vector<1x128xf32> to vector<2000x128xf32>
    %add3A_29 = arith.addf %add3A_24, %add3A_28 : vector<2000x128xf32>
    %max3A = arith.constant 0.000000e+00 : f32
    %max3A_30 = vector.broadcast %max3A : f32 to vector<2000x128xf32>
    %max3A_31 = arith.maximumf %add3A_29, %max3A_30 : vector<2000x128xf32>
    %swap3A = arith.constant 0 : index
    %swap3A_32 = arith.constant 0 : index
    %swap3A_33 = vector.load %arg4[%swap3A, %swap3A_32] : memref<2000x128xf32, #tpu.memory_space<vmem>>, vector<2000x128xf32>
    tpu.vector_store %arg4[%swap3A, %swap3A_32], %max3A_31 {strides = array<i32>} : memref<2000x128xf32, #tpu.memory_space<vmem>>, vector<2000x128xf32>,
    return
  }
  func.func @transform_0(%arg0: i32) -> (i32, i32, i32) {
    %c0_i32 = arith.constant 0 : i32
    %c0_i32_0 = arith.constant 0 : i32
    %c0_i32_1 = arith.constant 0 : i32
    return %c0_i32, %arg0, %c0_i32_0 : i32, i32, i32
  }
  func.func @transform_1(%arg0: i32) -> (i32, i32) {
    %c0_i32 = arith.constant 0 : i32
    %c0_i32_0 = arith.constant 0 : i32
    %c0_i32_1 = arith.constant 0 : i32
    return %c0_i32, %c0_i32_0 : i32, i32
  }
  func.func @transform_2(%arg0: i32) -> (i32, i32) {
    %c0_i32 = arith.constant 0 : i32
    %c0_i32_0 = arith.constant 0 : i32
    %c0_i32_1 = arith.constant 0 : i32
    return %c0_i32, %c0_i32_0 : i32, i32
  }
  func.func @transform_3(%arg0: i32) -> (i32, i32) {
    %c0_i32 = arith.constant 0 : i32
    %c0_i32_0 = arith.constant 0 : i32
    return %arg0, %c0_i32 : i32, i32
  }
}

</mosaic_0001>

<sc_bundles>
// kernel: kernel.6.cloned.1.call-start
scs
__scs_entry_jumppad:
0x0: {  	(pc) =	sbr.rel $0x88, $3  }
0x1: {  	(tag) =	ssettag $0x0;
	lr =	simm.s32 $0x1  }
0x2: {  	[smem:$0x3F9B] =	sst lr;
	_ =	strace $0xD0000000  }
0x3: {  	_ = 	snop  }
0x4: {  	_ = 	snop  }
0x5: {  	_ = 	snop  }
0x6: {  	_ = 	snop  }
0x7: {  	_ = 	snop  }
__scs_overlays_trampoline_lowered:
0x8: {  	[smem:$0x3FAA] =	sst s0  }
0x9: {  	[smem:$0x3FAB] =	sst s1  }
0xa: {  	[smem:$0x3FAC] =	sst s2  }
0xb: {  	[smem:$0x3FAD] =	sst s3  }
0xc: {  	[smem:$0x3FAE] =	sst s4  }
0xd: {  	[smem:$0x3FAF] =	sst s5  }
0xe: {  	[smem:$0x3FB0] =	sst s6  }
0xf: {  	[smem:$0x3FB1] =	sst s7  }
0x10: {  	[smem:$0x3FB2] =	sst s8  }
0x11: {  	[smem:$0x3FB3] =	sst s9;
	s0 =	simm.s32 @!p0 $0x0  }
0x12: {  	s1 =	sld [smem:$0x3F99];
	s0 =	simm.s32 @p0 $0x1  }
0x13: {  	[smem:$0x3FB4] =	sst s0;
	s0 =	simm.s32 @!p1 $0x0  }
0x14: {  	s2 =	sld [smem:$0x3F98];
	s0 =	simm.s32 @p1 $0x1  }
0x15: {  	[smem:$0x3FB5] =	sst s0;
	s0 =	simm.s32 @!p2 $0x0  }
0x16: {  	s3 =	sld [smem:$0x3FDB];
	s0 =	simm.s32 @p2 $0x1  }
0x17: {  	s4 =	simm.s32 $0x1BF5;
	[smem:$0x3FB7] =	sst s0  }
0x18: {  	s0 =	sld [smem:$0x3F9A];
	_ =	swait.ge [sflag:s4], $0x0  }
0x19: {  	s7 =	sld [smem:$0x3F9B]  }
0x1a: {  	s8 =	sadd.s32 $0xFFFFE003, lr  }
0x1b: {  	s9 =	sadd.s32 $0xFFFFFEF7, lr;
	s5 =	simm.s32 $0xFFFFFFFF;
	p2 =	slt.u32 s8, $0xFFFFF086  }
0x1c: {  	p1 =	slt.u32 s9, $0xF7A;
	s5 =	simm.s32 @!p2 $0x0  }
0x1d: {  	s5 =	simm.s32 @p1 $0x1;
	p0 =	seq.s32 s7, s2  }
0x1e: {  	s7 =	smul.u32 @!p0 $0xF7A, s2;
	p2 =	seq.s32 @!p0 s5, $0x0  }
0x1f: {  	s9 =	smul.u32 $0xF7A, s1;
	s8 =	simm.s32 @!p0 $0x1BF5;
	p2 =	por !p2, p0  }
0x20: {  	[sflag:s8] =	ssyncset.s32 @!p0 $0xFFFFF086;
	s6 =	sadd.s32 @!p0 s3, s7;
	s7 =	simm.s32 @!p0 $0x108  }
0x21: {  	s3 =	sadd.s32 s3, s9;
	s6 =	sadd.s32 @!p0 $0x88, s6;
	s7 =	simm.s32 @p2 $0x1082  }
0x22: {  	[simem:s7], [sflag:s8] =	dma.local @!p0 [hbm:s6], $0xF7A  }
0x23: {  	s9 =	sor.u32 $0xD0000000, s2;
	s6 =	simm.s32 $0x108;
	_ =	swait.ge @!p0 [sflag:s8], $0x0  }
0x24: {  	s3 =	sadd.s32 $0x88, s3;
	s6 =	simm.s32 @!p1 $0x1082;
	[sflag:s4] =	ssyncset.s32 $0xFFFFF086  }
0x25: {  	[simem:s6], [sflag:s4] =	dma.local [hbm:s3], $0xF7A  }
0x26: {  	[smem:$0x3F9B] =	sst s1;
	(tag) =	ssettag s2;
	_ =	strace s9  }
0x27: {  	s1 =	sld [smem:$0x3FAB]  }
0x28: {  	s2 =	sld [smem:$0x3FAC]  }
0x29: {  	s4 =	sld [smem:$0x3FAE]  }
0x2a: {  	p0 =	seq.s32 s5, $0x0;
	s5 =	sld [smem:$0x3FAF]  }
0x2b: {  	s6 =	sld [smem:$0x3FB0]  }
0x2c: {  	s7 =	sld [smem:$0x3FB1]  }
0x2d: {  	s3 =	simm.s32 $0x108;
	s8 =	sld [smem:$0x3FB2]  }
0x2e: {  	s3 =	simm.s32 @!p0 $0x1082;
	s9 =	sld [smem:$0x3FB3]  }
0x2f: {  	lr =	sadd.s32 s0, s3;
	s0 =	sld [smem:$0x3FAA]  }
0x30: {  	s3 =	sld [smem:$0x3FAD]  }
0x31: {  	[smem:$0x3FB6] =	sst s10  }
0x32: {  	s10 =	sld [smem:$0x3FB4];
	_ =	sdelay $0x3  }
0x33: {  	p0 =	seq.s32 s10, $0x1;
	s10 =	sld [smem:$0x3FB6];
	_ =	sdelay $0x3  }
0x34: {  	[smem:$0x3FB6] =	sst s10  }
0x35: {  	s10 =	sld [smem:$0x3FB5];
	_ =	sdelay $0x3  }
0x36: {  	p1 =	seq.s32 s10, $0x1;
	s10 =	sld [smem:$0x3FB6];
	_ =	sdelay $0x3  }
0x37: {  	[smem:$0x3FB6] =	sst s10  }
0x38: {  	s10 =	sld [smem:$0x3FB7]  }
0x39: {  	_ = 	snop;
	(pc) =	sbr.ind lr, $3  }
0x3a: {  	_ = 	snop  }
0x3b: {  	_ = 	snop  }
0x3c: {  	p2 =	seq.s32 s10, $0x1;
	s10 =	sld [smem:$0x3FB6]  }
0x3d: {  	_ =	shalt  }
0x3e: {  	_ =	shalt  }
0x3f: {  	_ =	shalt  }
0x40: {  	_ =	shalt  }
0x41: {  	_ =	shalt  }
0x42: {  	_ =	shalt  }
0x43: {  	_ =	shalt  }
0x44: {  	_ =	shalt  }
0x45: {  	_ =	shalt  }
0x46: {  	_ =	shalt  }
0x47: {  	_ =	shalt  }
0x48: {  	_ =	shalt  }
0x49: {  	_ =	shalt  }
0x4a: {  	_ =	shalt  }
0x4b: {  	_ =	shalt  }
0x4c: {  	_ =	shalt  }
0x4d: {  	_ =	shalt  }
0x4e: {  	_ =	shalt  }
0x4f: {  	_ =	shalt  }
0x50: {  	_ =	shalt  }
0x51: {  	_ =	shalt  }
0x52: {  	_ =	shalt  }
0x53: {  	_ =	shalt  }
0x54: {  	_ =	shalt  }
0x55: {  	_ =	shalt  }
0x56: {  	_ =	shalt  }
0x57: {  	_ =	shalt  }
0x58: {  	_ =	shalt  }
0x59: {  	_ =	shalt  }
0x5a: {  	_ =	shalt  }
0x5b: {  	_ =	shalt  }
0x5c: {  	_ =	shalt  }
0x5d: {  	_ =	shalt  }
0x5e: {  	_ =	shalt  }
0x5f: {  	_ =	shalt  }
0x60: {  	_ =	shalt  }
0x61: {  	_ =	shalt  }
0x62: {  	_ =	shalt  }
0x63: {  	_ =	shalt  }
0x64: {  	_ =	shalt  }
0x65: {  	_ =	shalt  }
0x66: {  	_ =	shalt  }
0x67: {  	_ =	shalt  }
0x68: {  	_ =	shalt  }
0x69: {  	_ =	shalt  }
0x6a: {  	_ =	shalt  }
0x6b: {  	_ =	shalt  }
0x6c: {  	_ =	shalt  }
0x6d: {  	_ =	shalt  }
0x6e: {  	_ =	shalt  }
0x6f: {  	_ =	shalt  }
0x70: {  	_ =	shalt  }
0x71: {  	_ =	shalt  }
0x72: {  	_ =	shalt  }
0x73: {  	_ =	shalt  }
0x74: {  	_ =	shalt  }
0x75: {  	_ =	shalt  }
0x76: {  	_ =	shalt  }
0x77: {  	_ =	shalt  }
0x78: {  	_ =	shalt  }
0x79: {  	_ =	shalt  }
0x7a: {  	_ =	shalt  }
0x7b: {  	_ =	shalt  }
0x7c: {  	_ =	shalt  }
0x7d: {  	_ =	shalt  }
0x7e: {  	_ =	shalt  }
0x7f: {  	_ =	shalt  }
0x80: {  	_ =	shalt  }
0x81: {  	_ =	shalt  }
0x82: {  	_ =	shalt  }
0x83: {  	_ =	shalt  }
0x84: {  	_ =	shalt  }
0x85: {  	_ =	shalt  }
0x86: {  	_ =	shalt  }
0x87: {  	_ =	shalt  }
.Lfunc_end0:
.L_simem_size_0:
called_computation_lowered:
.L_overlay_start_0:
0x88: {  	s2 =	sld [smem:$0x3FD9]  }
0x89: {  	s3 =	sld [smem:$0x3FFE];
	_ =	sdelay $0x1  }
0x8a: {  	s1 =	srdreg.scid  }
0x8b: {  	s0 =	sand.u32 $0x1, s1  }
0x8c: {  	s17 =	sshll.u32 s0, $0xA;
	s2 =	sadd.s32 s3, s2  }
0x8d: {  	s2 =	sadd.s32 s2, s17  }
0x8e: {  	[smem:$0x3FC2] =	sst s2  }
0x8f: {  	_ = 	snop  }
0x90: {  	s2 =	sld [smem:$0x3FC9];
	(tm) =	ssettm $0x1  }
0x91: {  	s18 =	sld [smem:$0x3FFB];
	_ =	sdelay $0x3  }
0x92: {  	_ =	strace s18  }
0x93: {  	s3 =	sld [smem:$0x3FFC];
	_ =	sdelay $0x3  }
0x94: {  	_ =	strace s3  }
0x95: {  	s3 =	sld [smem:$0x3FFD];
	_ =	sdelay $0x3  }
0x96: {  	_ =	strace s3  }
0x97: {  	_ =	strace $0x8FFFFFFF  }
0x98: {  	s19 =	sld [smem:$0x3FDB];
	_ =	sdelay $0x1  }
0x99: {  	s4 =	simm.s32 $_scs_section_size  }
0x9a: {  	s5 =	simm.s32 $_size__tile_overlayer_lowered;
	s6 =	simm.s32 $_tile_overlayer_lowered  }
0x9b: {  	s22 =	simm.s32 $0x1BFF;
	s21 =	sshll.u32 s6, $0x1;
	s3 =	sadd.s32 s4, s19  }
0x9c: {  	s7 =	simm.s32 $0x0;
	s20 =	sshll.u32 s5, $0x1;
	s5 =	sadd.s32 s21, s3  }
0x9d: {  	[timem:s7], [sflag:s22] =	dma.local [hbm:s5], s20  }
0x9e: {  	_ =	swait.ge [sflag:s22], s20  }
0x9f: {  	s4 =	ssub.s32 $0x0, s20;
	[sflag:s22] =	ssyncset.done $0x0  }
0xa0: {  	[sflag:s22] =	ssyncadd.s32 s4;
	_ =	sdelay $0x1  }
0xa1: {  	s23 =	simm.s32 $0x1B8B  }
0xa2: {  	_ =	swait.ge [sflag:s23], $0x1  }
0xa3: {  	[sflag:s23] =	ssyncset.done $0x0  }
0xa4: {  	s25 =	simm.s32 $0x1B8E;
	s24 =	sld [smem:$0x3FFE];
	[sflag:s23] =	ssyncadd.s32 $0xFFFFFFFF  }
0xa5: {  	s26 =	simm.s32 $execute0_lowered;
	[smem:$0x3FD2] =	sst s25  }
0xa6: {  	s5 =	sshll.u32 s26, $0x1;
	_ =	strace $0x80000046;
	[dreg:$0x1] =	wrdreg $0xFFFFFFFF  }
0xa7: {  	s28 =	simm.s32 $_size_execute0_lowered;
	s3 =	sadd.s32 s3, s5;
	[dreg:$0x0] =	wrdreg $0x0  }
0xa8: {  	s5 =	sshll.u32 s28, $0x1;
	[dreg:$0x2] =	wrdreg s3  }
0xa9: {  	[dreg:$0x3] =	wrdreg s5  }
0xaa: {  	[dreg:$0x4] =	wrdreg $0xC0  }
0xab: {  	_ =	task [dreg:s7], $0x5FFFF  }
0xac: {  	[dreg:$0x1] =	wrdreg $0xFFFFFFFF  }
0xad: {  	[dreg:$0x0] =	wrdreg $0x60  }
0xae: {  	[dreg:$0x2] =	wrdreg s2  }
0xaf: {  	[dreg:$0x3] =	wrdreg s24  }
0xb0: {  	[dreg:$0x4] =	wrdreg $0xB6000  }
0xb1: {  	[dreg:$0x5] =	wrdreg $0x9  }
0xb2: {  	_ =	task.clear_ibuf [dreg:s7], $0x6FFFF;
	_ =	strace $0x90000046  }
0xb3: {  	s29 =	simm.s32 $0x9;
	_ =	strace $0x80000048  }
0xb4: {  	_ =	swait.ge [sflag:s29], $0x1  }
0xb5: {  	[sflag:s29] =	ssyncadd.s32 $0xFFFFFFFF  }
0xb6: {  	_ =	strace $0x90000048  }
0xb7: {  	_ =	sfence  }
0xb8: {  	s30 =	sld [smem:$0x0];
	_ =	sdelay $0x2  }
0xb9: {  	s31 =	sshll.u32 s1, $0xD;
	s1 =	sshrl.u32 s1, $0x2  }
0xba: {  	s3 =	sand.u32 $0x4000, s31;
	s1 =	sadd.s32 s1, s30  }
0xbb: {  	s0 =	sor.u32 s3, s0;
	s1 =	sshll.u32 s1, $0x11  }
0xbc: {  	s0 =	sor.u32 s1, s0  }
0xbd: {  	s0 =	sadd.s32 $0x8F2B, s0  }
0xbe: {  	[sflag:s0] =	ssyncadd.remote.s32 $0x1  }
0xbf: {  	_ =	sfence.sel $0xFFFF  }
0xc0: {  	[dreg:$0x0] =	wrdreg $0xFFFFFFFF;
	(pc) =	sbr.abs _section_cstart, $3  }
0xc1: {  	[dreg:$0x1] =	wrdreg $0xFFFFFFFF  }
0xc2: {  	_ =	task.clear_ibuf [dreg:s7], $0x2FFFF;
	_ =	strace $0x9FFFFFFF  }
0xc3: {  	(tm) =	ssettm $0x7FFFFFFF  }
tec
execute0_lowered:
.L_overlay_start_1:
0x0: {  	(tag) =	ssettag $0x1  }
0x1: {  	s1 =	rddreg [dreg:$0x0]  }
0x2: {  	s0 =	rddreg [dreg:$0x1];
	s2 =	srdreg.scid  }
0x3: {  	s18 =	stileid.u32;
	s3 =	rddreg [dreg:$0x2];
	s4 =	simm.s32 $0x0  }
0x4: {  	s28 =	simm.s32 $0xB180;
	s30 =	simm.s32 $0x2;
	s31 =	simm.s32 $0xE  }
0x5: {  	s2 =	sand.u32 $0x1, s2;
	s5 =	sshll.u32 s18, $0x1;
	[smem:$0x7FF] =	sst s4  }
0x6: {  	s6 =	sadd.s32 $0xDE00, s0;
	s7 =	sadd.s32 $0xE00, s0;
	s12 =	smul.u32 $0x6400, s18  }
0x7: {  	s0 =	sadd.s32 $0x1AE00, s0;
	s15 =	sor.u32 $0x30, s18;
	s19 =	smul.u32 $0x5000, s18  }
0x8: {  	s5 =	sor.u32 s2, s5;
	s8 =	ssub.s32 $0x2, s2;
	s2 =	smul.u32 $0x138800, s2  }
0x9: {  	p2 =	sgt.u32 s18, $0x9;
	p3 =	sgt.u32 s18, $0x1;
	s5 =	smul.u32 $0x3400, s5  }
0xa: {  	_ =	strace $0x80000047;
	s23 =	smul.u32 $0x6400, s15;
	s9 =	sshrl.u32 s8, $0x1  }
0xb: {  	s8 =	ssub.s32 s8, s9;
	s12 =	sadd.s32 s2, s12;
	s10 =	sshrl.u32 s5, $0x3  }
0xc: {  	s12 =	sshrl.u32 s12, $0x3;
	s20 =	sadd.s32 s6, s10;
	s21 =	sadd.s32 s7, s10  }
0xd: {  	s22 =	sor.u32 $0x10, s10;
	s14 =	sor.u32 $0x20, s10;
	[dreg:$0x4] =	wrdreg s20  }
0xe: {  	s24 =	sor.u32 $0x30, s10;
	s12 =	sadd.s32 s0, s12;
	[dreg:$0x5] =	wrdreg s21  }
0xf: {  	s11 =	sadd.s32 s6, s22;
	s9 =	sadd.s32 s7, s22;
	[dreg:$0xb] =	wrdreg s12  }
0x10: {  	s17 =	sadd.s32 s6, s14;
	s14 =	sadd.s32 s7, s14;
	[dreg:$0x6] =	wrdreg s11  }
0x11: {  	s25 =	sadd.s32 s6, s24;
	s20 =	smax.u32 s8, $0x1;
	[dreg:$0x7] =	wrdreg s9  }
0x12: {  	s11 =	sor.u32 $0x10, s18;
	[dreg:$0xa] =	wrdreg s25;
	s25 =	smul.u32 $0x5000, s15  }
0x13: {  	s9 =	sor.u32 $0x20, s18;
	[dreg:$0x8] =	wrdreg s17;
	s13 =	smul.u32 $0x6400, s11  }
0x14: {  	[dreg:$0x9] =	wrdreg s14;
	s14 =	sor.u32 $0x50, s10;
	s16 =	smul.u32 $0x6400, s9  }
0x15: {  	[dreg:$0x14] =	wrdreg s20;
	s17 =	sadd.s32 s6, s14;
	s21 =	smul.u32 $0x5000, s11  }
0x16: {  	p1 =	sgt.u32 s15, $0x31;
	s22 =	smul.u32 $0x5000, s9;
	[dreg:$0x12] =	wrdreg s17  }
0x17: {  	s13 =	sadd.s32 s2, s13;
	s16 =	sadd.s32 s2, s16;
	s2 =	sadd.s32 s2, s23  }
0x18: {  	s23 =	sor.u32 $0xF0, s18;
	s26 =	sshrl.u32 s13, $0x3;
	s13 =	sadd.s32 s7, s24  }
0x19: {  	s8 =	sshrl.u32 s22, $0x2;
	s12 =	sadd.s32 s0, s26;
	[dreg:$0xf] =	wrdreg s13  }
0x1a: {  	s29 =	sshrl.u32 s16, $0x3;
	s26 =	sadd.s32 s8, s3;
	[dreg:$0xc] =	wrdreg s12  }
0x1b: {  	s2 =	sshrl.u32 s2, $0x3;
	s12 =	sadd.s32 s0, s29;
	[dreg:$0x17] =	wrdreg s26  }
0x1c: {  	s24 =	smul.u32 $0x5000, s23;
	s0 =	sadd.s32 s0, s2;
	[dreg:$0xd] =	wrdreg s12  }
0x1d: {  	s2 =	sadd.s32 s7, s14;
	s29 =	smul.u32 $0x19000, s11;
	[dreg:$0xe] =	wrdreg s0  }
0x1e: {  	s11 =	smul.u32 $0x19000, s18;
	s12 =	sor.u32 $0x40, s10;
	[dreg:$0x13] =	wrdreg s2  }
0x1f: {  	s2 =	sshrl.u32 s21, $0x2;
	s10 =	sshrl.u32 s25, $0x2;
	s16 =	sadd.s32 s6, s12  }
0x20: {  	s0 =	sadd.s32 s7, s12;
	s2 =	sadd.s32 s2, s3;
	[dreg:$0x10] =	wrdreg s16  }
0x21: {  	s8 =	sadd.s32 s10, s3;
	s14 =	sshrl.u32 s11, $0x2;
	[dreg:$0x11] =	wrdreg s0  }
0x22: {  	s0 =	sshrl.u32 s19, $0x2;
	[dreg:$0x18] =	wrdreg s8;
	s8 =	sadd.s32 s14, s3  }
0x23: {  	[dreg:$0x16] =	wrdreg s2;
	s2 =	sshrl.u32 s29, $0x2;
	s8 =	sshrl.u32 s8, $0x3  }
0x24: {  	s12 =	sadd.s32 s0, s3;
	s0 =	sshrl.u32 s24, $0x2;
	[dreg:$0x1a] =	wrdreg s8  }
0x25: {  	s2 =	sadd.s32 s2, s3;
	s0 =	sadd.s32 s0, s3;
	[dreg:$0x15] =	wrdreg s12  }
0x26: {  	p0 =	sgt.u32 s23, $0xF9;
	s2 =	sshrl.u32 s2, $0x3;
	[dreg:$0x19] =	wrdreg s0  }
0x27: {  	s13 =	smul.u32 $0x19000, s9;
	s17 =	sadd.s32 $0x50000, s12;
	[dreg:$0x1b] =	wrdreg s2  }
0x28: {  	s11 =	simm.s32 $0x6;
	s18 =	sadd.s32 $0x64000, s12;
	[dreg:$0x1e] =	wrdreg s17  }
0x29: {  	s16 =	smul.u32 $0x19000, s15;
	s19 =	sadd.s32 $0x78000, s12;
	[dreg:$0x1f] =	wrdreg s18  }
0x2a: {  	s14 =	simm.s32 $0x1;
	s20 =	sadd.s32 $0x8C000, s12;
	[smem:$0x7F5] =	sst s19  }
0x2b: {  	s15 =	simm.s32 $0xA;
	s21 =	sadd.s32 $0xA0000, s12;
	[smem:$0x7F6] =	sst s20  }
0x2c: {  	s9 =	sshrl.u32 s16, $0x2;
	s22 =	sadd.s32 $0xB4000, s12;
	[smem:$0x7F7] =	sst s21  }
0x2d: {  	s23 =	sadd.s32 $0xC8000, s12;
	s24 =	sadd.s32 $0xDC000, s12;
	[smem:$0x7F8] =	sst s22  }
0x2e: {  	s25 =	sadd.s32 $0xF0000, s12;
	s26 =	sadd.s32 $0x104000, s12;
	[smem:$0x7F9] =	sst s23  }
0x2f: {  	s29 =	sadd.s32 $0x118000, s12;
	s8 =	simm.s32 $0x64;
	[smem:$0x7FA] =	sst s24  }
0x30: {  	s12 =	simm.s32 $0x6800;
	s16 =	simm.s32 $0x12;
	[smem:$0x7FB] =	sst s25  }
0x31: {  	s0 =	sshrl.u32 s13, $0x2;
	s9 =	sadd.s32 s9, s3;
	[smem:$0x7FC] =	sst s26  }
0x32: {  	[smem:$0x7FD] =	sst s29;
	s26 =	simm.s32 $0xB400;
	s13 =	simm.s32 $0x10  }
.Ltmp0:
0x33: {  	s17 =	simm.s32 $0x7;
	s18 =	simm.s32 $0x3;
	(pc) =	sbr.rel .LBB2_1-.Ltmp0, $4  }
0x34: {  	s19 =	simm.s32 $0xC;
	s25 =	simm.s32 $0xD;
	s0 =	sadd.s32 s0, s3  }
0x35: {  	s20 =	simm.s32 $0x9;
	s2 =	simm.s32 $0xF;
	s0 =	sshrl.u32 s0, $0x3  }
0x36: {  	s22 =	simm.s32 $0x0;
	[dreg:$0x1c] =	wrdreg s0;
	s0 =	sshrl.u32 @!p1 s9, $0x3  }
0x37: {  	v0 =	vimm.f32 $0.0e+00;
	s9 =	simm.s32 $0x5;
	[dreg:$0x1d] =	wrdreg s0;
	s0 =	simm.s32 $0x4  }
.LBB2_8:
0x38: {  	_ =	swait.ge [sflag:s14], $0x3200  }
0x39: {  	[sflag:s14] =	ssyncset.done $0x0  }
0x3a: {  	[sflag:s14] =	ssyncadd.s32 $0xFFFFCE00  }
0x3b: {  	_ =	swait.ge [sflag:s25], $0x80  }
0x3c: {  	[sflag:s25] =	ssyncset.done $0x0  }
0x3d: {  	s10 =	simm.s32 $0xB480;
	[sflag:s25] =	ssyncadd.s32 $0xFFFFFF80  }
0x3e: {  	[spmem:s3] =	stream.indirect.scatter.add.f32 [tilespmem:s4], [sflag:$0x12], $0x80, s10, s8, $0xb8;
	[tilespmem:$0x1EE80] =	vst v63  }
0x3f: {  	_ =	swait.ge [sflag:s16], $0x3200  }
0x40: {  	[sflag:s16] =	ssyncset.done $0x0  }
0x41: {  	s28 =	simm.s32 $0xB180;
	[sflag:s16] =	ssyncadd.s32 $0xFFFFCE00  }
.LBB2_6:
0x42: {  	s10 =	stileid.u32;
	[bflag:$0x0] =	sbarrier.arrive $0xFFFF  }
0x43: {  	s10 =	sshll.u32 s10, $0x6;
	s21 =	rddreg [dreg:$0xb]  }
0x44: {  	s22 =	rddreg [dreg:$0x1a];
	s10 =	sor.u32 $0x1C11, s10  }
0x45: {  	[hbm:s21], [sflag:s10] =	dma.local [spmem:s22], $0xC80  }
0x46: {  	s21 =	rddreg [dreg:$0xc]  }
0x47: {  	s22 =	rddreg [dreg:$0x1b]  }
0x48: {  	[hbm:s21], [sflag:s10] =	dma.local [spmem:s22], $0xC80  }
0x49: {  	s21 =	rddreg [dreg:$0xd]  }
0x4a: {  	s22 =	rddreg [dreg:$0x1c]  }
0x4b: {  	[hbm:s21], [sflag:s10] =	dma.local [spmem:s22], $0xC80  }
0x4c: {  	s21 =	rddreg [dreg:$0xe]  }
0x4d: {  	s24 =	simm.s32 $0x11;
	s22 =	rddreg [dreg:$0x1d]  }
0x4e: {  	[hbm:s21], [sflag:s10] =	dma.local @!p1 [spmem:s22], $0xC80  }
0x4f: {  	_ =	swait.ge [sflag:s24], $0xC80  }
0x50: {  	[sflag:s24] =	ssyncset.done $0x0  }
0x51: {  	[sflag:s24] =	ssyncadd.s32 $0xFFFFF380  }
0x52: {  	_ =	swait.ge [sflag:s24], $0xC80  }
0x53: {  	[sflag:s24] =	ssyncset.done $0x0  }
0x54: {  	[sflag:s24] =	ssyncadd.s32 $0xFFFFF380  }
0x55: {  	_ =	swait.ge [sflag:s24], $0xC80  }
0x56: {  	[sflag:s24] =	ssyncset.done $0x0  }
0x57: {  	s10 =	simm.s32 @!p3 $0x11;
	[sflag:s24] =	ssyncadd.s32 $0xFFFFF380  }
0x58: {  	_ =	swait.ge @!p3 [sflag:s10], $0xC80  }
0x59: {  	s26 =	sld [smem:$0x7F4];
	_ =	sdelay $0x2  }
0x5a: {  	s29 =	rddreg [dreg:$0x14];
	s22 =	sadd.s32 $0x1, s26  }
0x5b: {  	p4 =	sne.s32 s22, s29  }
.Ltmp1:
0x5c: {  	_ = 	snop;
	(pc) =	sbr.rel @!p4 .LBB2_7-.Ltmp1, $3  }
0x5d: {  	_ =	sdelay $0x1  }
0x5e: {  	[sflag:s10] =	ssyncset.done @!p3 $0x0  }
0x5f: {  	[sflag:s10] =	ssyncadd.s32 @!p3 $0xFFFFF380;
	s26 =	simm.s32 $0xB400  }
.LBB2_1:
0x60: {  	[smem:$0x7F4] =	sst s22;
	s21 =	simm.s32 $0x0;
	s22 =	simm.s32 $0x200  }
.LBB2_2:
0x61: {  	p4 =	sne.s32 s22, $0x4E00;
	[tilespmem:s21+$0x9C70] =	vst v0  }
0x62: {  	[tilespmem:s21+$0x9C00] =	vst v0  }
0x63: {  	[tilespmem:s21+$0x9C10] =	vst v0  }
.Ltmp2:
0x64: {  	[tilespmem:s21+$0x9C20] =	vst v0;
	(pc) =	sbr.rel @p4 .LBB2_2-.Ltmp2, $4  }
0x65: {  	[tilespmem:s21+$0x9C30] =	vst v0  }
0x66: {  	[tilespmem:s21+$0x9C40] =	vst v0  }
0x67: {  	[tilespmem:s21+$0x9C50] =	vst v0  }
0x68: {  	[tilespmem:s21+$0x9C60] =	vst v0;
	s21 =	sshra.s32 s22, $0x2;
	s22 =	sadd.s32 $0x200, s22  }
0x69: {  	[tilespmem:s21+$0x9C70] =	vst v0  }
0x6a: {  	[tilespmem:s21+$0x9C00] =	vst v0  }
0x6b: {  	[tilespmem:s21+$0x9C10] =	vst v0  }
0x6c: {  	[tilespmem:s21+$0x9C20] =	vst v0  }
0x6d: {  	[tilespmem:s21+$0x9C30] =	vst v0  }
0x6e: {  	[tilespmem:s21+$0x9C40] =	vst v0  }
0x6f: {  	[tilespmem:s21+$0x9C50] =	vst v0;
	s10 =	rddreg [dreg:$0x15]  }
0x70: {  	[tilespmem:s21+$0x9C60] =	vst v0;
	s21 =	simm.s32 $0x9C00;
	s22 =	rddreg [dreg:$0x16]  }
0x71: {  	[spmem:s10] =	stream.linear.scatter [tilespmem:s21], [sflag:$0x10], $0x1400, $0x38;
	[tilespmem:$0x1EE80] =	vst v63  }
0x72: {  	s23 =	rddreg [dreg:$0x17]  }
0x73: {  	[spmem:s22] =	stream.linear.scatter [tilespmem:s21], [sflag:$0x10], $0x1400, $0x38;
	[tilespmem:$0x1EE80] =	vst v63  }
0x74: {  	s24 =	rddreg [dreg:$0x18]  }
0x75: {  	[spmem:s23] =	stream.linear.scatter [tilespmem:s21], [sflag:$0x10], $0x1400, $0x38;
	[tilespmem:$0x1EE80] =	vst v63  }
0x76: {  	s29 =	rddreg [dreg:$0x1e]  }
0x77: {  	[spmem:s24] =	stream.linear.scatter [tilespmem:s21], [sflag:$0x10], $0x1400, $0x38;
	[tilespmem:$0x1EE80] =	vst v63  }
0x78: {  	s22 =	rddreg [dreg:$0x1f]  }
0x79: {  	[spmem:s29] =	stream.linear.scatter [tilespmem:s21], [sflag:$0x10], $0x1400, $0x38;
	[tilespmem:$0x1EE80] =	vst v63  }
0x7a: {  	s23 =	sld [smem:$0x7F5]  }
0x7b: {  	[spmem:s22] =	stream.linear.scatter [tilespmem:s21], [sflag:$0x10], $0x1400, $0x38;
	[tilespmem:$0x1EE80] =	vst v63  }
0x7c: {  	s24 =	sld [smem:$0x7F6]  }
0x7d: {  	[spmem:s23] =	stream.linear.scatter [tilespmem:s21], [sflag:$0x10], $0x1400, $0x38;
	[tilespmem:$0x1EE80] =	vst v63  }
0x7e: {  	s29 =	sld [smem:$0x7F7]  }
0x7f: {  	[spmem:s24] =	stream.linear.scatter [tilespmem:s21], [sflag:$0x10], $0x1400, $0x38;
	[tilespmem:$0x1EE80] =	vst v63  }
0x80: {  	s22 =	sld [smem:$0x7F8]  }
0x81: {  	[spmem:s29] =	stream.linear.scatter [tilespmem:s21], [sflag:$0x10], $0x1400, $0x38;
	[tilespmem:$0x1EE80] =	vst v63  }
0x82: {  	s23 =	sld [smem:$0x7F9]  }
0x83: {  	[spmem:s22] =	stream.linear.scatter [tilespmem:s21], [sflag:$0x10], $0x1400, $0x38;
	[tilespmem:$0x1EE80] =	vst v63  }
0x84: {  	s24 =	sld [smem:$0x7FA]  }
0x85: {  	[spmem:s23] =	stream.linear.scatter [tilespmem:s21], [sflag:$0x10], $0x1400, $0x38;
	[tilespmem:$0x1EE80] =	vst v63  }
0x86: {  	s29 =	sld [smem:$0x7FB]  }
0x87: {  	[spmem:s24] =	stream.linear.scatter [tilespmem:s21], [sflag:$0x10], $0x1400, $0x38;
	[tilespmem:$0x1EE80] =	vst v63  }
0x88: {  	s22 =	sld [smem:$0x7FC]  }
0x89: {  	[spmem:s29] =	stream.linear.scatter [tilespmem:s21], [sflag:$0x10], $0x1400, $0x38;
	[tilespmem:$0x1EE80] =	vst v63  }
0x8a: {  	s23 =	sld [smem:$0x7FD]  }
0x8b: {  	[spmem:s22] =	stream.linear.scatter [tilespmem:s21], [sflag:$0x10], $0x1400, $0x38;
	[tilespmem:$0x1EE80] =	vst v63  }
0x8c: {  	_ = 	snop  }
0x8d: {  	[spmem:s23] =	stream.linear.scatter [tilespmem:s21], [sflag:$0x10], $0x1400, $0x38;
	[tilespmem:$0x1EE80] =	vst v63  }
0x8e: {  	s10 =	rddreg [dreg:$0x19];
	s21 =	simm.s32 @!p0 $0x9C00  }
0x8f: {  	[spmem:s10] =	stream.linear.scatter @!p0 [tilespmem:s21], [sflag:$0x10], $0x1400, $0x38;
	[tilespmem:$0x1EE80] =	vst v63  }
0x90: {  	s24 =	rddreg [dreg:$0x4];
	s21 =	simm.s32 $0xB000  }
0x91: {  	[tilespmem:s21], [sflag:$0x4] =	stream.linear.gather [hbm4b:s24+s4], $0x80, $0x38;
	[tilespmem:$0x1EE80] =	vst v63  }
0x92: {  	s29 =	rddreg [dreg:$0x5];
	s22 =	simm.s32 $0xB300  }
0x93: {  	[tilespmem:s22], [sflag:$0xA] =	stream.linear.gather [hbm4b:s29+s4], $0x80, $0x38;
	[tilespmem:$0x1EE80] =	vst v63  }
0x94: {  	s23 =	rddreg [dreg:$0x6];
	s22 =	simm.s32 $0xB080  }
0x95: {  	[tilespmem:s22], [sflag:$0x5] =	stream.linear.gather [hbm4b:s23+s4], $0x80, $0x38;
	[tilespmem:$0x1EE80] =	vst v63  }
0x96: {  	s24 =	rddreg [dreg:$0x7];
	s23 =	simm.s32 $0xB380  }
0x97: {  	[tilespmem:s23], [sflag:$0xB] =	stream.linear.gather [hbm4b:s24+s4], $0x80, $0x38;
	[tilespmem:$0x1EE80] =	vst v63  }
0x98: {  	s29 =	rddreg [dreg:$0x8];
	s23 =	simm.s32 $0xB100  }
0x99: {  	[tilespmem:s23], [sflag:$0x6] =	stream.linear.gather [hbm4b:s29+s4], $0x80, $0x38;
	[tilespmem:$0x1EE80] =	vst v63  }
0x9a: {  	s24 =	rddreg [dreg:$0x9]  }
0x9b: {  	[tilespmem:s26], [sflag:$0xC] =	stream.linear.gather [hbm4b:s24+s4], $0x80, $0x38;
	[tilespmem:$0x1EE80] =	vst v63  }
0x9c: {  	s26 =	rddreg [dreg:$0xa]  }
0x9d: {  	[tilespmem:s28], [sflag:$0x7] =	stream.linear.gather [hbm4b:s26+s4], $0x80, $0x38;
	[tilespmem:$0x1EE80] =	vst v63  }
0x9e: {  	s29 =	rddreg [dreg:$0xf];
	s24 =	simm.s32 $0xB480  }
0x9f: {  	[tilespmem:s24], [sflag:$0xD] =	stream.linear.gather [hbm4b:s29+s4], $0x80, $0x38;
	[tilespmem:$0x1EE80] =	vst v63  }
0xa0: {  	s26 =	rddreg [dreg:$0x10];
	s29 =	simm.s32 $0xB200  }
0xa1: {  	[tilespmem:s29], [sflag:$0x8] =	stream.linear.gather [hbm4b:s26+s4], $0x80, $0x38;
	[tilespmem:$0x1EE80] =	vst v63  }
0xa2: {  	s26 =	rddreg [dreg:$0x11];
	s29 =	simm.s32 $0xB500  }
0xa3: {  	[tilespmem:s29], [sflag:$0xE] =	stream.linear.gather [hbm4b:s26+s4], $0x80, $0x38;
	[tilespmem:$0x1EE80] =	vst v63  }
0xa4: {  	s26 =	rddreg [dreg:$0x12];
	s29 =	simm.s32 $0xB280  }
0xa5: {  	[tilespmem:s29], [sflag:$0x9] =	stream.linear.gather [hbm4b:s26+s4], $0x80, $0x38;
	[tilespmem:$0x1EE80] =	vst v63  }
0xa6: {  	s24 =	rddreg [dreg:$0x13];
	s26 =	simm.s32 $0xB580  }
0xa7: {  	[tilespmem:s26], [sflag:$0xF] =	stream.linear.gather [hbm4b:s24+s4], $0x80, $0x38;
	[tilespmem:$0x1EE80] =	vst v63  }
0xa8: {  	_ =	swait.ge [sflag:s0], $0x80  }
0xa9: {  	[sflag:s0] =	ssyncset.done $0x0  }
0xaa: {  	[sflag:s0] =	ssyncadd.s32 $0xFFFFFF80  }
0xab: {  	[tilespmem:s4], [sflag:$0x1] =	stream.indirect.gather [hbm4b:s1+s8], $0x80, s21, s8, $0xb8;
	[tilespmem:$0x1EE80] =	vst v63  }
0xac: {  	_ =	swait.ge [sflag:s9], $0x80  }
0xad: {  	[sflag:s9] =	ssyncset.done $0x0  }
0xae: {  	s29 =	simm.s32 $0x3400;
	[sflag:s9] =	ssyncadd.s32 $0xFFFFFF80  }
0xaf: {  	[tilespmem:s29], [sflag:$0x2] =	stream.indirect.gather [hbm4b:s1+s8], $0x80, s22, s8, $0xb8;
	[tilespmem:$0x1EE80] =	vst v63  }
0xb0: {  	_ =	swait.ge [sflag:s11], $0x80  }
0xb1: {  	[sflag:s11] =	ssyncset.done $0x0  }
0xb2: {  	[sflag:s11] =	ssyncadd.s32 $0xFFFFFF80  }
0xb3: {  	[tilespmem:s12], [sflag:$0x3] =	stream.indirect.gather [hbm4b:s1+s8], $0x80, s23, s8, $0xb8;
	[tilespmem:$0x1EE80] =	vst v63  }
0xb4: {  	_ =	swait.ge [sflag:s13], $0x1400  }
0xb5: {  	[sflag:s13] =	ssyncset.done $0x0  }
0xb6: {  	[sflag:s13] =	ssyncadd.s32 $0xFFFFEC00  }
0xb7: {  	_ =	swait.ge [sflag:s13], $0x1400  }
0xb8: {  	[sflag:s13] =	ssyncset.done $0x0  }
0xb9: {  	[sflag:s13] =	ssyncadd.s32 $0xFFFFEC00  }
0xba: {  	_ =	swait.ge [sflag:s13], $0x1400  }
0xbb: {  	[sflag:s13] =	ssyncset.done $0x0  }
0xbc: {  	[sflag:s13] =	ssyncadd.s32 $0xFFFFEC00  }
0xbd: {  	_ =	swait.ge [sflag:s13], $0x1400  }
0xbe: {  	[sflag:s13] =	ssyncset.done $0x0  }
0xbf: {  	[sflag:s13] =	ssyncadd.s32 $0xFFFFEC00  }
0xc0: {  	_ =	swait.ge [sflag:s13], $0x1400  }
0xc1: {  	[sflag:s13] =	ssyncset.done $0x0  }
0xc2: {  	[sflag:s13] =	ssyncadd.s32 $0xFFFFEC00  }
0xc3: {  	_ =	swait.ge [sflag:s13], $0x1400  }
0xc4: {  	[sflag:s13] =	ssyncset.done $0x0  }
0xc5: {  	[sflag:s13] =	ssyncadd.s32 $0xFFFFEC00  }
0xc6: {  	_ =	swait.ge [sflag:s13], $0x1400  }
0xc7: {  	[sflag:s13] =	ssyncset.done $0x0  }
0xc8: {  	[sflag:s13] =	ssyncadd.s32 $0xFFFFEC00  }
0xc9: {  	_ =	swait.ge [sflag:s13], $0x1400  }
0xca: {  	[sflag:s13] =	ssyncset.done $0x0  }
0xcb: {  	[sflag:s13] =	ssyncadd.s32 $0xFFFFEC00  }
0xcc: {  	_ =	swait.ge [sflag:s13], $0x1400  }
0xcd: {  	[sflag:s13] =	ssyncset.done $0x0  }
0xce: {  	[sflag:s13] =	ssyncadd.s32 $0xFFFFEC00  }
0xcf: {  	_ =	swait.ge [sflag:s13], $0x1400  }
0xd0: {  	[sflag:s13] =	ssyncset.done $0x0  }
0xd1: {  	[sflag:s13] =	ssyncadd.s32 $0xFFFFEC00  }
0xd2: {  	_ =	swait.ge [sflag:s13], $0x1400  }
0xd3: {  	[sflag:s13] =	ssyncset.done $0x0  }
0xd4: {  	[sflag:s13] =	ssyncadd.s32 $0xFFFFEC00  }
0xd5: {  	_ =	swait.ge [sflag:s13], $0x1400  }
0xd6: {  	[sflag:s13] =	ssyncset.done $0x0  }
0xd7: {  	[sflag:s13] =	ssyncadd.s32 $0xFFFFEC00  }
0xd8: {  	_ =	swait.ge [sflag:s13], $0x1400  }
0xd9: {  	[sflag:s13] =	ssyncset.done $0x0  }
0xda: {  	[sflag:s13] =	ssyncadd.s32 $0xFFFFEC00  }
0xdb: {  	_ =	swait.ge [sflag:s13], $0x1400  }
0xdc: {  	[sflag:s13] =	ssyncset.done $0x0  }
0xdd: {  	[sflag:s13] =	ssyncadd.s32 $0xFFFFEC00  }
0xde: {  	_ =	swait.ge [sflag:s13], $0x1400  }
0xdf: {  	[sflag:s13] =	ssyncset.done $0x0  }
0xe0: {  	s21 =	simm.s32 @!p2 $0x10;
	[sflag:s13] =	ssyncadd.s32 $0xFFFFEC00  }
0xe1: {  	_ =	swait.ge @!p2 [sflag:s21], $0x1400  }
0xe2: {  	[sflag:s21] =	ssyncset.done @!p2 $0x0  }
0xe3: {  	[sflag:s21] =	ssyncadd.s32 @!p2 $0xFFFFEC00  }
0xe4: {  	s22 =	simm.s32 $0x0;
	s21 =	simm.s32 $0x580;
	[bflag:$0x0] =	sbarrier.arrive $0xFFFF  }
.LBB2_4:
0xe5: {  	_ =	swait.ge [sflag:s14], $0x3200  }
0xe6: {  	[sflag:s14] =	ssyncset.done $0x0  }
0xe7: {  	[sflag:s14] =	ssyncadd.s32 $0xFFFFCE00  }
0xe8: {  	_ =	swait.ge [sflag:s15], $0x80  }
0xe9: {  	[sflag:s15] =	ssyncset.done $0x0  }
0xea: {  	s10 =	simm.s32 $0xB300;
	[sflag:s15] =	ssyncadd.s32 $0xFFFFFF80  }
0xeb: {  	[spmem:s3] =	stream.indirect.scatter.add.f32 [tilespmem:s4], [sflag:$0x12], $0x80, s10, s8, $0xb8;
	[tilespmem:$0x1EE80] =	vst v63  }
0xec: {  	_ =	swait.ge [sflag:s16], $0x3200  }
0xed: {  	[sflag:s16] =	ssyncset.done $0x0  }
0xee: {  	[sflag:s16] =	ssyncadd.s32 $0xFFFFCE00  }
0xef: {  	_ =	swait.ge [sflag:s17], $0x80  }
0xf0: {  	p4 =	seq.s32 s21, $0x3580;
	[sflag:s17] =	ssyncset.done $0x0  }
0xf1: {  	s23 =	simm.s32 @p4 $0x2;
	[sflag:s17] =	ssyncadd.s32 $0xFFFFFF80  }
0xf2: {  	[tilespmem:s4], [sflag:$0x1] =	stream.indirect.gather [hbm4b:s1+s8], $0x80, s28, s8, $0xb8;
	[tilespmem:$0x1EE80] =	vst v63  }
0xf3: {  	_ =	swait.ge @p4 [sflag:s23], $0x3200  }
0xf4: {  	[sflag:s23] =	ssyncset.done @p4 $0x0  }
0xf5: {  	[sflag:s23] =	ssyncadd.s32 @p4 $0xFFFFCE00;
	s23 =	simm.s32 @p4 $0xB  }
0xf6: {  	_ =	swait.ge @p4 [sflag:s23], $0x80  }
0xf7: {  	s26 =	simm.s32 @p4 $0xB380;
	[sflag:s23] =	ssyncset.done @p4 $0x0  }
0xf8: {  	s28 =	simm.s32 @p4 $0x3400;
	[sflag:s23] =	ssyncadd.s32 @p4 $0xFFFFFF80;
	s23 =	simm.s32 @p4 $0x64  }
0xf9: {  	[spmem:s3] =	stream.indirect.scatter.add.f32 @p4 [tilespmem:s28], [sflag:$0x12], $0x80, s26, s23, $0xb8;
	[tilespmem:$0x1EE80] =	vst v63  }
0xfa: {  	s23 =	sadd.s32 @!p4 $0xFFFFFD80, s21  }
0xfb: {  	s28 =	sand.u32 @!p4 $0xFC00, s23  }
0xfc: {  	s26 =	simm.s32 @p4 $0x12;
	s23 =	sand.u32 @!p4 $0x300, s23;
	s28 =	sadd.s32 @!p4 s5, s28  }
0xfd: {  	_ =	swait.ge @p4 [sflag:s26], $0x3200;
	s23 =	sor.u32 @!p4 s23, s28  }
0xfe: {  	s29 =	simm.s32 @!p4 $0xB000;
	[sflag:s26] =	ssyncset.done @p4 $0x0;
	s23 =	sshrl.u32 @!p4 s23, $0x3  }
0xff: {  	[sflag:s26] =	ssyncadd.s32 @p4 $0xFFFFCE00;
	s28 =	simm.s32 @!p4 $0x0;
	s26 =	sadd.s32 @!p4 s6, s23  }
0x100: {  	[tilespmem:s29], [sflag:$0x4] =	stream.linear.gather @!p4 [hbm4b:s26+s28], $0x80, $0x38;
	[tilespmem:$0x1EE80] =	vst v63  }
0x101: {  	s23 =	sadd.s32 @!p4 s7, s23;
	s26 =	simm.s32 @!p4 $0xB300  }
0x102: {  	[tilespmem:s26], [sflag:$0xA] =	stream.linear.gather @!p4 [hbm4b:s23+s28], $0x80, $0x38;
	[tilespmem:$0x1EE80] =	vst v63  }
0x103: {  	s23 =	simm.s32 @!p4 $0x2  }
0x104: {  	_ =	swait.ge @!p4 [sflag:s23], $0x3200  }
0x105: {  	[sflag:s23] =	ssyncset.done @!p4 $0x0  }
0x106: {  	[sflag:s23] =	ssyncadd.s32 @!p4 $0xFFFFCE00;
	s23 =	simm.s32 @!p4 $0xB  }
0x107: {  	_ =	swait.ge @!p4 [sflag:s23], $0x80  }
0x108: {  	s10 =	simm.s32 @!p4 $0x12;
	s29 =	simm.s32 @!p4 $0x3400;
	[sflag:s23] =	ssyncset.done @!p4 $0x0  }
0x109: {  	s26 =	simm.s32 @!p4 $0xB380;
	[sflag:s23] =	ssyncadd.s32 @!p4 $0xFFFFFF80;
	s23 =	simm.s32 @!p4 $0x64  }
0x10a: {  	[spmem:s3] =	stream.indirect.scatter.add.f32 @!p4 [tilespmem:s29], [sflag:$0x12], $0x80, s26, s23, $0xb8;
	[tilespmem:$0x1EE80] =	vst v63  }
0x10b: {  	_ =	swait.ge @!p4 [sflag:s10], $0x3200  }
0x10c: {  	[sflag:s10] =	ssyncset.done @!p4 $0x0  }
0x10d: {  	[sflag:s10] =	ssyncadd.s32 @!p4 $0xFFFFCE00;
	s10 =	simm.s32 @!p4 $0x8  }
0x10e: {  	_ =	swait.ge @!p4 [sflag:s10], $0x80  }
0x10f: {  	[sflag:s10] =	ssyncset.done @!p4 $0x0  }
0x110: {  	[sflag:s10] =	ssyncadd.s32 @!p4 $0xFFFFFF80;
	s10 =	simm.s32 @!p4 $0xB200  }
0x111: {  	[tilespmem:s29], [sflag:$0x2] =	stream.indirect.gather @!p4 [hbm4b:s1+s23], $0x80, s10, s23, $0xb8;
	[tilespmem:$0x1EE80] =	vst v63  }
0x112: {  	s10 =	sadd.s32 @!p4 $0xFFFFFE00, s21  }
0x113: {  	s23 =	sand.u32 @!p4 $0xFC00, s10  }
0x114: {  	s10 =	sand.u32 @!p4 $0x380, s10;
	s23 =	sadd.s32 @!p4 s5, s23  }
0x115: {  	s10 =	sor.u32 @!p4 s10, s23  }
0x116: {  	s10 =	sshrl.u32 @!p4 s10, $0x3  }
0x117: {  	s29 =	simm.s32 @!p4 $0xB080;
	s23 =	sadd.s32 @!p4 s6, s10  }
0x118: {  	[tilespmem:s29], [sflag:$0x5] =	stream.linear.gather @!p4 [hbm4b:s23+s28], $0x80, $0x38;
	[tilespmem:$0x1EE80] =	vst v63  }
0x119: {  	s10 =	sadd.s32 @!p4 s7, s10  }
0x11a: {  	[tilespmem:s26], [sflag:$0xB] =	stream.linear.gather @!p4 [hbm4b:s10+s28], $0x80, $0x38;
	[tilespmem:$0x1EE80] =	vst v63  }
0x11b: {  	_ =	swait.ge [sflag:s18], $0x3200  }
0x11c: {  	[sflag:s18] =	ssyncset.done $0x0  }
0x11d: {  	[sflag:s18] =	ssyncadd.s32 $0xFFFFCE00  }
0x11e: {  	_ =	swait.ge [sflag:s19], $0x80  }
0x11f: {  	[sflag:s19] =	ssyncset.done $0x0  }
.Ltmp3:
0x120: {  	s26 =	simm.s32 $0xB400;
	[sflag:s19] =	ssyncadd.s32 $0xFFFFFF80;
	(pc) =	sbr.rel @p4 .LBB2_8-.Ltmp3, $4  }
0x121: {  	[spmem:s3] =	stream.indirect.scatter.add.f32 [tilespmem:s12], [sflag:$0x12], $0x80, s26, s8, $0xb8;
	[tilespmem:$0x1EE80] =	vst v63  }
0x122: {  	_ =	swait.ge [sflag:s16], $0x3200  }
0x123: {  	[sflag:s16] =	ssyncset.done $0x0  }
0x124: {  	s24 =	simm.s32 $0xB180;
	[sflag:s16] =	ssyncadd.s32 $0xFFFFCE00  }
0x125: {  	_ =	swait.ge [sflag:s20], $0x80  }
0x126: {  	[sflag:s20] =	ssyncset.done $0x0  }
0x127: {  	s10 =	simm.s32 $0xB280;
	s29 =	sadd.s32 $0xFFFFFE80, s21;
	[sflag:s20] =	ssyncadd.s32 $0xFFFFFF80  }
0x128: {  	[tilespmem:s12], [sflag:$0x3] =	stream.indirect.gather [hbm4b:s1+s8], $0x80, s10, s8, $0xb8;
	[tilespmem:$0x1EE80] =	vst v63  }
0x129: {  	s23 =	sadd.s32 $0xFFFFFA80, s21;
	s10 =	sand.u32 $0xFC00, s29  }
0x12a: {  	s23 =	sand.u32 $0x300, s23;
	s10 =	sadd.s32 s5, s10  }
0x12b: {  	s10 =	sor.u32 s23, s10  }
0x12c: {  	s10 =	sshrl.u32 s10, $0x3  }
0x12d: {  	s29 =	simm.s32 $0xB100;
	s23 =	sadd.s32 s6, s10  }
0x12e: {  	[tilespmem:s29], [sflag:$0x6] =	stream.linear.gather [hbm4b:s23+s4], $0x80, $0x38;
	[tilespmem:$0x1EE80] =	vst v63  }
0x12f: {  	s10 =	sadd.s32 s7, s10  }
0x130: {  	[tilespmem:s26], [sflag:$0xC] =	stream.linear.gather [hbm4b:s10+s4], $0x80, $0x38;
	[tilespmem:$0x1EE80] =	vst v63  }
0x131: {  	_ =	swait.ge [sflag:s14], $0x3200  }
0x132: {  	[sflag:s14] =	ssyncset.done $0x0  }
0x133: {  	[sflag:s14] =	ssyncadd.s32 $0xFFFFCE00  }
0x134: {  	_ =	swait.ge [sflag:s25], $0x80  }
0x135: {  	[sflag:s25] =	ssyncset.done $0x0  }
0x136: {  	s26 =	simm.s32 $0xB480;
	[sflag:s25] =	ssyncadd.s32 $0xFFFFFF80  }
0x137: {  	[spmem:s3] =	stream.indirect.scatter.add.f32 [tilespmem:s4], [sflag:$0x12], $0x80, s26, s8, $0xb8;
	[tilespmem:$0x1EE80] =	vst v63  }
0x138: {  	_ =	swait.ge [sflag:s16], $0x3200  }
0x139: {  	[sflag:s16] =	ssyncset.done $0x0  }
0x13a: {  	[sflag:s16] =	ssyncadd.s32 $0xFFFFCE00  }
0x13b: {  	_ =	swait.ge [sflag:s0], $0x80  }
0x13c: {  	[sflag:s0] =	ssyncset.done $0x0  }
0x13d: {  	s23 =	simm.s32 $0xB000;
	s10 =	sadd.s32 $0xFFFFFF00, s21;
	[sflag:s0] =	ssyncadd.s32 $0xFFFFFF80  }
0x13e: {  	[tilespmem:s4], [sflag:$0x1] =	stream.indirect.gather [hbm4b:s1+s8], $0x80, s23, s8, $0xb8;
	[tilespmem:$0x1EE80] =	vst v63  }
0x13f: {  	s23 =	sand.u32 $0xFC00, s10  }
0x140: {  	s10 =	sand.u32 $0x380, s10;
	s23 =	sadd.s32 s5, s23  }
0x141: {  	s10 =	sor.u32 s10, s23  }
0x142: {  	s10 =	sshrl.u32 s10, $0x3  }
0x143: {  	s23 =	sadd.s32 s6, s10  }
0x144: {  	[tilespmem:s24], [sflag:$0x7] =	stream.linear.gather [hbm4b:s23+s4], $0x80, $0x38;
	[tilespmem:$0x1EE80] =	vst v63  }
0x145: {  	s10 =	sadd.s32 s7, s10  }
0x146: {  	[tilespmem:s26], [sflag:$0xD] =	stream.linear.gather [hbm4b:s10+s4], $0x80, $0x38;
	[tilespmem:$0x1EE80] =	vst v63  }
0x147: {  	_ =	swait.ge [sflag:s30], $0x3200  }
0x148: {  	[sflag:s30] =	ssyncset.done $0x0  }
0x149: {  	[sflag:s30] =	ssyncadd.s32 $0xFFFFCE00  }
0x14a: {  	_ =	swait.ge [sflag:s31], $0x80  }
0x14b: {  	[sflag:s31] =	ssyncset.done $0x0  }
0x14c: {  	s23 =	simm.s32 $0xB500;
	s24 =	simm.s32 $0x3400;
	[sflag:s31] =	ssyncadd.s32 $0xFFFFFF80  }
0x14d: {  	[spmem:s3] =	stream.indirect.scatter.add.f32 [tilespmem:s24], [sflag:$0x12], $0x80, s23, s8, $0xb8;
	[tilespmem:$0x1EE80] =	vst v63  }
0x14e: {  	p4 =	sgt.u32 s22, $0xE;
	_ =	swait.ge [sflag:s16], $0x3200  }
0x14f: {  	s10 =	sadd.s32 @!p4 $0xFFFFFF80, s21;
	[sflag:s16] =	ssyncset.done $0x0  }
0x150: {  	s23 =	sand.u32 @!p4 $0x7C00, s10;
	[sflag:s16] =	ssyncadd.s32 $0xFFFFCE00  }
0x151: {  	s10 =	sand.u32 @!p4 $0x300, s10;
	s23 =	sadd.s32 @!p4 s5, s23;
	_ =	swait.ge [sflag:s9], $0x80  }
0x152: {  	s10 =	sor.u32 @!p4 s10, s23;
	[sflag:s9] =	ssyncset.done $0x0  }
0x153: {  	s26 =	simm.s32 $0xB080;
	s10 =	sshrl.u32 @!p4 s10, $0x3;
	[sflag:s9] =	ssyncadd.s32 $0xFFFFFF80  }
0x154: {  	[tilespmem:s24], [sflag:$0x2] =	stream.indirect.gather [hbm4b:s1+s8], $0x80, s26, s8, $0xb8;
	[tilespmem:$0x1EE80] =	vst v63  }
0x155: {  	s28 =	simm.s32 @!p4 $0xB200;
	s23 =	sadd.s32 @!p4 s6, s10;
	s26 =	simm.s32 @!p4 $0x0  }
0x156: {  	[tilespmem:s28], [sflag:$0x8] =	stream.linear.gather @!p4 [hbm4b:s23+s26], $0x80, $0x38;
	[tilespmem:$0x1EE80] =	vst v63  }
0x157: {  	s10 =	sadd.s32 @!p4 s7, s10;
	s23 =	simm.s32 @!p4 $0xB500  }
0x158: {  	[tilespmem:s23], [sflag:$0xE] =	stream.linear.gather @!p4 [hbm4b:s10+s26], $0x80, $0x38;
	[tilespmem:$0x1EE80] =	vst v63  }
0x159: {  	_ =	swait.ge [sflag:s18], $0x3200  }
0x15a: {  	[sflag:s18] =	ssyncset.done $0x0  }
0x15b: {  	[sflag:s18] =	ssyncadd.s32 $0xFFFFCE00  }
0x15c: {  	_ =	swait.ge [sflag:s2], $0x80  }
0x15d: {  	[sflag:s2] =	ssyncset.done $0x0  }
0x15e: {  	s24 =	simm.s32 $0xB580;
	[sflag:s2] =	ssyncadd.s32 $0xFFFFFF80  }
0x15f: {  	[spmem:s3] =	stream.indirect.scatter.add.f32 [tilespmem:s12], [sflag:$0x12], $0x80, s24, s8, $0xb8;
	[tilespmem:$0x1EE80] =	vst v63  }
0x160: {  	_ =	swait.ge [sflag:s16], $0x3200  }
0x161: {  	[sflag:s16] =	ssyncset.done $0x0  }
0x162: {  	s10 =	sand.u32 @!p4 $0x7C00, s21;
	[sflag:s16] =	ssyncadd.s32 $0xFFFFCE00  }
0x163: {  	s23 =	sand.u32 @!p4 $0x380, s21;
	s10 =	sadd.s32 @!p4 s5, s10;
	_ =	swait.ge [sflag:s11], $0x80  }
0x164: {  	s10 =	sor.u32 @!p4 s23, s10;
	[sflag:s11] =	ssyncset.done $0x0  }
0x165: {  	s10 =	sshrl.u32 @!p4 s10, $0x3;
	[sflag:s11] =	ssyncadd.s32 $0xFFFFFF80  }
0x166: {  	[tilespmem:s12], [sflag:$0x3] =	stream.indirect.gather [hbm4b:s1+s8], $0x80, s29, s8, $0xb8;
	[tilespmem:$0x1EE80] =	vst v63  }
0x167: {  	s28 =	simm.s32 @!p4 $0xB280;
	s23 =	sadd.s32 @!p4 s6, s10  }
0x168: {  	[tilespmem:s28], [sflag:$0x9] =	stream.linear.gather @!p4 [hbm4b:s23+s26], $0x80, $0x38;
	[tilespmem:$0x1EE80] =	vst v63  }
0x169: {  	s21 =	sadd.s32 $0x300, s21;
	s10 =	sadd.s32 @!p4 s7, s10;
	s23 =	simm.s32 @!p4 $0xB580  }
0x16a: {  	[tilespmem:s23], [sflag:$0xF] =	stream.linear.gather @!p4 [hbm4b:s10+s26], $0x80, $0x38;
	[tilespmem:$0x1EE80] =	vst v63  }
0x16b: {  	p4 =	sne.s32 s21, $0x3880  }
.Ltmp4:
0x16c: {  	_ = 	snop;
	(pc) =	sbr.rel @p4 .LBB2_4-.Ltmp4, $4  }
.Ltmp5:
0x16d: {  	_ = 	snop;
	(pc) =	sbr.rel @!p4 .LBB2_6-.Ltmp5, $4  }
0x16e: {  	_ = 	snop  }
0x16f: {  	_ = 	snop  }
0x170: {  	s22 =	sadd.s32 $0x1, s22;
	s28 =	simm.s32 $0xB180  }
0x171: {  	_ = 	snop  }
.LBB2_7:
0x172: {  	_ =	sfence.sel $0x180000  }
0x173: {  	[bflag:$0x0] =	sbarrier.arrive $0xFFFF  }
0x174: {  	_ =	strace $0x90000047  }
0x175: {  	s0 =	stileid.u32;
	[bflag:$0x2] =	sbarrier.arrive $0xFFFF  }
0x176: {  	p0 =	sne.s32 s0, $0x0;
	s0 =	rddreg [dreg:$0x3]  }
0x177: {  	s0 =	sadd.s32 @!p0 $0x100000, s0  }
0x178: {  	[sflag:s0] =	ssyncadd.tile.s32 @!p0 $0x1;
	_ =	shalt  }
.Lfunc_end2:
_tile_overlayer_lowered:
.L_overlay_start_2:
0x179: {  	(tag) =	ssettag $0x2  }
0x17a: {  	s0 =	rddreg [dreg:$0x0];
	s2 =	stileid.u32  }
0x17b: {  	s1 =	rddreg [dreg:$0x1];
	p0 =	sne.s32 s2, $0x0  }
0x17c: {  	s3 =	rddreg [dreg:$0x2];
	[bflag:$0x3] =	sbarrier.arrive $0xFFFF;
	s2 =	simm.s32 @!p0 $0x1C12  }
0x17d: {  	[timem:s3], [sflag:s2] =	dma.local @!p0 [hbm:s0], s1  }
0x17e: {  	s0 =	simm.s32 @!p0 $0x12  }
0x17f: {  	_ =	swait.ge @!p0 [sflag:s0], s1  }
0x180: {  	s1 =	ssub.s32 @!p0 $0x0, s1;
	[sflag:s0] =	ssyncset.done @!p0 $0x0  }
0x181: {  	[sflag:s0] =	ssyncadd.s32 @!p0 s1  }
0x182: {  	[bflag:$0x3] =	sbarrier.arrive $0xFFFF  }
0x183: {  	_ =	shalt  }

// kernel: kernel.9.cloned.1.call-start
scs
__scs_entry_jumppad:
0x0: {  	(pc) =	sbr.rel $0x88, $3  }
0x1: {  	(tag) =	ssettag $0x0;
	lr =	simm.s32 $0x1  }
0x2: {  	[smem:$0x3F9B] =	sst lr;
	_ =	strace $0xD0000000  }
0x3: {  	_ = 	snop  }
0x4: {  	_ = 	snop  }
0x5: {  	_ = 	snop  }
0x6: {  	_ = 	snop  }
0x7: {  	_ = 	snop  }
__scs_overlays_trampoline_lowered:
0x8: {  	[smem:$0x3FAA] =	sst s0  }
0x9: {  	[smem:$0x3FAB] =	sst s1  }
0xa: {  	[smem:$0x3FAC] =	sst s2  }
0xb: {  	[smem:$0x3FAD] =	sst s3  }
0xc: {  	[smem:$0x3FAE] =	sst s4  }
0xd: {  	[smem:$0x3FAF] =	sst s5  }
0xe: {  	[smem:$0x3FB0] =	sst s6  }
0xf: {  	[smem:$0x3FB1] =	sst s7  }
0x10: {  	[smem:$0x3FB2] =	sst s8  }
0x11: {  	[smem:$0x3FB3] =	sst s9;
	s0 =	simm.s32 @!p0 $0x0  }
0x12: {  	s1 =	sld [smem:$0x3F99];
	s0 =	simm.s32 @p0 $0x1  }
0x13: {  	[smem:$0x3FB4] =	sst s0;
	s0 =	simm.s32 @!p1 $0x0  }
0x14: {  	s2 =	sld [smem:$0x3F98];
	s0 =	simm.s32 @p1 $0x1  }
0x15: {  	[smem:$0x3FB5] =	sst s0;
	s0 =	simm.s32 @!p2 $0x0  }
0x16: {  	s3 =	sld [smem:$0x3FDB];
	s0 =	simm.s32 @p2 $0x1  }
0x17: {  	s4 =	simm.s32 $0x1BF5;
	[smem:$0x3FB7] =	sst s0  }
0x18: {  	s0 =	sld [smem:$0x3F9A];
	_ =	swait.ge [sflag:s4], $0x0  }
0x19: {  	s7 =	sld [smem:$0x3F9B]  }
0x1a: {  	s8 =	sadd.s32 $0xFFFFE003, lr  }
0x1b: {  	s9 =	sadd.s32 $0xFFFFFEF7, lr;
	s5 =	simm.s32 $0xFFFFFFFF;
	p2 =	slt.u32 s8, $0xFFFFF086  }
0x1c: {  	p1 =	slt.u32 s9, $0xF7A;
	s5 =	simm.s32 @!p2 $0x0  }
0x1d: {  	s5 =	simm.s32 @p1 $0x1;
	p0 =	seq.s32 s7, s2  }
0x1e: {  	s7 =	smul.u32 @!p0 $0xF7A, s2;
	p2 =	seq.s32 @!p0 s5, $0x0  }
0x1f: {  	s9 =	smul.u32 $0xF7A, s1;
	s8 =	simm.s32 @!p0 $0x1BF5;
	p2 =	por !p2, p0  }
0x20: {  	[sflag:s8] =	ssyncset.s32 @!p0 $0xFFFFF086;
	s6 =	sadd.s32 @!p0 s3, s7;
	s7 =	simm.s32 @!p0 $0x108  }
0x21: {  	s3 =	sadd.s32 s3, s9;
	s6 =	sadd.s32 @!p0 $0x88, s6;
	s7 =	simm.s32 @p2 $0x1082  }
0x22: {  	[simem:s7], [sflag:s8] =	dma.local @!p0 [hbm:s6], $0xF7A  }
0x23: {  	s9 =	sor.u32 $0xD0000000, s2;
	s6 =	simm.s32 $0x108;
	_ =	swait.ge @!p0 [sflag:s8], $0x0  }
0x24: {  	s3 =	sadd.s32 $0x88, s3;
	s6 =	simm.s32 @!p1 $0x1082;
	[sflag:s4] =	ssyncset.s32 $0xFFFFF086  }
0x25: {  	[simem:s6], [sflag:s4] =	dma.local [hbm:s3], $0xF7A  }
0x26: {  	[smem:$0x3F9B] =	sst s1;
	(tag) =	ssettag s2;
	_ =	strace s9  }
0x27: {  	s1 =	sld [smem:$0x3FAB]  }
0x28: {  	s2 =	sld [smem:$0x3FAC]  }
0x29: {  	s4 =	sld [smem:$0x3FAE]  }
0x2a: {  	p0 =	seq.s32 s5, $0x0;
	s5 =	sld [smem:$0x3FAF]  }
0x2b: {  	s6 =	sld [smem:$0x3FB0]  }
0x2c: {  	s7 =	sld [smem:$0x3FB1]  }
0x2d: {  	s3 =	simm.s32 $0x108;
	s8 =	sld [smem:$0x3FB2]  }
0x2e: {  	s3 =	simm.s32 @!p0 $0x1082;
	s9 =	sld [smem:$0x3FB3]  }
0x2f: {  	lr =	sadd.s32 s0, s3;
	s0 =	sld [smem:$0x3FAA]  }
0x30: {  	s3 =	sld [smem:$0x3FAD]  }
0x31: {  	[smem:$0x3FB6] =	sst s10  }
0x32: {  	s10 =	sld [smem:$0x3FB4];
	_ =	sdelay $0x3  }
0x33: {  	p0 =	seq.s32 s10, $0x1;
	s10 =	sld [smem:$0x3FB6];
	_ =	sdelay $0x3  }
0x34: {  	[smem:$0x3FB6] =	sst s10  }
0x35: {  	s10 =	sld [smem:$0x3FB5];
	_ =	sdelay $0x3  }
0x36: {  	p1 =	seq.s32 s10, $0x1;
	s10 =	sld [smem:$0x3FB6];
	_ =	sdelay $0x3  }
0x37: {  	[smem:$0x3FB6] =	sst s10  }
0x38: {  	s10 =	sld [smem:$0x3FB7]  }
0x39: {  	_ = 	snop;
	(pc) =	sbr.ind lr, $3  }
0x3a: {  	_ = 	snop  }
0x3b: {  	_ = 	snop  }
0x3c: {  	p2 =	seq.s32 s10, $0x1;
	s10 =	sld [smem:$0x3FB6]  }
0x3d: {  	_ =	shalt  }
0x3e: {  	_ =	shalt  }
0x3f: {  	_ =	shalt  }
0x40: {  	_ =	shalt  }
0x41: {  	_ =	shalt  }
0x42: {  	_ =	shalt  }
0x43: {  	_ =	shalt  }
0x44: {  	_ =	shalt  }
0x45: {  	_ =	shalt  }
0x46: {  	_ =	shalt  }
0x47: {  	_ =	shalt  }
0x48: {  	_ =	shalt  }
0x49: {  	_ =	shalt  }
0x4a: {  	_ =	shalt  }
0x4b: {  	_ =	shalt  }
0x4c: {  	_ =	shalt  }
0x4d: {  	_ =	shalt  }
0x4e: {  	_ =	shalt  }
0x4f: {  	_ =	shalt  }
0x50: {  	_ =	shalt  }
0x51: {  	_ =	shalt  }
0x52: {  	_ =	shalt  }
0x53: {  	_ =	shalt  }
0x54: {  	_ =	shalt  }
0x55: {  	_ =	shalt  }
0x56: {  	_ =	shalt  }
0x57: {  	_ =	shalt  }
0x58: {  	_ =	shalt  }
0x59: {  	_ =	shalt  }
0x5a: {  	_ =	shalt  }
0x5b: {  	_ =	shalt  }
0x5c: {  	_ =	shalt  }
0x5d: {  	_ =	shalt  }
0x5e: {  	_ =	shalt  }
0x5f: {  	_ =	shalt  }
0x60: {  	_ =	shalt  }
0x61: {  	_ =	shalt  }
0x62: {  	_ =	shalt  }
0x63: {  	_ =	shalt  }
0x64: {  	_ =	shalt  }
0x65: {  	_ =	shalt  }
0x66: {  	_ =	shalt  }
0x67: {  	_ =	shalt  }
0x68: {  	_ =	shalt  }
0x69: {  	_ =	shalt  }
0x6a: {  	_ =	shalt  }
0x6b: {  	_ =	shalt  }
0x6c: {  	_ =	shalt  }
0x6d: {  	_ =	shalt  }
0x6e: {  	_ =	shalt  }
0x6f: {  	_ =	shalt  }
0x70: {  	_ =	shalt  }
0x71: {  	_ =	shalt  }
0x72: {  	_ =	shalt  }
0x73: {  	_ =	shalt  }
0x74: {  	_ =	shalt  }
0x75: {  	_ =	shalt  }
0x76: {  	_ =	shalt  }
0x77: {  	_ =	shalt  }
0x78: {  	_ =	shalt  }
0x79: {  	_ =	shalt  }
0x7a: {  	_ =	shalt  }
0x7b: {  	_ =	shalt  }
0x7c: {  	_ =	shalt  }
0x7d: {  	_ =	shalt  }
0x7e: {  	_ =	shalt  }
0x7f: {  	_ =	shalt  }
0x80: {  	_ =	shalt  }
0x81: {  	_ =	shalt  }
0x82: {  	_ =	shalt  }
0x83: {  	_ =	shalt  }
0x84: {  	_ =	shalt  }
0x85: {  	_ =	shalt  }
0x86: {  	_ =	shalt  }
0x87: {  	_ =	shalt  }
.Lfunc_end0:
.L_simem_size_0:
called_computation.1_lowered:
.L_overlay_start_0:
0x88: {  	s2 =	sld [smem:$0x3FD9]  }
0x89: {  	s3 =	sld [smem:$0x3FFE];
	_ =	sdelay $0x1  }
0x8a: {  	s1 =	srdreg.scid  }
0x8b: {  	s0 =	sand.u32 $0x1, s1  }
0x8c: {  	s17 =	sshll.u32 s0, $0xA;
	s2 =	sadd.s32 s3, s2  }
0x8d: {  	s2 =	sadd.s32 s2, s17  }
0x8e: {  	[smem:$0x3FC2] =	sst s2  }
0x8f: {  	_ = 	snop  }
0x90: {  	s2 =	sld [smem:$0x3FD0];
	(tm) =	ssettm $0x1  }
0x91: {  	s18 =	sld [smem:$0x3FFB];
	_ =	sdelay $0x3  }
0x92: {  	_ =	strace s18  }
0x93: {  	s3 =	sld [smem:$0x3FFC];
	_ =	sdelay $0x3  }
0x94: {  	_ =	strace s3  }
0x95: {  	s3 =	sld [smem:$0x3FFD];
	_ =	sdelay $0x3  }
0x96: {  	_ =	strace s3  }
0x97: {  	_ =	strace $0x8FFFFFFF  }
0x98: {  	s19 =	sld [smem:$0x3FDB];
	_ =	sdelay $0x1  }
0x99: {  	s4 =	simm.s32 $_scs_section_size  }
0x9a: {  	s5 =	simm.s32 $_size__tile_overlayer_lowered;
	s6 =	simm.s32 $_tile_overlayer_lowered  }
0x9b: {  	s22 =	simm.s32 $0x1BFF;
	s21 =	sshll.u32 s6, $0x1;
	s3 =	sadd.s32 s4, s19  }
0x9c: {  	s7 =	simm.s32 $0x0;
	s20 =	sshll.u32 s5, $0x1;
	s5 =	sadd.s32 s21, s3  }
0x9d: {  	[timem:s7], [sflag:s22] =	dma.local [hbm:s5], s20  }
0x9e: {  	_ =	swait.ge [sflag:s22], s20  }
0x9f: {  	s4 =	ssub.s32 $0x0, s20;
	[sflag:s22] =	ssyncset.done $0x0  }
0xa0: {  	[sflag:s22] =	ssyncadd.s32 s4;
	_ =	sdelay $0x1  }
0xa1: {  	s23 =	simm.s32 $0x1B8B  }
0xa2: {  	_ =	swait.ge [sflag:s23], $0x1  }
0xa3: {  	[sflag:s23] =	ssyncset.done $0x0  }
0xa4: {  	s25 =	simm.s32 $0x1B8E;
	s24 =	sld [smem:$0x3FFE];
	[sflag:s23] =	ssyncadd.s32 $0xFFFFFFFF  }
0xa5: {  	s26 =	simm.s32 $execute0_lowered;
	[smem:$0x3FD2] =	sst s25  }
0xa6: {  	s5 =	sshll.u32 s26, $0x1;
	_ =	strace $0x80000049;
	[dreg:$0x1] =	wrdreg $0xFFFFFFFF  }
0xa7: {  	s28 =	simm.s32 $_size_execute0_lowered;
	s3 =	sadd.s32 s3, s5;
	[dreg:$0x0] =	wrdreg $0x0  }
0xa8: {  	s5 =	sshll.u32 s28, $0x1;
	[dreg:$0x2] =	wrdreg s3  }
0xa9: {  	[dreg:$0x3] =	wrdreg s5  }
0xaa: {  	[dreg:$0x4] =	wrdreg $0xC0  }
0xab: {  	_ =	task [dreg:s7], $0x5FFFF  }
0xac: {  	[dreg:$0x1] =	wrdreg $0xFFFFFFFF  }
0xad: {  	[dreg:$0x0] =	wrdreg $0x60  }
0xae: {  	[dreg:$0x2] =	wrdreg s2  }
0xaf: {  	[dreg:$0x3] =	wrdreg s24  }
0xb0: {  	[dreg:$0x4] =	wrdreg $0xB6000  }
0xb1: {  	[dreg:$0x5] =	wrdreg $0x9  }
0xb2: {  	_ =	task.clear_ibuf [dreg:s7], $0x6FFFF;
	_ =	strace $0x90000049  }
0xb3: {  	s29 =	simm.s32 $0x9;
	_ =	strace $0x8000004B  }
0xb4: {  	_ =	swait.ge [sflag:s29], $0x1  }
0xb5: {  	[sflag:s29] =	ssyncadd.s32 $0xFFFFFFFF  }
0xb6: {  	_ =	strace $0x9000004B  }
0xb7: {  	_ =	sfence  }
0xb8: {  	s30 =	sld [smem:$0x0];
	_ =	sdelay $0x2  }
0xb9: {  	s31 =	sshll.u32 s1, $0xD;
	s1 =	sshrl.u32 s1, $0x2  }
0xba: {  	s3 =	sand.u32 $0x4000, s31;
	s1 =	sadd.s32 s1, s30  }
0xbb: {  	s0 =	sor.u32 s3, s0;
	s1 =	sshll.u32 s1, $0x11  }
0xbc: {  	s0 =	sor.u32 s1, s0  }
0xbd: {  	s0 =	sadd.s32 $0x8F2B, s0  }
0xbe: {  	[sflag:s0] =	ssyncadd.remote.s32 $0x1  }
0xbf: {  	_ =	sfence.sel $0xFFFF  }
0xc0: {  	[dreg:$0x0] =	wrdreg $0xFFFFFFFF;
	(pc) =	sbr.abs _section_cstart, $3  }
0xc1: {  	[dreg:$0x1] =	wrdreg $0xFFFFFFFF  }
0xc2: {  	_ =	task.clear_ibuf [dreg:s7], $0x2FFFF;
	_ =	strace $0x9FFFFFFF  }
0xc3: {  	(tm) =	ssettm $0x7FFFFFFF  }
tec
execute0_lowered:
.L_overlay_start_1:
0x0: {  	(tag) =	ssettag $0x1  }
0x1: {  	s1 =	rddreg [dreg:$0x0]  }
0x2: {  	s0 =	rddreg [dreg:$0x1];
	s2 =	srdreg.scid  }
0x3: {  	s18 =	stileid.u32;
	s3 =	rddreg [dreg:$0x2];
	s4 =	simm.s32 $0x0  }
0x4: {  	s28 =	simm.s32 $0xB180;
	s30 =	simm.s32 $0x2;
	s31 =	simm.s32 $0xE  }
0x5: {  	s2 =	sand.u32 $0x1, s2;
	s5 =	sshll.u32 s18, $0x1;
	[smem:$0x7FF] =	sst s4  }
0x6: {  	s6 =	sadd.s32 $0xDE00, s0;
	s7 =	sadd.s32 $0xE00, s0;
	s12 =	smul.u32 $0x6400, s18  }
0x7: {  	s0 =	sadd.s32 $0x1AE00, s0;
	s15 =	sor.u32 $0x30, s18;
	s19 =	smul.u32 $0x5000, s18  }
0x8: {  	s5 =	sor.u32 s2, s5;
	s8 =	ssub.s32 $0x2, s2;
	s2 =	smul.u32 $0x138800, s2  }
0x9: {  	p2 =	sgt.u32 s18, $0x9;
	p3 =	sgt.u32 s18, $0x1;
	s5 =	smul.u32 $0x3400, s5  }
0xa: {  	_ =	strace $0x8000004A;
	s23 =	smul.u32 $0x6400, s15;
	s9 =	sshrl.u32 s8, $0x1  }
0xb: {  	s8 =	ssub.s32 s8, s9;
	s12 =	sadd.s32 s2, s12;
	s10 =	sshrl.u32 s5, $0x3  }
0xc: {  	s12 =	sshrl.u32 s12, $0x3;
	s20 =	sadd.s32 s6, s10;
	s21 =	sadd.s32 s7, s10  }
0xd: {  	s22 =	sor.u32 $0x10, s10;
	s14 =	sor.u32 $0x20, s10;
	[dreg:$0x4] =	wrdreg s20  }
0xe: {  	s24 =	sor.u32 $0x30, s10;
	s12 =	sadd.s32 s0, s12;
	[dreg:$0x5] =	wrdreg s21  }
0xf: {  	s11 =	sadd.s32 s6, s22;
	s9 =	sadd.s32 s7, s22;
	[dreg:$0xb] =	wrdreg s12  }
0x10: {  	s17 =	sadd.s32 s6, s14;
	s14 =	sadd.s32 s7, s14;
	[dreg:$0x6] =	wrdreg s11  }
0x11: {  	s25 =	sadd.s32 s6, s24;
	s20 =	smax.u32 s8, $0x1;
	[dreg:$0x7] =	wrdreg s9  }
0x12: {  	s11 =	sor.u32 $0x10, s18;
	[dreg:$0xa] =	wrdreg s25;
	s25 =	smul.u32 $0x5000, s15  }
0x13: {  	s9 =	sor.u32 $0x20, s18;
	[dreg:$0x8] =	wrdreg s17;
	s13 =	smul.u32 $0x6400, s11  }
0x14: {  	[dreg:$0x9] =	wrdreg s14;
	s14 =	sor.u32 $0x50, s10;
	s16 =	smul.u32 $0x6400, s9  }
0x15: {  	[dreg:$0x14] =	wrdreg s20;
	s17 =	sadd.s32 s6, s14;
	s21 =	smul.u32 $0x5000, s11  }
0x16: {  	p1 =	sgt.u32 s15, $0x31;
	s22 =	smul.u32 $0x5000, s9;
	[dreg:$0x12] =	wrdreg s17  }
0x17: {  	s13 =	sadd.s32 s2, s13;
	s16 =	sadd.s32 s2, s16;
	s2 =	sadd.s32 s2, s23  }
0x18: {  	s23 =	sor.u32 $0xF0, s18;
	s26 =	sshrl.u32 s13, $0x3;
	s13 =	sadd.s32 s7, s24  }
0x19: {  	s8 =	sshrl.u32 s22, $0x2;
	s12 =	sadd.s32 s0, s26;
	[dreg:$0xf] =	wrdreg s13  }
0x1a: {  	s29 =	sshrl.u32 s16, $0x3;
	s26 =	sadd.s32 s8, s3;
	[dreg:$0xc] =	wrdreg s12  }
0x1b: {  	s2 =	sshrl.u32 s2, $0x3;
	s12 =	sadd.s32 s0, s29;
	[dreg:$0x17] =	wrdreg s26  }
0x1c: {  	s24 =	smul.u32 $0x5000, s23;
	s0 =	sadd.s32 s0, s2;
	[dreg:$0xd] =	wrdreg s12  }
0x1d: {  	s2 =	sadd.s32 s7, s14;
	s29 =	smul.u32 $0x19000, s11;
	[dreg:$0xe] =	wrdreg s0  }
0x1e: {  	s11 =	smul.u32 $0x19000, s18;
	s12 =	sor.u32 $0x40, s10;
	[dreg:$0x13] =	wrdreg s2  }
0x1f: {  	s2 =	sshrl.u32 s21, $0x2;
	s10 =	sshrl.u32 s25, $0x2;
	s16 =	sadd.s32 s6, s12  }
0x20: {  	s0 =	sadd.s32 s7, s12;
	s2 =	sadd.s32 s2, s3;
	[dreg:$0x10] =	wrdreg s16  }
0x21: {  	s8 =	sadd.s32 s10, s3;
	s14 =	sshrl.u32 s11, $0x2;
	[dreg:$0x11] =	wrdreg s0  }
0x22: {  	s0 =	sshrl.u32 s19, $0x2;
	[dreg:$0x18] =	wrdreg s8;
	s8 =	sadd.s32 s14, s3  }
0x23: {  	[dreg:$0x16] =	wrdreg s2;
	s2 =	sshrl.u32 s29, $0x2;
	s8 =	sshrl.u32 s8, $0x3  }
0x24: {  	s12 =	sadd.s32 s0, s3;
	s0 =	sshrl.u32 s24, $0x2;
	[dreg:$0x1a] =	wrdreg s8  }
0x25: {  	s2 =	sadd.s32 s2, s3;
	s0 =	sadd.s32 s0, s3;
	[dreg:$0x15] =	wrdreg s12  }
0x26: {  	p0 =	sgt.u32 s23, $0xF9;
	s2 =	sshrl.u32 s2, $0x3;
	[dreg:$0x19] =	wrdreg s0  }
0x27: {  	s13 =	smul.u32 $0x19000, s9;
	s17 =	sadd.s32 $0x50000, s12;
	[dreg:$0x1b] =	wrdreg s2  }
0x28: {  	s11 =	simm.s32 $0x6;
	s18 =	sadd.s32 $0x64000, s12;
	[dreg:$0x1e] =	wrdreg s17  }
0x29: {  	s16 =	smul.u32 $0x19000, s15;
	s19 =	sadd.s32 $0x78000, s12;
	[dreg:$0x1f] =	wrdreg s18  }
0x2a: {  	s14 =	simm.s32 $0x1;
	s20 =	sadd.s32 $0x8C000, s12;
	[smem:$0x7F5] =	sst s19  }
0x2b: {  	s15 =	simm.s32 $0xA;
	s21 =	sadd.s32 $0xA0000, s12;
	[smem:$0x7F6] =	sst s20  }
0x2c: {  	s9 =	sshrl.u32 s16, $0x2;
	s22 =	sadd.s32 $0xB4000, s12;
	[smem:$0x7F7] =	sst s21  }
0x2d: {  	s23 =	sadd.s32 $0xC8000, s12;
	s24 =	sadd.s32 $0xDC000, s12;
	[smem:$0x7F8] =	sst s22  }
0x2e: {  	s25 =	sadd.s32 $0xF0000, s12;
	s26 =	sadd.s32 $0x104000, s12;
	[smem:$0x7F9] =	sst s23  }
0x2f: {  	s29 =	sadd.s32 $0x118000, s12;
	s8 =	simm.s32 $0x64;
	[smem:$0x7FA] =	sst s24  }
0x30: {  	s12 =	simm.s32 $0x6800;
	s16 =	simm.s32 $0x12;
	[smem:$0x7FB] =	sst s25  }
0x31: {  	s0 =	sshrl.u32 s13, $0x2;
	s9 =	sadd.s32 s9, s3;
	[smem:$0x7FC] =	sst s26  }
0x32: {  	[smem:$0x7FD] =	sst s29;
	s26 =	simm.s32 $0xB400;
	s13 =	simm.s32 $0x10  }
.Ltmp0:
0x33: {  	s17 =	simm.s32 $0x7;
	s18 =	simm.s32 $0x3;
	(pc) =	sbr.rel .LBB2_1-.Ltmp0, $4  }
0x34: {  	s19 =	simm.s32 $0xC;
	s25 =	simm.s32 $0xD;
	s0 =	sadd.s32 s0, s3  }
0x35: {  	s20 =	simm.s32 $0x9;
	s2 =	simm.s32 $0xF;
	s0 =	sshrl.u32 s0, $0x3  }
0x36: {  	s22 =	simm.s32 $0x0;
	[dreg:$0x1c] =	wrdreg s0;
	s0 =	sshrl.u32 @!p1 s9, $0x3  }
0x37: {  	v0 =	vimm.f32 $0.0e+00;
	s9 =	simm.s32 $0x5;
	[dreg:$0x1d] =	wrdreg s0;
	s0 =	simm.s32 $0x4  }
.LBB2_8:
0x38: {  	_ =	swait.ge [sflag:s14], $0x3200  }
0x39: {  	[sflag:s14] =	ssyncset.done $0x0  }
0x3a: {  	[sflag:s14] =	ssyncadd.s32 $0xFFFFCE00  }
0x3b: {  	_ =	swait.ge [sflag:s25], $0x80  }
0x3c: {  	[sflag:s25] =	ssyncset.done $0x0  }
0x3d: {  	s10 =	simm.s32 $0xB480;
	[sflag:s25] =	ssyncadd.s32 $0xFFFFFF80  }
0x3e: {  	[spmem:s3] =	stream.indirect.scatter.add.f32 [tilespmem:s4], [sflag:$0x12], $0x80, s10, s8, $0xb8;
	[tilespmem:$0x1EE80] =	vst v63  }
0x3f: {  	_ =	swait.ge [sflag:s16], $0x3200  }
0x40: {  	[sflag:s16] =	ssyncset.done $0x0  }
0x41: {  	s28 =	simm.s32 $0xB180;
	[sflag:s16] =	ssyncadd.s32 $0xFFFFCE00  }
.LBB2_6:
0x42: {  	s10 =	stileid.u32;
	[bflag:$0x0] =	sbarrier.arrive $0xFFFF  }
0x43: {  	s10 =	sshll.u32 s10, $0x6;
	s21 =	rddreg [dreg:$0xb]  }
0x44: {  	s22 =	rddreg [dreg:$0x1a];
	s10 =	sor.u32 $0x1C11, s10  }
0x45: {  	[hbm:s21], [sflag:s10] =	dma.local [spmem:s22], $0xC80  }
0x46: {  	s21 =	rddreg [dreg:$0xc]  }
0x47: {  	s22 =	rddreg [dreg:$0x1b]  }
0x48: {  	[hbm:s21], [sflag:s10] =	dma.local [spmem:s22], $0xC80  }
0x49: {  	s21 =	rddreg [dreg:$0xd]  }
0x4a: {  	s22 =	rddreg [dreg:$0x1c]  }
0x4b: {  	[hbm:s21], [sflag:s10] =	dma.local [spmem:s22], $0xC80  }
0x4c: {  	s21 =	rddreg [dreg:$0xe]  }
0x4d: {  	s24 =	simm.s32 $0x11;
	s22 =	rddreg [dreg:$0x1d]  }
0x4e: {  	[hbm:s21], [sflag:s10] =	dma.local @!p1 [spmem:s22], $0xC80  }
0x4f: {  	_ =	swait.ge [sflag:s24], $0xC80  }
0x50: {  	[sflag:s24] =	ssyncset.done $0x0  }
0x51: {  	[sflag:s24] =	ssyncadd.s32 $0xFFFFF380  }
0x52: {  	_ =	swait.ge [sflag:s24], $0xC80  }
0x53: {  	[sflag:s24] =	ssyncset.done $0x0  }
0x54: {  	[sflag:s24] =	ssyncadd.s32 $0xFFFFF380  }
0x55: {  	_ =	swait.ge [sflag:s24], $0xC80  }
0x56: {  	[sflag:s24] =	ssyncset.done $0x0  }
0x57: {  	s10 =	simm.s32 @!p3 $0x11;
	[sflag:s24] =	ssyncadd.s32 $0xFFFFF380  }
0x58: {  	_ =	swait.ge @!p3 [sflag:s10], $0xC80  }
0x59: {  	s26 =	sld [smem:$0x7F4];
	_ =	sdelay $0x2  }
0x5a: {  	s29 =	rddreg [dreg:$0x14];
	s22 =	sadd.s32 $0x1, s26  }
0x5b: {  	p4 =	sne.s32 s22, s29  }
.Ltmp1:
0x5c: {  	_ = 	snop;
	(pc) =	sbr.rel @!p4 .LBB2_7-.Ltmp1, $3  }
0x5d: {  	_ =	sdelay $0x1  }
0x5e: {  	[sflag:s10] =	ssyncset.done @!p3 $0x0  }
0x5f: {  	[sflag:s10] =	ssyncadd.s32 @!p3 $0xFFFFF380;
	s26 =	simm.s32 $0xB400  }
.LBB2_1:
0x60: {  	[smem:$0x7F4] =	sst s22;
	s21 =	simm.s32 $0x0;
	s22 =	simm.s32 $0x200  }
.LBB2_2:
0x61: {  	p4 =	sne.s32 s22, $0x4E00;
	[tilespmem:s21+$0x9C70] =	vst v0  }
0x62: {  	[tilespmem:s21+$0x9C00] =	vst v0  }
0x63: {  	[tilespmem:s21+$0x9C10] =	vst v0  }
.Ltmp2:
0x64: {  	[tilespmem:s21+$0x9C20] =	vst v0;
	(pc) =	sbr.rel @p4 .LBB2_2-.Ltmp2, $4  }
0x65: {  	[tilespmem:s21+$0x9C30] =	vst v0  }
0x66: {  	[tilespmem:s21+$0x9C40] =	vst v0  }
0x67: {  	[tilespmem:s21+$0x9C50] =	vst v0  }
0x68: {  	[tilespmem:s21+$0x9C60] =	vst v0;
	s21 =	sshra.s32 s22, $0x2;
	s22 =	sadd.s32 $0x200, s22  }
0x69: {  	[tilespmem:s21+$0x9C70] =	vst v0  }
0x6a: {  	[tilespmem:s21+$0x9C00] =	vst v0  }
0x6b: {  	[tilespmem:s21+$0x9C10] =	vst v0  }
0x6c: {  	[tilespmem:s21+$0x9C20] =	vst v0  }
0x6d: {  	[tilespmem:s21+$0x9C30] =	vst v0  }
0x6e: {  	[tilespmem:s21+$0x9C40] =	vst v0  }
0x6f: {  	[tilespmem:s21+$0x9C50] =	vst v0;
	s10 =	rddreg [dreg:$0x15]  }
0x70: {  	[tilespmem:s21+$0x9C60] =	vst v0;
	s21 =	simm.s32 $0x9C00;
	s22 =	rddreg [dreg:$0x16]  }
0x71: {  	[spmem:s10] =	stream.linear.scatter [tilespmem:s21], [sflag:$0x10], $0x1400, $0x38;
	[tilespmem:$0x1EE80] =	vst v63  }
0x72: {  	s23 =	rddreg [dreg:$0x17]  }
0x73: {  	[spmem:s22] =	stream.linear.scatter [tilespmem:s21], [sflag:$0x10], $0x1400, $0x38;
	[tilespmem:$0x1EE80] =	vst v63  }
0x74: {  	s24 =	rddreg [dreg:$0x18]  }
0x75: {  	[spmem:s23] =	stream.linear.scatter [tilespmem:s21], [sflag:$0x10], $0x1400, $0x38;
	[tilespmem:$0x1EE80] =	vst v63  }
0x76: {  	s29 =	rddreg [dreg:$0x1e]  }
0x77: {  	[spmem:s24] =	stream.linear.scatter [tilespmem:s21], [sflag:$0x10], $0x1400, $0x38;
	[tilespmem:$0x1EE80] =	vst v63  }
0x78: {  	s22 =	rddreg [dreg:$0x1f]  }
0x79: {  	[spmem:s29] =	stream.linear.scatter [tilespmem:s21], [sflag:$0x10], $0x1400, $0x38;
	[tilespmem:$0x1EE80] =	vst v63  }
0x7a: {  	s23 =	sld [smem:$0x7F5]  }
0x7b: {  	[spmem:s22] =	stream.linear.scatter [tilespmem:s21], [sflag:$0x10], $0x1400, $0x38;
	[tilespmem:$0x1EE80] =	vst v63  }
0x7c: {  	s24 =	sld [smem:$0x7F6]  }
0x7d: {  	[spmem:s23] =	stream.linear.scatter [tilespmem:s21], [sflag:$0x10], $0x1400, $0x38;
	[tilespmem:$0x1EE80] =	vst v63  }
0x7e: {  	s29 =	sld [smem:$0x7F7]  }
0x7f: {  	[spmem:s24] =	stream.linear.scatter [tilespmem:s21], [sflag:$0x10], $0x1400, $0x38;
	[tilespmem:$0x1EE80] =	vst v63  }
0x80: {  	s22 =	sld [smem:$0x7F8]  }
0x81: {  	[spmem:s29] =	stream.linear.scatter [tilespmem:s21], [sflag:$0x10], $0x1400, $0x38;
	[tilespmem:$0x1EE80] =	vst v63  }
0x82: {  	s23 =	sld [smem:$0x7F9]  }
0x83: {  	[spmem:s22] =	stream.linear.scatter [tilespmem:s21], [sflag:$0x10], $0x1400, $0x38;
	[tilespmem:$0x1EE80] =	vst v63  }
0x84: {  	s24 =	sld [smem:$0x7FA]  }
0x85: {  	[spmem:s23] =	stream.linear.scatter [tilespmem:s21], [sflag:$0x10], $0x1400, $0x38;
	[tilespmem:$0x1EE80] =	vst v63  }
0x86: {  	s29 =	sld [smem:$0x7FB]  }
0x87: {  	[spmem:s24] =	stream.linear.scatter [tilespmem:s21], [sflag:$0x10], $0x1400, $0x38;
	[tilespmem:$0x1EE80] =	vst v63  }
0x88: {  	s22 =	sld [smem:$0x7FC]  }
0x89: {  	[spmem:s29] =	stream.linear.scatter [tilespmem:s21], [sflag:$0x10], $0x1400, $0x38;
	[tilespmem:$0x1EE80] =	vst v63  }
0x8a: {  	s23 =	sld [smem:$0x7FD]  }
0x8b: {  	[spmem:s22] =	stream.linear.scatter [tilespmem:s21], [sflag:$0x10], $0x1400, $0x38;
	[tilespmem:$0x1EE80] =	vst v63  }
0x8c: {  	_ = 	snop  }
0x8d: {  	[spmem:s23] =	stream.linear.scatter [tilespmem:s21], [sflag:$0x10], $0x1400, $0x38;
	[tilespmem:$0x1EE80] =	vst v63  }
0x8e: {  	s10 =	rddreg [dreg:$0x19];
	s21 =	simm.s32 @!p0 $0x9C00  }
0x8f: {  	[spmem:s10] =	stream.linear.scatter @!p0 [tilespmem:s21], [sflag:$0x10], $0x1400, $0x38;
	[tilespmem:$0x1EE80] =	vst v63  }
0x90: {  	s24 =	rddreg [dreg:$0x4];
	s21 =	simm.s32 $0xB000  }
0x91: {  	[tilespmem:s21], [sflag:$0x4] =	stream.linear.gather [hbm4b:s24+s4], $0x80, $0x38;
	[tilespmem:$0x1EE80] =	vst v63  }
0x92: {  	s29 =	rddreg [dreg:$0x5];
	s22 =	simm.s32 $0xB300  }
0x93: {  	[tilespmem:s22], [sflag:$0xA] =	stream.linear.gather [hbm4b:s29+s4], $0x80, $0x38;
	[tilespmem:$0x1EE80] =	vst v63  }
0x94: {  	s23 =	rddreg [dreg:$0x6];
	s22 =	simm.s32 $0xB080  }
0x95: {  	[tilespmem:s22], [sflag:$0x5] =	stream.linear.gather [hbm4b:s23+s4], $0x80, $0x38;
	[tilespmem:$0x1EE80] =	vst v63  }
0x96: {  	s24 =	rddreg [dreg:$0x7];
	s23 =	simm.s32 $0xB380  }
0x97: {  	[tilespmem:s23], [sflag:$0xB] =	stream.linear.gather [hbm4b:s24+s4], $0x80, $0x38;
	[tilespmem:$0x1EE80] =	vst v63  }
0x98: {  	s29 =	rddreg [dreg:$0x8];
	s23 =	simm.s32 $0xB100  }
0x99: {  	[tilespmem:s23], [sflag:$0x6] =	stream.linear.gather [hbm4b:s29+s4], $0x80, $0x38;
	[tilespmem:$0x1EE80] =	vst v63  }
0x9a: {  	s24 =	rddreg [dreg:$0x9]  }
0x9b: {  	[tilespmem:s26], [sflag:$0xC] =	stream.linear.gather [hbm4b:s24+s4], $0x80, $0x38;
	[tilespmem:$0x1EE80] =	vst v63  }
0x9c: {  	s26 =	rddreg [dreg:$0xa]  }
0x9d: {  	[tilespmem:s28], [sflag:$0x7] =	stream.linear.gather [hbm4b:s26+s4], $0x80, $0x38;
	[tilespmem:$0x1EE80] =	vst v63  }
0x9e: {  	s29 =	rddreg [dreg:$0xf];
	s24 =	simm.s32 $0xB480  }
0x9f: {  	[tilespmem:s24], [sflag:$0xD] =	stream.linear.gather [hbm4b:s29+s4], $0x80, $0x38;
	[tilespmem:$0x1EE80] =	vst v63  }
0xa0: {  	s26 =	rddreg [dreg:$0x10];
	s29 =	simm.s32 $0xB200  }
0xa1: {  	[tilespmem:s29], [sflag:$0x8] =	stream.linear.gather [hbm4b:s26+s4], $0x80, $0x38;
	[tilespmem:$0x1EE80] =	vst v63  }
0xa2: {  	s26 =	rddreg [dreg:$0x11];
	s29 =	simm.s32 $0xB500  }
0xa3: {  	[tilespmem:s29], [sflag:$0xE] =	stream.linear.gather [hbm4b:s26+s4], $0x80, $0x38;
	[tilespmem:$0x1EE80] =	vst v63  }
0xa4: {  	s26 =	rddreg [dreg:$0x12];
	s29 =	simm.s32 $0xB280  }
0xa5: {  	[tilespmem:s29], [sflag:$0x9] =	stream.linear.gather [hbm4b:s26+s4], $0x80, $0x38;
	[tilespmem:$0x1EE80] =	vst v63  }
0xa6: {  	s24 =	rddreg [dreg:$0x13];
	s26 =	simm.s32 $0xB580  }
0xa7: {  	[tilespmem:s26], [sflag:$0xF] =	stream.linear.gather [hbm4b:s24+s4], $0x80, $0x38;
	[tilespmem:$0x1EE80] =	vst v63  }
0xa8: {  	_ =	swait.ge [sflag:s0], $0x80  }
0xa9: {  	[sflag:s0] =	ssyncset.done $0x0  }
0xaa: {  	[sflag:s0] =	ssyncadd.s32 $0xFFFFFF80  }
0xab: {  	[tilespmem:s4], [sflag:$0x1] =	stream.indirect.gather [hbm4b:s1+s8], $0x80, s21, s8, $0xb8;
	[tilespmem:$0x1EE80] =	vst v63  }
0xac: {  	_ =	swait.ge [sflag:s9], $0x80  }
0xad: {  	[sflag:s9] =	ssyncset.done $0x0  }
0xae: {  	s29 =	simm.s32 $0x3400;
	[sflag:s9] =	ssyncadd.s32 $0xFFFFFF80  }
0xaf: {  	[tilespmem:s29], [sflag:$0x2] =	stream.indirect.gather [hbm4b:s1+s8], $0x80, s22, s8, $0xb8;
	[tilespmem:$0x1EE80] =	vst v63  }
0xb0: {  	_ =	swait.ge [sflag:s11], $0x80  }
0xb1: {  	[sflag:s11] =	ssyncset.done $0x0  }
0xb2: {  	[sflag:s11] =	ssyncadd.s32 $0xFFFFFF80  }
0xb3: {  	[tilespmem:s12], [sflag:$0x3] =	stream.indirect.gather [hbm4b:s1+s8], $0x80, s23, s8, $0xb8;
	[tilespmem:$0x1EE80] =	vst v63  }
0xb4: {  	_ =	swait.ge [sflag:s13], $0x1400  }
0xb5: {  	[sflag:s13] =	ssyncset.done $0x0  }
0xb6: {  	[sflag:s13] =	ssyncadd.s32 $0xFFFFEC00  }
0xb7: {  	_ =	swait.ge [sflag:s13], $0x1400  }
0xb8: {  	[sflag:s13] =	ssyncset.done $0x0  }
0xb9: {  	[sflag:s13] =	ssyncadd.s32 $0xFFFFEC00  }
0xba: {  	_ =	swait.ge [sflag:s13], $0x1400  }
0xbb: {  	[sflag:s13] =	ssyncset.done $0x0  }
0xbc: {  	[sflag:s13] =	ssyncadd.s32 $0xFFFFEC00  }
0xbd: {  	_ =	swait.ge [sflag:s13], $0x1400  }
0xbe: {  	[sflag:s13] =	ssyncset.done $0x0  }
0xbf: {  	[sflag:s13] =	ssyncadd.s32 $0xFFFFEC00  }
0xc0: {  	_ =	swait.ge [sflag:s13], $0x1400  }
0xc1: {  	[sflag:s13] =	ssyncset.done $0x0  }
0xc2: {  	[sflag:s13] =	ssyncadd.s32 $0xFFFFEC00  }
0xc3: {  	_ =	swait.ge [sflag:s13], $0x1400  }
0xc4: {  	[sflag:s13] =	ssyncset.done $0x0  }
0xc5: {  	[sflag:s13] =	ssyncadd.s32 $0xFFFFEC00  }
0xc6: {  	_ =	swait.ge [sflag:s13], $0x1400  }
0xc7: {  	[sflag:s13] =	ssyncset.done $0x0  }
0xc8: {  	[sflag:s13] =	ssyncadd.s32 $0xFFFFEC00  }
0xc9: {  	_ =	swait.ge [sflag:s13], $0x1400  }
0xca: {  	[sflag:s13] =	ssyncset.done $0x0  }
0xcb: {  	[sflag:s13] =	ssyncadd.s32 $0xFFFFEC00  }
0xcc: {  	_ =	swait.ge [sflag:s13], $0x1400  }
0xcd: {  	[sflag:s13] =	ssyncset.done $0x0  }
0xce: {  	[sflag:s13] =	ssyncadd.s32 $0xFFFFEC00  }
0xcf: {  	_ =	swait.ge [sflag:s13], $0x1400  }
0xd0: {  	[sflag:s13] =	ssyncset.done $0x0  }
0xd1: {  	[sflag:s13] =	ssyncadd.s32 $0xFFFFEC00  }
0xd2: {  	_ =	swait.ge [sflag:s13], $0x1400  }
0xd3: {  	[sflag:s13] =	ssyncset.done $0x0  }
0xd4: {  	[sflag:s13] =	ssyncadd.s32 $0xFFFFEC00  }
0xd5: {  	_ =	swait.ge [sflag:s13], $0x1400  }
0xd6: {  	[sflag:s13] =	ssyncset.done $0x0  }
0xd7: {  	[sflag:s13] =	ssyncadd.s32 $0xFFFFEC00  }
0xd8: {  	_ =	swait.ge [sflag:s13], $0x1400  }
0xd9: {  	[sflag:s13] =	ssyncset.done $0x0  }
0xda: {  	[sflag:s13] =	ssyncadd.s32 $0xFFFFEC00  }
0xdb: {  	_ =	swait.ge [sflag:s13], $0x1400  }
0xdc: {  	[sflag:s13] =	ssyncset.done $0x0  }
0xdd: {  	[sflag:s13] =	ssyncadd.s32 $0xFFFFEC00  }
0xde: {  	_ =	swait.ge [sflag:s13], $0x1400  }
0xdf: {  	[sflag:s13] =	ssyncset.done $0x0  }
0xe0: {  	s21 =	simm.s32 @!p2 $0x10;
	[sflag:s13] =	ssyncadd.s32 $0xFFFFEC00  }
0xe1: {  	_ =	swait.ge @!p2 [sflag:s21], $0x1400  }
0xe2: {  	[sflag:s21] =	ssyncset.done @!p2 $0x0  }
0xe3: {  	[sflag:s21] =	ssyncadd.s32 @!p2 $0xFFFFEC00  }
0xe4: {  	s22 =	simm.s32 $0x0;
	s21 =	simm.s32 $0x580;
	[bflag:$0x0] =	sbarrier.arrive $0xFFFF  }
.LBB2_4:
0xe5: {  	_ =	swait.ge [sflag:s14], $0x3200  }
0xe6: {  	[sflag:s14] =	ssyncset.done $0x0  }
0xe7: {  	[sflag:s14] =	ssyncadd.s32 $0xFFFFCE00  }
0xe8: {  	_ =	swait.ge [sflag:s15], $0x80  }
0xe9: {  	[sflag:s15] =	ssyncset.done $0x0  }
0xea: {  	s10 =	simm.s32 $0xB300;
	[sflag:s15] =	ssyncadd.s32 $0xFFFFFF80  }
0xeb: {  	[spmem:s3] =	stream.indirect.scatter.add.f32 [tilespmem:s4], [sflag:$0x12], $0x80, s10, s8, $0xb8;
	[tilespmem:$0x1EE80] =	vst v63  }
0xec: {  	_ =	swait.ge [sflag:s16], $0x3200  }
0xed: {  	[sflag:s16] =	ssyncset.done $0x0  }
0xee: {  	[sflag:s16] =	ssyncadd.s32 $0xFFFFCE00  }
0xef: {  	_ =	swait.ge [sflag:s17], $0x80  }
0xf0: {  	p4 =	seq.s32 s21, $0x3580;
	[sflag:s17] =	ssyncset.done $0x0  }
0xf1: {  	s23 =	simm.s32 @p4 $0x2;
	[sflag:s17] =	ssyncadd.s32 $0xFFFFFF80  }
0xf2: {  	[tilespmem:s4], [sflag:$0x1] =	stream.indirect.gather [hbm4b:s1+s8], $0x80, s28, s8, $0xb8;
	[tilespmem:$0x1EE80] =	vst v63  }
0xf3: {  	_ =	swait.ge @p4 [sflag:s23], $0x3200  }
0xf4: {  	[sflag:s23] =	ssyncset.done @p4 $0x0  }
0xf5: {  	[sflag:s23] =	ssyncadd.s32 @p4 $0xFFFFCE00;
	s23 =	simm.s32 @p4 $0xB  }
0xf6: {  	_ =	swait.ge @p4 [sflag:s23], $0x80  }
0xf7: {  	s26 =	simm.s32 @p4 $0xB380;
	[sflag:s23] =	ssyncset.done @p4 $0x0  }
0xf8: {  	s28 =	simm.s32 @p4 $0x3400;
	[sflag:s23] =	ssyncadd.s32 @p4 $0xFFFFFF80;
	s23 =	simm.s32 @p4 $0x64  }
0xf9: {  	[spmem:s3] =	stream.indirect.scatter.add.f32 @p4 [tilespmem:s28], [sflag:$0x12], $0x80, s26, s23, $0xb8;
	[tilespmem:$0x1EE80] =	vst v63  }
0xfa: {  	s23 =	sadd.s32 @!p4 $0xFFFFFD80, s21  }
0xfb: {  	s28 =	sand.u32 @!p4 $0xFC00, s23  }
0xfc: {  	s26 =	simm.s32 @p4 $0x12;
	s23 =	sand.u32 @!p4 $0x300, s23;
	s28 =	sadd.s32 @!p4 s5, s28  }
0xfd: {  	_ =	swait.ge @p4 [sflag:s26], $0x3200;
	s23 =	sor.u32 @!p4 s23, s28  }
0xfe: {  	s29 =	simm.s32 @!p4 $0xB000;
	[sflag:s26] =	ssyncset.done @p4 $0x0;
	s23 =	sshrl.u32 @!p4 s23, $0x3  }
0xff: {  	[sflag:s26] =	ssyncadd.s32 @p4 $0xFFFFCE00;
	s28 =	simm.s32 @!p4 $0x0;
	s26 =	sadd.s32 @!p4 s6, s23  }
0x100: {  	[tilespmem:s29], [sflag:$0x4] =	stream.linear.gather @!p4 [hbm4b:s26+s28], $0x80, $0x38;
	[tilespmem:$0x1EE80] =	vst v63  }
0x101: {  	s23 =	sadd.s32 @!p4 s7, s23;
	s26 =	simm.s32 @!p4 $0xB300  }
0x102: {  	[tilespmem:s26], [sflag:$0xA] =	stream.linear.gather @!p4 [hbm4b:s23+s28], $0x80, $0x38;
	[tilespmem:$0x1EE80] =	vst v63  }
0x103: {  	s23 =	simm.s32 @!p4 $0x2  }
0x104: {  	_ =	swait.ge @!p4 [sflag:s23], $0x3200  }
0x105: {  	[sflag:s23] =	ssyncset.done @!p4 $0x0  }
0x106: {  	[sflag:s23] =	ssyncadd.s32 @!p4 $0xFFFFCE00;
	s23 =	simm.s32 @!p4 $0xB  }
0x107: {  	_ =	swait.ge @!p4 [sflag:s23], $0x80  }
0x108: {  	s10 =	simm.s32 @!p4 $0x12;
	s29 =	simm.s32 @!p4 $0x3400;
	[sflag:s23] =	ssyncset.done @!p4 $0x0  }
0x109: {  	s26 =	simm.s32 @!p4 $0xB380;
	[sflag:s23] =	ssyncadd.s32 @!p4 $0xFFFFFF80;
	s23 =	simm.s32 @!p4 $0x64  }
0x10a: {  	[spmem:s3] =	stream.indirect.scatter.add.f32 @!p4 [tilespmem:s29], [sflag:$0x12], $0x80, s26, s23, $0xb8;
	[tilespmem:$0x1EE80] =	vst v63  }
0x10b: {  	_ =	swait.ge @!p4 [sflag:s10], $0x3200  }
0x10c: {  	[sflag:s10] =	ssyncset.done @!p4 $0x0  }
0x10d: {  	[sflag:s10] =	ssyncadd.s32 @!p4 $0xFFFFCE00;
	s10 =	simm.s32 @!p4 $0x8  }
0x10e: {  	_ =	swait.ge @!p4 [sflag:s10], $0x80  }
0x10f: {  	[sflag:s10] =	ssyncset.done @!p4 $0x0  }
0x110: {  	[sflag:s10] =	ssyncadd.s32 @!p4 $0xFFFFFF80;
	s10 =	simm.s32 @!p4 $0xB200  }
0x111: {  	[tilespmem:s29], [sflag:$0x2] =	stream.indirect.gather @!p4 [hbm4b:s1+s23], $0x80, s10, s23, $0xb8;
	[tilespmem:$0x1EE80] =	vst v63  }
0x112: {  	s10 =	sadd.s32 @!p4 $0xFFFFFE00, s21  }
0x113: {  	s23 =	sand.u32 @!p4 $0xFC00, s10  }
0x114: {  	s10 =	sand.u32 @!p4 $0x380, s10;
	s23 =	sadd.s32 @!p4 s5, s23  }
0x115: {  	s10 =	sor.u32 @!p4 s10, s23  }
0x116: {  	s10 =	sshrl.u32 @!p4 s10, $0x3  }
0x117: {  	s29 =	simm.s32 @!p4 $0xB080;
	s23 =	sadd.s32 @!p4 s6, s10  }
0x118: {  	[tilespmem:s29], [sflag:$0x5] =	stream.linear.gather @!p4 [hbm4b:s23+s28], $0x80, $0x38;
	[tilespmem:$0x1EE80] =	vst v63  }
0x119: {  	s10 =	sadd.s32 @!p4 s7, s10  }
0x11a: {  	[tilespmem:s26], [sflag:$0xB] =	stream.linear.gather @!p4 [hbm4b:s10+s28], $0x80, $0x38;
	[tilespmem:$0x1EE80] =	vst v63  }
0x11b: {  	_ =	swait.ge [sflag:s18], $0x3200  }
0x11c: {  	[sflag:s18] =	ssyncset.done $0x0  }
0x11d: {  	[sflag:s18] =	ssyncadd.s32 $0xFFFFCE00  }
0x11e: {  	_ =	swait.ge [sflag:s19], $0x80  }
0x11f: {  	[sflag:s19] =	ssyncset.done $0x0  }
.Ltmp3:
0x120: {  	s26 =	simm.s32 $0xB400;
	[sflag:s19] =	ssyncadd.s32 $0xFFFFFF80;
	(pc) =	sbr.rel @p4 .LBB2_8-.Ltmp3, $4  }
0x121: {  	[spmem:s3] =	stream.indirect.scatter.add.f32 [tilespmem:s12], [sflag:$0x12], $0x80, s26, s8, $0xb8;
	[tilespmem:$0x1EE80] =	vst v63  }
0x122: {  	_ =	swait.ge [sflag:s16], $0x3200  }
0x123: {  	[sflag:s16] =	ssyncset.done $0x0  }
0x124: {  	s24 =	simm.s32 $0xB180;
	[sflag:s16] =	ssyncadd.s32 $0xFFFFCE00  }
0x125: {  	_ =	swait.ge [sflag:s20], $0x80  }
0x126: {  	[sflag:s20] =	ssyncset.done $0x0  }
0x127: {  	s10 =	simm.s32 $0xB280;
	s29 =	sadd.s32 $0xFFFFFE80, s21;
	[sflag:s20] =	ssyncadd.s32 $0xFFFFFF80  }
0x128: {  	[tilespmem:s12], [sflag:$0x3] =	stream.indirect.gather [hbm4b:s1+s8], $0x80, s10, s8, $0xb8;
	[tilespmem:$0x1EE80] =	vst v63  }
0x129: {  	s23 =	sadd.s32 $0xFFFFFA80, s21;
	s10 =	sand.u32 $0xFC00, s29  }
0x12a: {  	s23 =	sand.u32 $0x300, s23;
	s10 =	sadd.s32 s5, s10  }
0x12b: {  	s10 =	sor.u32 s23, s10  }
0x12c: {  	s10 =	sshrl.u32 s10, $0x3  }
0x12d: {  	s29 =	simm.s32 $0xB100;
	s23 =	sadd.s32 s6, s10  }
0x12e: {  	[tilespmem:s29], [sflag:$0x6] =	stream.linear.gather [hbm4b:s23+s4], $0x80, $0x38;
	[tilespmem:$0x1EE80] =	vst v63  }
0x12f: {  	s10 =	sadd.s32 s7, s10  }
0x130: {  	[tilespmem:s26], [sflag:$0xC] =	stream.linear.gather [hbm4b:s10+s4], $0x80, $0x38;
	[tilespmem:$0x1EE80] =	vst v63  }
0x131: {  	_ =	swait.ge [sflag:s14], $0x3200  }
0x132: {  	[sflag:s14] =	ssyncset.done $0x0  }
0x133: {  	[sflag:s14] =	ssyncadd.s32 $0xFFFFCE00  }
0x134: {  	_ =	swait.ge [sflag:s25], $0x80  }
0x135: {  	[sflag:s25] =	ssyncset.done $0x0  }
0x136: {  	s26 =	simm.s32 $0xB480;
	[sflag:s25] =	ssyncadd.s32 $0xFFFFFF80  }
0x137: {  	[spmem:s3] =	stream.indirect.scatter.add.f32 [tilespmem:s4], [sflag:$0x12], $0x80, s26, s8, $0xb8;
	[tilespmem:$0x1EE80] =	vst v63  }
0x138: {  	_ =	swait.ge [sflag:s16], $0x3200  }
0x139: {  	[sflag:s16] =	ssyncset.done $0x0  }
0x13a: {  	[sflag:s16] =	ssyncadd.s32 $0xFFFFCE00  }
0x13b: {  	_ =	swait.ge [sflag:s0], $0x80  }
0x13c: {  	[sflag:s0] =	ssyncset.done $0x0  }
0x13d: {  	s23 =	simm.s32 $0xB000;
	s10 =	sadd.s32 $0xFFFFFF00, s21;
	[sflag:s0] =	ssyncadd.s32 $0xFFFFFF80  }
0x13e: {  	[tilespmem:s4], [sflag:$0x1] =	stream.indirect.gather [hbm4b:s1+s8], $0x80, s23, s8, $0xb8;
	[tilespmem:$0x1EE80] =	vst v63  }
0x13f: {  	s23 =	sand.u32 $0xFC00, s10  }
0x140: {  	s10 =	sand.u32 $0x380, s10;
	s23 =	sadd.s32 s5, s23  }
0x141: {  	s10 =	sor.u32 s10, s23  }
0x142: {  	s10 =	sshrl.u32 s10, $0x3  }
0x143: {  	s23 =	sadd.s32 s6, s10  }
0x144: {  	[tilespmem:s24], [sflag:$0x7] =	stream.linear.gather [hbm4b:s23+s4], $0x80, $0x38;
	[tilespmem:$0x1EE80] =	vst v63  }
0x145: {  	s10 =	sadd.s32 s7, s10  }
0x146: {  	[tilespmem:s26], [sflag:$0xD] =	stream.linear.gather [hbm4b:s10+s4], $0x80, $0x38;
	[tilespmem:$0x1EE80] =	vst v63  }
0x147: {  	_ =	swait.ge [sflag:s30], $0x3200  }
0x148: {  	[sflag:s30] =	ssyncset.done $0x0  }
0x149: {  	[sflag:s30] =	ssyncadd.s32 $0xFFFFCE00  }
0x14a: {  	_ =	swait.ge [sflag:s31], $0x80  }
0x14b: {  	[sflag:s31] =	ssyncset.done $0x0  }
0x14c: {  	s23 =	simm.s32 $0xB500;
	s24 =	simm.s32 $0x3400;
	[sflag:s31] =	ssyncadd.s32 $0xFFFFFF80  }
0x14d: {  	[spmem:s3] =	stream.indirect.scatter.add.f32 [tilespmem:s24], [sflag:$0x12], $0x80, s23, s8, $0xb8;
	[tilespmem:$0x1EE80] =	vst v63  }
0x14e: {  	p4 =	sgt.u32 s22, $0xE;
	_ =	swait.ge [sflag:s16], $0x3200  }
0x14f: {  	s10 =	sadd.s32 @!p4 $0xFFFFFF80, s21;
	[sflag:s16] =	ssyncset.done $0x0  }
0x150: {  	s23 =	sand.u32 @!p4 $0x7C00, s10;
	[sflag:s16] =	ssyncadd.s32 $0xFFFFCE00  }
0x151: {  	s10 =	sand.u32 @!p4 $0x300, s10;
	s23 =	sadd.s32 @!p4 s5, s23;
	_ =	swait.ge [sflag:s9], $0x80  }
0x152: {  	s10 =	sor.u32 @!p4 s10, s23;
	[sflag:s9] =	ssyncset.done $0x0  }
0x153: {  	s26 =	simm.s32 $0xB080;
	s10 =	sshrl.u32 @!p4 s10, $0x3;
	[sflag:s9] =	ssyncadd.s32 $0xFFFFFF80  }
0x154: {  	[tilespmem:s24], [sflag:$0x2] =	stream.indirect.gather [hbm4b:s1+s8], $0x80, s26, s8, $0xb8;
	[tilespmem:$0x1EE80] =	vst v63  }
0x155: {  	s28 =	simm.s32 @!p4 $0xB200;
	s23 =	sadd.s32 @!p4 s6, s10;
	s26 =	simm.s32 @!p4 $0x0  }
0x156: {  	[tilespmem:s28], [sflag:$0x8] =	stream.linear.gather @!p4 [hbm4b:s23+s26], $0x80, $0x38;
	[tilespmem:$0x1EE80] =	vst v63  }
0x157: {  	s10 =	sadd.s32 @!p4 s7, s10;
	s23 =	simm.s32 @!p4 $0xB500  }
0x158: {  	[tilespmem:s23], [sflag:$0xE] =	stream.linear.gather @!p4 [hbm4b:s10+s26], $0x80, $0x38;
	[tilespmem:$0x1EE80] =	vst v63  }
0x159: {  	_ =	swait.ge [sflag:s18], $0x3200  }
0x15a: {  	[sflag:s18] =	ssyncset.done $0x0  }
0x15b: {  	[sflag:s18] =	ssyncadd.s32 $0xFFFFCE00  }
0x15c: {  	_ =	swait.ge [sflag:s2], $0x80  }
0x15d: {  	[sflag:s2] =	ssyncset.done $0x0  }
0x15e: {  	s24 =	simm.s32 $0xB580;
	[sflag:s2] =	ssyncadd.s32 $0xFFFFFF80  }
0x15f: {  	[spmem:s3] =	stream.indirect.scatter.add.f32 [tilespmem:s12], [sflag:$0x12], $0x80, s24, s8, $0xb8;
	[tilespmem:$0x1EE80] =	vst v63  }
0x160: {  	_ =	swait.ge [sflag:s16], $0x3200  }
0x161: {  	[sflag:s16] =	ssyncset.done $0x0  }
0x162: {  	s10 =	sand.u32 @!p4 $0x7C00, s21;
	[sflag:s16] =	ssyncadd.s32 $0xFFFFCE00  }
0x163: {  	s23 =	sand.u32 @!p4 $0x380, s21;
	s10 =	sadd.s32 @!p4 s5, s10;
	_ =	swait.ge [sflag:s11], $0x80  }
0x164: {  	s10 =	sor.u32 @!p4 s23, s10;
	[sflag:s11] =	ssyncset.done $0x0  }
0x165: {  	s10 =	sshrl.u32 @!p4 s10, $0x3;
	[sflag:s11] =	ssyncadd.s32 $0xFFFFFF80  }
0x166: {  	[tilespmem:s12], [sflag:$0x3] =	stream.indirect.gather [hbm4b:s1+s8], $0x80, s29, s8, $0xb8;
	[tilespmem:$0x1EE80] =	vst v63  }
0x167: {  	s28 =	simm.s32 @!p4 $0xB280;
	s23 =	sadd.s32 @!p4 s6, s10  }
0x168: {  	[tilespmem:s28], [sflag:$0x9] =	stream.linear.gather @!p4 [hbm4b:s23+s26], $0x80, $0x38;
	[tilespmem:$0x1EE80] =	vst v63  }
0x169: {  	s21 =	sadd.s32 $0x300, s21;
	s10 =	sadd.s32 @!p4 s7, s10;
	s23 =	simm.s32 @!p4 $0xB580  }
0x16a: {  	[tilespmem:s23], [sflag:$0xF] =	stream.linear.gather @!p4 [hbm4b:s10+s26], $0x80, $0x38;
	[tilespmem:$0x1EE80] =	vst v63  }
0x16b: {  	p4 =	sne.s32 s21, $0x3880  }
.Ltmp4:
0x16c: {  	_ = 	snop;
	(pc) =	sbr.rel @p4 .LBB2_4-.Ltmp4, $4  }
.Ltmp5:
0x16d: {  	_ = 	snop;
	(pc) =	sbr.rel @!p4 .LBB2_6-.Ltmp5, $4  }
0x16e: {  	_ = 	snop  }
0x16f: {  	_ = 	snop  }
0x170: {  	s22 =	sadd.s32 $0x1, s22;
	s28 =	simm.s32 $0xB180  }
0x171: {  	_ = 	snop  }
.LBB2_7:
0x172: {  	_ =	sfence.sel $0x180000  }
0x173: {  	[bflag:$0x0] =	sbarrier.arrive $0xFFFF  }
0x174: {  	_ =	strace $0x9000004A  }
0x175: {  	s0 =	stileid.u32;
	[bflag:$0x2] =	sbarrier.arrive $0xFFFF  }
0x176: {  	p0 =	sne.s32 s0, $0x0;
	s0 =	rddreg [dreg:$0x3]  }
0x177: {  	s0 =	sadd.s32 @!p0 $0x100000, s0  }
0x178: {  	[sflag:s0] =	ssyncadd.tile.s32 @!p0 $0x1;
	_ =	shalt  }
.Lfunc_end2:
_tile_overlayer_lowered:
.L_overlay_start_2:
0x179: {  	(tag) =	ssettag $0x2  }
0x17a: {  	s0 =	rddreg [dreg:$0x0];
	s2 =	stileid.u32  }
0x17b: {  	s1 =	rddreg [dreg:$0x1];
	p0 =	sne.s32 s2, $0x0  }
0x17c: {  	s3 =	rddreg [dreg:$0x2];
	[bflag:$0x3] =	sbarrier.arrive $0xFFFF;
	s2 =	simm.s32 @!p0 $0x1C12  }
0x17d: {  	[timem:s3], [sflag:s2] =	dma.local @!p0 [hbm:s0], s1  }
0x17e: {  	s0 =	simm.s32 @!p0 $0x12  }
0x17f: {  	_ =	swait.ge @!p0 [sflag:s0], s1  }
0x180: {  	s1 =	ssub.s32 @!p0 $0x0, s1;
	[sflag:s0] =	ssyncset.done @!p0 $0x0  }
0x181: {  	[sflag:s0] =	ssyncadd.s32 @!p0 s1  }
0x182: {  	[bflag:$0x3] =	sbarrier.arrive $0xFFFF  }
0x183: {  	_ =	shalt  }

</sc_bundles>
